<compile_context>
chip_gen: v7x
topology: tpu7x:2x2x1
jax: 0.10.2.dev20260603
libtpu: 0.0.44.dev20260713+nightly
codegen_flags: <defaults>
</compile_context>

<pallas_src>
import functools

import jax
import jax.numpy as jnp
from jax import lax
from jax.experimental import pallas as pl
from jax.experimental.pallas import tpu as pltpu
from jax.experimental.pallas import tpu_sc as plsc

_N = 10000
_E = 320000
_NACC = 10240
_NW = 32
_CH = 128
_EPW = 10112
_EPAD = _NW * _EPW
_NCHUNK = _EPW // _CH
_RPT = _NACC // 16

_mesh = plsc.VectorSubcoreMesh(core_axis_name="c", subcore_axis_name="s")



_RED = _NACC // 10


@functools.partial(
    pl.kernel,
    out_type=jax.ShapeDtypeStruct((2 * _NACC,), jnp.float32),
    mesh=_mesh,
    scratch_types=[
        pltpu.VMEM((_CH,), jnp.int32),
        pltpu.VMEM((_NACC,), jnp.float32),
        pltpu.VMEM((_RED,), jnp.float32),
        pltpu.VMEM((_RED,), jnp.float32),
        pltpu.VMEM_SHARED((16, _NACC), jnp.float32),
    ],
    compiler_params=pltpu.CompilerParams(needs_layout_passes=False),
)
def _deg_kernel(dst_hbm, out_hbm, dst_v, degp_v, tmp_v, red_v, stage_sh):
    cid = lax.axis_index("c")
    sid = lax.axis_index("s")
    wid = sid * 2 + cid
    ones16 = jnp.full((16,), 1.0, jnp.float32)
    zeros16 = jnp.zeros((16,), jnp.float32)

    def _zero(t, carry):
        degp_v[pl.ds(t * 16, 16)] = zeros16
        return carry

    lax.fori_loop(0, _NACC // 16, _zero, 0)

    base = wid * _EPW

    def _body(i, carry):
        pltpu.sync_copy(dst_hbm.at[pl.ds(base + i * _CH, _CH)], dst_v)
        for j in range(_CH // 16):
            idx = dst_v[pl.ds(j * 16, 16)]
            plsc.addupdate_scatter(degp_v, [idx], ones16)
        return carry

    lax.fori_loop(0, _NCHUNK, _body, 0)

    pltpu.sync_copy(degp_v, stage_sh.at[sid])
    plsc.subcore_barrier()

    @pl.when(sid < _NACC // _RED)
    def _():
        def _zr(j, carry):
            red_v[pl.ds(j * 16, 16)] = zeros16
            return carry

        lax.fori_loop(0, _RED // 16, _zr, 0)
        for t in range(16):
            pltpu.sync_copy(stage_sh.at[t, pl.ds(sid * _RED, _RED)], tmp_v)

            def _acc(j, carry):
                s = pl.ds(j * 16, 16)
                red_v[s] = red_v[s] + tmp_v[s]
                return carry

            lax.fori_loop(0, _RED // 16, _acc, 0)
        pltpu.sync_copy(
            red_v, out_hbm.at[pl.ds(cid * _NACC + sid * _RED, _RED)])


@functools.partial(
    pl.kernel,
    out_type=jax.ShapeDtypeStruct((2, _NACC, 128), jnp.float32),
    mesh=_mesh,
    scratch_types=[
        pltpu.VMEM((_CH,), jnp.int32),
        pltpu.VMEM((_CH,), jnp.int32),
        pltpu.VMEM((_CH, 128), jnp.float32),
        pltpu.VMEM_SHARED((_NACC, 128), jnp.float32),
        pltpu.SemaphoreType.DMA,
    ],
)
def _scatter_kernel(g_hbm, src_hbm, dst_hbm, out_hbm,
                    src_v, dst_v, rows_v, acc_sh, sem):
    cid = lax.axis_index("c")
    sid = lax.axis_index("s")
    wid = sid * 2 + cid
    zeros16 = jnp.zeros((16,), jnp.float32)

    def _zero(t, carry):
        rows_v[t // 8, pl.ds((t % 8) * 16, 16)] = zeros16
        return carry

    lax.fori_loop(0, _CH * 8, _zero, 0)
    for k in range(_RPT // _CH):
        pltpu.sync_copy(rows_v, acc_sh.at[pl.ds(sid * _RPT + k * _CH, _CH)])
    plsc.subcore_barrier()

    base = wid * _EPW

    def _body(i, carry):
        pltpu.sync_copy(src_hbm.at[pl.ds(base + i * _CH, _CH)], src_v)
        pltpu.sync_copy(dst_hbm.at[pl.ds(base + i * _CH, _CH)], dst_v)
        pltpu.async_copy(g_hbm.at[src_v], rows_v, sem).wait()
        pltpu.sync_copy(rows_v, acc_sh.at[dst_v], add=True)
        return carry

    lax.fori_loop(0, _NCHUNK, _body, 0)
    plsc.subcore_barrier()

    for k in range(_RPT // _CH):
        r0 = sid * _RPT + k * _CH
        pltpu.sync_copy(acc_sh.at[pl.ds(r0, _CH)], rows_v)
        pltpu.sync_copy(rows_v, out_hbm.at[cid, pl.ds(r0, _CH)])



_BLK = 1000


def _dinv_from(deg_ref):
    d = deg_ref[...]
    return lax.rsqrt(d[:, 0:1] + d[:, 1:2] + 1.0)


def _tc1_body(x_ref, w1_ref, deg_ref, g1_ref):
    dinv = _dinv_from(deg_ref)
    h = jnp.dot(x_ref[...], w1_ref[...], preferred_element_type=jnp.float32)
    g1_ref[...] = h * dinv


def _tc2_body(p0_ref, p1_ref, g1_ref, deg_ref, b1_ref, w2_ref, g2_ref):
    dinv = _dinv_from(deg_ref)
    h1 = (p0_ref[0] + p1_ref[0] + g1_ref[...]) * dinv + b1_ref[...]
    h1 = jnp.maximum(h1, 0.0)
    h2 = jnp.dot(h1, w2_ref[...], preferred_element_type=jnp.float32)
    g2_ref[...] = jnp.concatenate([h2 * dinv, jnp.zeros_like(h2)], axis=1)


def _tc3_body(q0_ref, q1_ref, g2_ref, deg_ref, b2_ref, wl_ref, bl_ref,
              out_ref):
    dinv = _dinv_from(deg_ref)
    acc = q0_ref[0][:, 0:64] + q1_ref[0][:, 0:64] + g2_ref[:, 0:64]
    h2 = acc * dinv + b2_ref[...]
    f = jnp.dot(h2, wl_ref[...], preferred_element_type=jnp.float32)
    f = f + bl_ref[...]
    m = jnp.max(f, axis=1, keepdims=True)
    e = jnp.exp(f - m)
    out_ref[...] = (f - m) - jnp.log(jnp.sum(e, axis=1, keepdims=True))


def _row_spec(w):
    return pl.BlockSpec((_BLK, w), lambda i: (i, 0))


def _full_spec(shape):
    nd = len(shape)
    return pl.BlockSpec(shape, lambda i: (0,) * nd)


def _part_spec(j, w):
    return pl.BlockSpec((1, _BLK, w), lambda i, j=j: (j, i, 0))


_tc1 = pl.pallas_call(
    _tc1_body,
    grid=(_N // _BLK,),
    in_specs=[_row_spec(128), _full_spec((128, 128)), _row_spec(2)],
    out_specs=_row_spec(128),
    out_shape=jax.ShapeDtypeStruct((_N, 128), jnp.float32),
)

_tc2 = pl.pallas_call(
    _tc2_body,
    grid=(_N // _BLK,),
    in_specs=[_part_spec(0, 128), _part_spec(1, 128), _row_spec(128),
              _row_spec(2), _full_spec((1, 128)), _full_spec((128, 64))],
    out_specs=_row_spec(128),
    out_shape=jax.ShapeDtypeStruct((_N, 128), jnp.float32),
)

_tc3 = pl.pallas_call(
    _tc3_body,
    grid=(_N // _BLK,),
    in_specs=[_part_spec(0, 128), _part_spec(1, 128), _row_spec(128),
              _row_spec(2), _full_spec((1, 64)), _full_spec((64, 64)),
              _full_spec((1, 64))],
    out_specs=_row_spec(64),
    out_shape=jax.ShapeDtypeStruct((_N, 64), jnp.float32),
)



def kernel(x, edge_index, W1, b1, W2, b2, Wlin, blin):
    pad = _EPAD - _E
    src = jnp.concatenate([edge_index[0], jnp.zeros((pad,), jnp.int32)])
    dst = jnp.concatenate([edge_index[1], jnp.full((pad,), _N, jnp.int32)])

    deg_parts = _deg_kernel(dst)
    deg_t = deg_parts.reshape(2, _NACC).T

    g1 = _tc1(x, W1, deg_t)
    p = _scatter_kernel(g1, src, dst)
    g2 = _tc2(p, p, g1, deg_t, b1.reshape(1, 128), W2)
    q = _scatter_kernel(g2, src, dst)
    return _tc3(q, q, g2, deg_t, b2.reshape(1, 64), Wlin,
                blin.reshape(1, 64))

# --- scband reference (transcript-rebuilt; emitter-appended) ---
"""Pipeline reference for scband-gcn0000-20469814133394 (READ-ONLY COPY).

The authoritative reference and input builder live on the scoring server;
editing this copy changes nothing except your own understanding.
"""

import jax, jax.numpy as jnp
import numpy as np

N = 10000
E = 320000
D_IN = 128
D_HID = 128
D_OUT = 64


def setup_inputs(seed: int = 0) -> dict:
    key = jax.random.key(seed)
    ks = jax.random.split(key, 8)
    x = jax.random.normal(ks[0], (N, D_IN), dtype=jnp.float32)
    edge_index = jax.random.randint(ks[1], (2, E), 0, N, dtype=jnp.int32)
    W1 = jax.random.normal(ks[2], (D_IN, D_HID), dtype=jnp.float32) * (1.0 / np.sqrt(D_IN))
    b1 = jnp.zeros((D_HID,), dtype=jnp.float32)
    W2 = jax.random.normal(ks[3], (D_HID, D_OUT), dtype=jnp.float32) * (1.0 / np.sqrt(D_HID))
    b2 = jnp.zeros((D_OUT,), dtype=jnp.float32)
    Wlin = jax.random.normal(ks[4], (D_OUT, D_OUT), dtype=jnp.float32) * (1.0 / np.sqrt(D_OUT))
    blin = jnp.zeros((D_OUT,), dtype=jnp.float32)
    return {"x": x, "edge_index": edge_index, "W1": W1, "b1": b1, "W2": W2, "b2": b2, "Wlin": Wlin, "blin": blin}


def _gcn_conv(x, src, dst, norm, W, b, num_nodes):
    # GCNConv: h = x @ W; propagate with symmetric normalization; add bias
    h = x @ W
    msg = h[src] * norm[:, None]
    out = jnp.zeros((num_nodes, h.shape[1]), dtype=h.dtype).at[dst].add(msg)
    return out + b


def _build_norm(edge_index, num_nodes):
    # add self-loops and compute symmetric normalization D^-1/2 (A+I) D^-1/2
    loop = jnp.arange(num_nodes, dtype=edge_index.dtype)
    src = jnp.concatenate([edge_index[0], loop])
    dst = jnp.concatenate([edge_index[1], loop])
    deg = jnp.zeros((num_nodes,), dtype=jnp.float32).at[dst].add(1.0)
    dinv = jax.lax.rsqrt(deg)
    norm = dinv[src] * dinv[dst]
    return src, dst, norm


def reference(x, edge_index, W1, b1, W2, b2, Wlin, blin):
    num_nodes = x.shape[0]
    src, dst, norm = _build_norm(edge_index, num_nodes)
    h1 = _gcn_conv(x, src, dst, norm, W1, b1, num_nodes)
    h1 = jax.nn.relu(h1)  # dropout is identity in eval mode
    h2 = _gcn_conv(h1, src, dst, norm, W2, b2, num_nodes)
    final_h = h2 @ Wlin + blin
    return jax.nn.log_softmax(final_h, axis=1)

if __name__ == "__main__":
    import jax
    _d = setup_inputs()
    print(jax.jit(kernel)(*tuple(_d.values())))

</pallas_src>

<mosaic_0001>
#map = affine_map<(d0, d1) -> (0, 0)>
#map1 = affine_map<(d0, d1) -> (0)>
#map2 = affine_map<(d0, d1) -> (0, 0, 0)>
module attributes {stable_mosaic.version = 14 : i64} {
  func.func @_scatter_kernel(%arg0: i32, %arg1: i32, %arg2: memref<10000x128xf32, #tpu.memory_space<hbm>>, %arg3: memref<323584xi32, #tpu.memory_space<hbm>>, %arg4: memref<323584xi32, #tpu.memory_space<hbm>>, %arg5: memref<2x10240x128xf32, #tpu.memory_space<hbm>>, %arg6: memref<128xi32, #tpu.memory_space<vmem>>, %arg7: memref<128xi32, #tpu.memory_space<vmem>>, %arg8: memref<128x128xf32, #tpu.memory_space<vmem>>, %arg9: memref<10240x128xf32, #tpu.memory_space<vmem_shared>>, %arg10: memref<!tpu.dma_semaphore, #tpu.memory_space<semaphore_mem>>) attributes {dimension_semantics = [#tpu.dimension_semantics<core_parallel>, #tpu.dimension_semantics<subcore_parallel>], iteration_bounds = array<i64: 2, 16>, scalar_prefetch = 0 : i64, scratch_operands = 5 : i64, tpu.core_type = #tpu.core_type<sc_vector_subcore>, window_params = [{transform_indices = #map}, {transform_indices = #map1}, {transform_indices = #map1}, {transform_indices = #map2}]} {
    %mul3A = arith.constant 2 : i32
    %mul3A_0 = arith.muli %arg1, %mul3A : i32
    %add3A = arith.addi %mul3A_0, %arg0 : i32
    %broadcast_in_dim3A = arith.constant 0.000000e+00 : f32
    %broadcast_in_dim3A_1 = vector.broadcast %broadcast_in_dim3A : f32 to vector<16xf32>
    %scan3A = arith.constant 0 : i32
    %scan3A_2 = arith.constant 0 : i32
    %scan3A_3 = arith.constant 1024 : i32
    %scan3A_4 = arith.addi %scan3A_2, %scan3A_3 : i32
    %scan3A_5 = arith.constant 1 : i32
    scf.for %scan3A_56 = %scan3A_2 to %scan3A_4 step %scan3A_5  : i32 {
      %jit3A = arith.constant 8 : i32
      %div3A = arith.divsi %scan3A_56, %jit3A : i32
      %sign3A = arith.constant 0 : i32
      %sign3A_57 = arith.cmpi sgt, %scan3A_56, %sign3A : i32
      %sign3A_58 = arith.extui %sign3A_57 : i1 to i32
      %sign3A_59 = arith.constant 0 : i32
      %sign3A_60 = arith.cmpi slt, %scan3A_56, %sign3A_59 : i32
      %sign3A_61 = arith.extui %sign3A_60 : i1 to i32
      %sign3A_62 = arith.subi %sign3A_58, %sign3A_61 : i32
      %sign3A_63 = arith.constant 0 : i32
      %sign3A_64 = arith.cmpi sgt, %jit3A, %sign3A_63 : i32
      %sign3A_65 = arith.extui %sign3A_64 : i1 to i32
      %sign3A_66 = arith.constant 0 : i32
      %sign3A_67 = arith.cmpi slt, %jit3A, %sign3A_66 : i32
      %sign3A_68 = arith.extui %sign3A_67 : i1 to i32
      %sign3A_69 = arith.subi %sign3A_65, %sign3A_68 : i32
      %ne3A = arith.cmpi ne, %sign3A_62, %sign3A_69 : i32
      %rem3A = arith.remsi %scan3A_56, %jit3A : i32
      %ne3A_70 = arith.constant 0 : i32
      %ne3A_71 = arith.cmpi ne, %rem3A, %ne3A_70 : i32
      %and3A = arith.andi %ne3A, %ne3A_71 : i1
      %sub3A = arith.constant 1 : i32
      %sub3A_72 = arith.subi %div3A, %sub3A : i32
      %select_n3A = arith.select %and3A, %sub3A_72, %div3A : i32
      %jit3A_73 = arith.constant 8 : i32
      %eq3A = arith.constant 0 : i32
      %eq3A_74 = arith.cmpi eq, %jit3A_73, %eq3A : i32
      %jit3A_75 = arith.constant 1 : i32
      %select_n3A_76 = arith.select %eq3A_74, %jit3A_75, %jit3A_73 : i32
      %rem3A_77 = arith.remsi %scan3A_56, %select_n3A_76 : i32
      %ne3A_78 = arith.constant 0 : i32
      %ne3A_79 = arith.cmpi ne, %rem3A_77, %ne3A_78 : i32
      %lt3A = arith.constant 0 : i32
      %lt3A_80 = arith.cmpi slt, %rem3A_77, %lt3A : i32
      %lt3A_81 = arith.constant 0 : i32
      %lt3A_82 = arith.cmpi slt, %select_n3A_76, %lt3A_81 : i32
      %ne3A_83 = arith.xori %lt3A_80, %lt3A_82 : i1
      %and3A_84 = arith.andi %ne3A_83, %ne3A_79 : i1
      %add3A_85 = arith.addi %rem3A_77, %select_n3A_76 : i32
      %select_n3A_86 = arith.select %and3A_84, %add3A_85, %rem3A_77 : i32
      %mul3A_87 = arith.constant 16 : i32
      %mul3A_88 = arith.muli %select_n3A_86, %mul3A_87 : i32
      %swap3A = arith.index_cast %select_n3A : i32 to index
      %swap3A_89 = arith.index_cast %mul3A_88 : i32 to index
      %swap3A_90 = tpu.vector_load %arg8[%swap3A, %swap3A_89] {strides = array<i32>} : memref<128x128xf32, #tpu.memory_space<vmem>>, vector<1x16xf32>,
      %swap3A_91 = vector.shape_cast %swap3A_90 : vector<1x16xf32> to vector<16xf32>
      %swap3A_92 = vector.shape_cast %broadcast_in_dim3A_1 : vector<16xf32> to vector<1x16xf32>
      tpu.vector_store %arg8[%swap3A, %swap3A_89], %swap3A_92 {strides = array<i32>} : memref<128x128xf32, #tpu.memory_space<vmem>>, vector<1x16xf32>,
    }
    %scan3A_6 = arith.constant 1024 : i32
    %mul3A_7 = arith.constant 640 : i32
    %mul3A_8 = arith.muli %arg1, %mul3A_7 : i32
    %add3A_9 = arith.constant 0 : i32
    %add3A_10 = arith.addi %mul3A_8, %add3A_9 : i32
    "tpu.region"() ({
      %run_scoped3A = tpu.sem_alloc : memref<!tpu.dma_semaphore, #tpu.memory_space<semaphore_mem>>
      %dma_start3A = arith.constant 0 : i32
      %dma_start3A_56 = tpu.memref_slice %arg9[%add3A_10, %dma_start3A] : memref<10240x128xf32, #tpu.memory_space<vmem_shared>> -> memref<128x128xf32, #tpu.memory_space<vmem_shared>>
      %dma_start3A_57 = arith.constant 0 : i32
      %dma_start3A_58 = tpu.memref_slice %arg9[%add3A_10, %dma_start3A_57] : memref<10240x128xf32, #tpu.memory_space<vmem_shared>> -> memref<128x128xf32, #tpu.memory_space<vmem_shared>>
      tpu.enqueue_dma source(%arg8 : memref<128x128xf32, #tpu.memory_space<vmem>>) target(%dma_start3A_58 : memref<128x128xf32, #tpu.memory_space<vmem_shared>>) target_semaphore(%run_scoped3A : memref<!tpu.dma_semaphore, #tpu.memory_space<semaphore_mem>>)
      %dma_wait3A = arith.constant 0 : i32
      %dma_wait3A_59 = tpu.memref_slice %arg9[%add3A_10, %dma_wait3A] : memref<10240x128xf32, #tpu.memory_space<vmem_shared>> -> memref<128x128xf32, #tpu.memory_space<vmem_shared>>
      %dma_wait3A_60 = arith.constant 0 : i32
      %dma_wait3A_61 = tpu.memref_slice %arg9[%add3A_10, %dma_wait3A_60] : memref<10240x128xf32, #tpu.memory_space<vmem_shared>> -> memref<128x128xf32, #tpu.memory_space<vmem_shared>>
      tpu.wait_dma2 semaphore(%run_scoped3A : memref<!tpu.dma_semaphore, #tpu.memory_space<semaphore_mem>>) src(%arg8 : memref<128x128xf32, #tpu.memory_space<vmem>>) dst(%dma_wait3A_61 : memref<128x128xf32, #tpu.memory_space<vmem_shared>>)
      tpu.yield
    }) : () -> ()
    %mul3A_11 = arith.constant 640 : i32
    %mul3A_12 = arith.muli %arg1, %mul3A_11 : i32
    %add3A_13 = arith.constant 128 : i32
    %add3A_14 = arith.addi %mul3A_12, %add3A_13 : i32
    "tpu.region"() ({
      %run_scoped3A = tpu.sem_alloc : memref<!tpu.dma_semaphore, #tpu.memory_space<semaphore_mem>>
      %dma_start3A = arith.constant 0 : i32
      %dma_start3A_56 = tpu.memref_slice %arg9[%add3A_14, %dma_start3A] : memref<10240x128xf32, #tpu.memory_space<vmem_shared>> -> memref<128x128xf32, #tpu.memory_space<vmem_shared>>
      %dma_start3A_57 = arith.constant 0 : i32
      %dma_start3A_58 = tpu.memref_slice %arg9[%add3A_14, %dma_start3A_57] : memref<10240x128xf32, #tpu.memory_space<vmem_shared>> -> memref<128x128xf32, #tpu.memory_space<vmem_shared>>
      tpu.enqueue_dma source(%arg8 : memref<128x128xf32, #tpu.memory_space<vmem>>) target(%dma_start3A_58 : memref<128x128xf32, #tpu.memory_space<vmem_shared>>) target_semaphore(%run_scoped3A : memref<!tpu.dma_semaphore, #tpu.memory_space<semaphore_mem>>)
      %dma_wait3A = arith.constant 0 : i32
      %dma_wait3A_59 = tpu.memref_slice %arg9[%add3A_14, %dma_wait3A] : memref<10240x128xf32, #tpu.memory_space<vmem_shared>> -> memref<128x128xf32, #tpu.memory_space<vmem_shared>>
      %dma_wait3A_60 = arith.constant 0 : i32
      %dma_wait3A_61 = tpu.memref_slice %arg9[%add3A_14, %dma_wait3A_60] : memref<10240x128xf32, #tpu.memory_space<vmem_shared>> -> memref<128x128xf32, #tpu.memory_space<vmem_shared>>
      tpu.wait_dma2 semaphore(%run_scoped3A : memref<!tpu.dma_semaphore, #tpu.memory_space<semaphore_mem>>) src(%arg8 : memref<128x128xf32, #tpu.memory_space<vmem>>) dst(%dma_wait3A_61 : memref<128x128xf32, #tpu.memory_space<vmem_shared>>)
      tpu.yield
    }) : () -> ()
    %mul3A_15 = arith.constant 640 : i32
    %mul3A_16 = arith.muli %arg1, %mul3A_15 : i32
    %add3A_17 = arith.constant 256 : i32
    %add3A_18 = arith.addi %mul3A_16, %add3A_17 : i32
    "tpu.region"() ({
      %run_scoped3A = tpu.sem_alloc : memref<!tpu.dma_semaphore, #tpu.memory_space<semaphore_mem>>
      %dma_start3A = arith.constant 0 : i32
      %dma_start3A_56 = tpu.memref_slice %arg9[%add3A_18, %dma_start3A] : memref<10240x128xf32, #tpu.memory_space<vmem_shared>> -> memref<128x128xf32, #tpu.memory_space<vmem_shared>>
      %dma_start3A_57 = arith.constant 0 : i32
      %dma_start3A_58 = tpu.memref_slice %arg9[%add3A_18, %dma_start3A_57] : memref<10240x128xf32, #tpu.memory_space<vmem_shared>> -> memref<128x128xf32, #tpu.memory_space<vmem_shared>>
      tpu.enqueue_dma source(%arg8 : memref<128x128xf32, #tpu.memory_space<vmem>>) target(%dma_start3A_58 : memref<128x128xf32, #tpu.memory_space<vmem_shared>>) target_semaphore(%run_scoped3A : memref<!tpu.dma_semaphore, #tpu.memory_space<semaphore_mem>>)
      %dma_wait3A = arith.constant 0 : i32
      %dma_wait3A_59 = tpu.memref_slice %arg9[%add3A_18, %dma_wait3A] : memref<10240x128xf32, #tpu.memory_space<vmem_shared>> -> memref<128x128xf32, #tpu.memory_space<vmem_shared>>
      %dma_wait3A_60 = arith.constant 0 : i32
      %dma_wait3A_61 = tpu.memref_slice %arg9[%add3A_18, %dma_wait3A_60] : memref<10240x128xf32, #tpu.memory_space<vmem_shared>> -> memref<128x128xf32, #tpu.memory_space<vmem_shared>>
      tpu.wait_dma2 semaphore(%run_scoped3A : memref<!tpu.dma_semaphore, #tpu.memory_space<semaphore_mem>>) src(%arg8 : memref<128x128xf32, #tpu.memory_space<vmem>>) dst(%dma_wait3A_61 : memref<128x128xf32, #tpu.memory_space<vmem_shared>>)
      tpu.yield
    }) : () -> ()
    %mul3A_19 = arith.constant 640 : i32
    %mul3A_20 = arith.muli %arg1, %mul3A_19 : i32
    %add3A_21 = arith.constant 384 : i32
    %add3A_22 = arith.addi %mul3A_20, %add3A_21 : i32
    "tpu.region"() ({
      %run_scoped3A = tpu.sem_alloc : memref<!tpu.dma_semaphore, #tpu.memory_space<semaphore_mem>>
      %dma_start3A = arith.constant 0 : i32
      %dma_start3A_56 = tpu.memref_slice %arg9[%add3A_22, %dma_start3A] : memref<10240x128xf32, #tpu.memory_space<vmem_shared>> -> memref<128x128xf32, #tpu.memory_space<vmem_shared>>
      %dma_start3A_57 = arith.constant 0 : i32
      %dma_start3A_58 = tpu.memref_slice %arg9[%add3A_22, %dma_start3A_57] : memref<10240x128xf32, #tpu.memory_space<vmem_shared>> -> memref<128x128xf32, #tpu.memory_space<vmem_shared>>
      tpu.enqueue_dma source(%arg8 : memref<128x128xf32, #tpu.memory_space<vmem>>) target(%dma_start3A_58 : memref<128x128xf32, #tpu.memory_space<vmem_shared>>) target_semaphore(%run_scoped3A : memref<!tpu.dma_semaphore, #tpu.memory_space<semaphore_mem>>)
      %dma_wait3A = arith.constant 0 : i32
      %dma_wait3A_59 = tpu.memref_slice %arg9[%add3A_22, %dma_wait3A] : memref<10240x128xf32, #tpu.memory_space<vmem_shared>> -> memref<128x128xf32, #tpu.memory_space<vmem_shared>>
      %dma_wait3A_60 = arith.constant 0 : i32
      %dma_wait3A_61 = tpu.memref_slice %arg9[%add3A_22, %dma_wait3A_60] : memref<10240x128xf32, #tpu.memory_space<vmem_shared>> -> memref<128x128xf32, #tpu.memory_space<vmem_shared>>
      tpu.wait_dma2 semaphore(%run_scoped3A : memref<!tpu.dma_semaphore, #tpu.memory_space<semaphore_mem>>) src(%arg8 : memref<128x128xf32, #tpu.memory_space<vmem>>) dst(%dma_wait3A_61 : memref<128x128xf32, #tpu.memory_space<vmem_shared>>)
      tpu.yield
    }) : () -> ()
    %mul3A_23 = arith.constant 640 : i32
    %mul3A_24 = arith.muli %arg1, %mul3A_23 : i32
    %add3A_25 = arith.constant 512 : i32
    %add3A_26 = arith.addi %mul3A_24, %add3A_25 : i32
    "tpu.region"() ({
      %run_scoped3A = tpu.sem_alloc : memref<!tpu.dma_semaphore, #tpu.memory_space<semaphore_mem>>
      %dma_start3A = arith.constant 0 : i32
      %dma_start3A_56 = tpu.memref_slice %arg9[%add3A_26, %dma_start3A] : memref<10240x128xf32, #tpu.memory_space<vmem_shared>> -> memref<128x128xf32, #tpu.memory_space<vmem_shared>>
      %dma_start3A_57 = arith.constant 0 : i32
      %dma_start3A_58 = tpu.memref_slice %arg9[%add3A_26, %dma_start3A_57] : memref<10240x128xf32, #tpu.memory_space<vmem_shared>> -> memref<128x128xf32, #tpu.memory_space<vmem_shared>>
      tpu.enqueue_dma source(%arg8 : memref<128x128xf32, #tpu.memory_space<vmem>>) target(%dma_start3A_58 : memref<128x128xf32, #tpu.memory_space<vmem_shared>>) target_semaphore(%run_scoped3A : memref<!tpu.dma_semaphore, #tpu.memory_space<semaphore_mem>>)
      %dma_wait3A = arith.constant 0 : i32
      %dma_wait3A_59 = tpu.memref_slice %arg9[%add3A_26, %dma_wait3A] : memref<10240x128xf32, #tpu.memory_space<vmem_shared>> -> memref<128x128xf32, #tpu.memory_space<vmem_shared>>
      %dma_wait3A_60 = arith.constant 0 : i32
      %dma_wait3A_61 = tpu.memref_slice %arg9[%add3A_26, %dma_wait3A_60] : memref<10240x128xf32, #tpu.memory_space<vmem_shared>> -> memref<128x128xf32, #tpu.memory_space<vmem_shared>>
      tpu.wait_dma2 semaphore(%run_scoped3A : memref<!tpu.dma_semaphore, #tpu.memory_space<semaphore_mem>>) src(%arg8 : memref<128x128xf32, #tpu.memory_space<vmem>>) dst(%dma_wait3A_61 : memref<128x128xf32, #tpu.memory_space<vmem_shared>>)
      tpu.yield
    }) : () -> ()
    %barrier3A = arith.constant 0 : index
    tpu.barrier barrier_id(%barrier3A)
    %mul3A_27 = arith.constant 10112 : i32
    %mul3A_28 = arith.muli %add3A, %mul3A_27 : i32
    %scan3A_29 = arith.constant 0 : i32
    %scan3A_30 = arith.constant 0 : i32
    %scan3A_31 = arith.constant 79 : i32
    %scan3A_32 = arith.addi %scan3A_30, %scan3A_31 : i32
    %scan3A_33 = arith.constant 1 : i32
    scf.for %scan3A_56 = %scan3A_30 to %scan3A_32 step %scan3A_33  : i32 {
      %mul3A_57 = arith.constant 128 : i32
      %mul3A_58 = arith.muli %scan3A_56, %mul3A_57 : i32
      %add3A_59 = arith.addi %mul3A_28, %mul3A_58 : i32
      "tpu.region"() ({
        %run_scoped3A = tpu.sem_alloc : memref<!tpu.dma_semaphore, #tpu.memory_space<semaphore_mem>>
        %dma_start3A_67 = tpu.memref_slice %arg3[%add3A_59] : memref<323584xi32, #tpu.memory_space<hbm>> -> memref<128xi32, #tpu.memory_space<hbm>>
        %dma_start3A_68 = tpu.memref_slice %arg3[%add3A_59] : memref<323584xi32, #tpu.memory_space<hbm>> -> memref<128xi32, #tpu.memory_space<hbm>>
        tpu.enqueue_dma source(%dma_start3A_68 : memref<128xi32, #tpu.memory_space<hbm>>) target(%arg6 : memref<128xi32, #tpu.memory_space<vmem>>) target_semaphore(%run_scoped3A : memref<!tpu.dma_semaphore, #tpu.memory_space<semaphore_mem>>)
        %dma_wait3A_69 = tpu.memref_slice %arg3[%add3A_59] : memref<323584xi32, #tpu.memory_space<hbm>> -> memref<128xi32, #tpu.memory_space<hbm>>
        %dma_wait3A_70 = tpu.memref_slice %arg3[%add3A_59] : memref<323584xi32, #tpu.memory_space<hbm>> -> memref<128xi32, #tpu.memory_space<hbm>>
        tpu.wait_dma2 semaphore(%run_scoped3A : memref<!tpu.dma_semaphore, #tpu.memory_space<semaphore_mem>>) src(%dma_wait3A_70 : memref<128xi32, #tpu.memory_space<hbm>>) dst(%arg6 : memref<128xi32, #tpu.memory_space<vmem>>)
        tpu.yield
      }) : () -> ()
      %mul3A_60 = arith.constant 128 : i32
      %mul3A_61 = arith.muli %scan3A_56, %mul3A_60 : i32
      %add3A_62 = arith.addi %mul3A_28, %mul3A_61 : i32
      "tpu.region"() ({
        %run_scoped3A = tpu.sem_alloc : memref<!tpu.dma_semaphore, #tpu.memory_space<semaphore_mem>>
        %dma_start3A_67 = tpu.memref_slice %arg4[%add3A_62] : memref<323584xi32, #tpu.memory_space<hbm>> -> memref<128xi32, #tpu.memory_space<hbm>>
        %dma_start3A_68 = tpu.memref_slice %arg4[%add3A_62] : memref<323584xi32, #tpu.memory_space<hbm>> -> memref<128xi32, #tpu.memory_space<hbm>>
        tpu.enqueue_dma source(%dma_start3A_68 : memref<128xi32, #tpu.memory_space<hbm>>) target(%arg7 : memref<128xi32, #tpu.memory_space<vmem>>) target_semaphore(%run_scoped3A : memref<!tpu.dma_semaphore, #tpu.memory_space<semaphore_mem>>)
        %dma_wait3A_69 = tpu.memref_slice %arg4[%add3A_62] : memref<323584xi32, #tpu.memory_space<hbm>> -> memref<128xi32, #tpu.memory_space<hbm>>
        %dma_wait3A_70 = tpu.memref_slice %arg4[%add3A_62] : memref<323584xi32, #tpu.memory_space<hbm>> -> memref<128xi32, #tpu.memory_space<hbm>>
        tpu.wait_dma2 semaphore(%run_scoped3A : memref<!tpu.dma_semaphore, #tpu.memory_space<semaphore_mem>>) src(%dma_wait3A_70 : memref<128xi32, #tpu.memory_space<hbm>>) dst(%arg7 : memref<128xi32, #tpu.memory_space<vmem>>)
        tpu.yield
      }) : () -> ()
      %dma_start3A = arith.constant 0 : i32
      %dma_start3A_63 = arith.constant 0 : i32
      %dma_start3A_64 = tpu.memref_slice %arg2[%dma_start3A, %dma_start3A_63] : memref<10000x128xf32, #tpu.memory_space<hbm>> -> memref<10000x128xf32, #tpu.memory_space<hbm>>
      tpu.enqueue_indirect_dma source(%dma_start3A_64 : memref<10000x128xf32, #tpu.memory_space<hbm>>) target(%arg8 : memref<128x128xf32, #tpu.memory_space<vmem>>) offsets(%arg6 : memref<128xi32, #tpu.memory_space<vmem>>) semaphore(%arg10 : memref<!tpu.dma_semaphore, #tpu.memory_space<semaphore_mem>>)
      %dma_wait3A = arith.constant 0 : i32
      %dma_wait3A_65 = arith.constant 0 : i32
      %dma_wait3A_66 = tpu.memref_slice %arg2[%dma_wait3A, %dma_wait3A_65] : memref<10000x128xf32, #tpu.memory_space<hbm>> -> memref<10000x128xf32, #tpu.memory_space<hbm>>
      tpu.wait_indirect_dma semaphore(%arg10 : memref<!tpu.dma_semaphore, #tpu.memory_space<semaphore_mem>>) src(%dma_wait3A_66 : memref<10000x128xf32, #tpu.memory_space<hbm>>) dst(%arg8 : memref<128x128xf32, #tpu.memory_space<vmem>>)
      "tpu.region"() ({
        %run_scoped3A = tpu.sem_alloc : memref<!tpu.dma_semaphore, #tpu.memory_space<semaphore_mem>>
        %dma_start3A_67 = arith.constant 0 : i32
        %dma_start3A_68 = arith.constant 0 : i32
        %dma_start3A_69 = tpu.memref_slice %arg9[%dma_start3A_67, %dma_start3A_68] : memref<10240x128xf32, #tpu.memory_space<vmem_shared>> -> memref<10240x128xf32, #tpu.memory_space<vmem_shared>>
        tpu.enqueue_indirect_dma source(%arg8 : memref<128x128xf32, #tpu.memory_space<vmem>>) target(%dma_start3A_69 : memref<10240x128xf32, #tpu.memory_space<vmem_shared>>) offsets(%arg7 : memref<128xi32, #tpu.memory_space<vmem>>) semaphore(%run_scoped3A : memref<!tpu.dma_semaphore, #tpu.memory_space<semaphore_mem>>) {add = true}
        %dma_wait3A_70 = arith.constant 0 : i32
        %dma_wait3A_71 = arith.constant 0 : i32
        %dma_wait3A_72 = tpu.memref_slice %arg9[%dma_wait3A_70, %dma_wait3A_71] : memref<10240x128xf32, #tpu.memory_space<vmem_shared>> -> memref<10240x128xf32, #tpu.memory_space<vmem_shared>>
        tpu.wait_indirect_dma semaphore(%run_scoped3A : memref<!tpu.dma_semaphore, #tpu.memory_space<semaphore_mem>>) src(%arg8 : memref<128x128xf32, #tpu.memory_space<vmem>>) dst(%dma_wait3A_72 : memref<10240x128xf32, #tpu.memory_space<vmem_shared>>)
        tpu.yield
      }) : () -> ()
    }
    %scan3A_34 = arith.constant 79 : i32
    %barrier3A_35 = arith.constant 0 : index
    tpu.barrier barrier_id(%barrier3A_35)
    %mul3A_36 = arith.constant 640 : i32
    %mul3A_37 = arith.muli %arg1, %mul3A_36 : i32
    %add3A_38 = arith.constant 0 : i32
    %add3A_39 = arith.addi %mul3A_37, %add3A_38 : i32
    "tpu.region"() ({
      %run_scoped3A = tpu.sem_alloc : memref<!tpu.dma_semaphore, #tpu.memory_space<semaphore_mem>>
      %dma_start3A = arith.constant 0 : i32
      %dma_start3A_56 = tpu.memref_slice %arg9[%add3A_39, %dma_start3A] : memref<10240x128xf32, #tpu.memory_space<vmem_shared>> -> memref<128x128xf32, #tpu.memory_space<vmem_shared>>
      %dma_start3A_57 = arith.constant 0 : i32
      %dma_start3A_58 = tpu.memref_slice %arg9[%add3A_39, %dma_start3A_57] : memref<10240x128xf32, #tpu.memory_space<vmem_shared>> -> memref<128x128xf32, #tpu.memory_space<vmem_shared>>
      tpu.enqueue_dma source(%dma_start3A_58 : memref<128x128xf32, #tpu.memory_space<vmem_shared>>) target(%arg8 : memref<128x128xf32, #tpu.memory_space<vmem>>) target_semaphore(%run_scoped3A : memref<!tpu.dma_semaphore, #tpu.memory_space<semaphore_mem>>)
      %dma_wait3A = arith.constant 0 : i32
      %dma_wait3A_59 = tpu.memref_slice %arg9[%add3A_39, %dma_wait3A] : memref<10240x128xf32, #tpu.memory_space<vmem_shared>> -> memref<128x128xf32, #tpu.memory_space<vmem_shared>>
      %dma_wait3A_60 = arith.constant 0 : i32
      %dma_wait3A_61 = tpu.memref_slice %arg9[%add3A_39, %dma_wait3A_60] : memref<10240x128xf32, #tpu.memory_space<vmem_shared>> -> memref<128x128xf32, #tpu.memory_space<vmem_shared>>
      tpu.wait_dma2 semaphore(%run_scoped3A : memref<!tpu.dma_semaphore, #tpu.memory_space<semaphore_mem>>) src(%dma_wait3A_61 : memref<128x128xf32, #tpu.memory_space<vmem_shared>>) dst(%arg8 : memref<128x128xf32, #tpu.memory_space<vmem>>)
      tpu.yield
    }) : () -> ()
    "tpu.region"() ({
      %run_scoped3A = tpu.sem_alloc : memref<!tpu.dma_semaphore, #tpu.memory_space<semaphore_mem>>
      %dma_start3A = arith.constant 0 : i32
      %dma_start3A_56 = tpu.memref_slice %arg5[%arg0, %add3A_39, %dma_start3A] : memref<2x10240x128xf32, #tpu.memory_space<hbm>> -> memref<1x128x128xf32, #tpu.memory_space<hbm>>
      %dma_start3A_57 = tpu.memref_squeeze %dma_start3A_56 : memref<1x128x128xf32, #tpu.memory_space<hbm>> -> memref<128x128xf32, #tpu.memory_space<hbm>>
      %dma_start3A_58 = arith.constant 0 : i32
      %dma_start3A_59 = tpu.memref_slice %arg5[%arg0, %add3A_39, %dma_start3A_58] : memref<2x10240x128xf32, #tpu.memory_space<hbm>> -> memref<1x128x128xf32, #tpu.memory_space<hbm>>
      %dma_start3A_60 = tpu.memref_squeeze %dma_start3A_59 : memref<1x128x128xf32, #tpu.memory_space<hbm>> -> memref<128x128xf32, #tpu.memory_space<hbm>>
      tpu.enqueue_dma source(%arg8 : memref<128x128xf32, #tpu.memory_space<vmem>>) target(%dma_start3A_60 : memref<128x128xf32, #tpu.memory_space<hbm>>) target_semaphore(%run_scoped3A : memref<!tpu.dma_semaphore, #tpu.memory_space<semaphore_mem>>)
      %dma_wait3A = arith.constant 0 : i32
      %dma_wait3A_61 = tpu.memref_slice %arg5[%arg0, %add3A_39, %dma_wait3A] : memref<2x10240x128xf32, #tpu.memory_space<hbm>> -> memref<1x128x128xf32, #tpu.memory_space<hbm>>
      %dma_wait3A_62 = tpu.memref_squeeze %dma_wait3A_61 : memref<1x128x128xf32, #tpu.memory_space<hbm>> -> memref<128x128xf32, #tpu.memory_space<hbm>>
      %dma_wait3A_63 = arith.constant 0 : i32
      %dma_wait3A_64 = tpu.memref_slice %arg5[%arg0, %add3A_39, %dma_wait3A_63] : memref<2x10240x128xf32, #tpu.memory_space<hbm>> -> memref<1x128x128xf32, #tpu.memory_space<hbm>>
      %dma_wait3A_65 = tpu.memref_squeeze %dma_wait3A_64 : memref<1x128x128xf32, #tpu.memory_space<hbm>> -> memref<128x128xf32, #tpu.memory_space<hbm>>
      tpu.wait_dma2 semaphore(%run_scoped3A : memref<!tpu.dma_semaphore, #tpu.memory_space<semaphore_mem>>) src(%arg8 : memref<128x128xf32, #tpu.memory_space<vmem>>) dst(%dma_wait3A_65 : memref<128x128xf32, #tpu.memory_space<hbm>>)
      tpu.yield
    }) : () -> ()
    %mul3A_40 = arith.constant 640 : i32
    %mul3A_41 = arith.muli %arg1, %mul3A_40 : i32
    %add3A_42 = arith.constant 128 : i32
    %add3A_43 = arith.addi %mul3A_41, %add3A_42 : i32
    "tpu.region"() ({
      %run_scoped3A = tpu.sem_alloc : memref<!tpu.dma_semaphore, #tpu.memory_space<semaphore_mem>>
      %dma_start3A = arith.constant 0 : i32
      %dma_start3A_56 = tpu.memref_slice %arg9[%add3A_43, %dma_start3A] : memref<10240x128xf32, #tpu.memory_space<vmem_shared>> -> memref<128x128xf32, #tpu.memory_space<vmem_shared>>
      %dma_start3A_57 = arith.constant 0 : i32
      %dma_start3A_58 = tpu.memref_slice %arg9[%add3A_43, %dma_start3A_57] : memref<10240x128xf32, #tpu.memory_space<vmem_shared>> -> memref<128x128xf32, #tpu.memory_space<vmem_shared>>
      tpu.enqueue_dma source(%dma_start3A_58 : memref<128x128xf32, #tpu.memory_space<vmem_shared>>) target(%arg8 : memref<128x128xf32, #tpu.memory_space<vmem>>) target_semaphore(%run_scoped3A : memref<!tpu.dma_semaphore, #tpu.memory_space<semaphore_mem>>)
      %dma_wait3A = arith.constant 0 : i32
      %dma_wait3A_59 = tpu.memref_slice %arg9[%add3A_43, %dma_wait3A] : memref<10240x128xf32, #tpu.memory_space<vmem_shared>> -> memref<128x128xf32, #tpu.memory_space<vmem_shared>>
      %dma_wait3A_60 = arith.constant 0 : i32
      %dma_wait3A_61 = tpu.memref_slice %arg9[%add3A_43, %dma_wait3A_60] : memref<10240x128xf32, #tpu.memory_space<vmem_shared>> -> memref<128x128xf32, #tpu.memory_space<vmem_shared>>
      tpu.wait_dma2 semaphore(%run_scoped3A : memref<!tpu.dma_semaphore, #tpu.memory_space<semaphore_mem>>) src(%dma_wait3A_61 : memref<128x128xf32, #tpu.memory_space<vmem_shared>>) dst(%arg8 : memref<128x128xf32, #tpu.memory_space<vmem>>)
      tpu.yield
    }) : () -> ()
    "tpu.region"() ({
      %run_scoped3A = tpu.sem_alloc : memref<!tpu.dma_semaphore, #tpu.memory_space<semaphore_mem>>
      %dma_start3A = arith.constant 0 : i32
      %dma_start3A_56 = tpu.memref_slice %arg5[%arg0, %add3A_43, %dma_start3A] : memref<2x10240x128xf32, #tpu.memory_space<hbm>> -> memref<1x128x128xf32, #tpu.memory_space<hbm>>
      %dma_start3A_57 = tpu.memref_squeeze %dma_start3A_56 : memref<1x128x128xf32, #tpu.memory_space<hbm>> -> memref<128x128xf32, #tpu.memory_space<hbm>>
      %dma_start3A_58 = arith.constant 0 : i32
      %dma_start3A_59 = tpu.memref_slice %arg5[%arg0, %add3A_43, %dma_start3A_58] : memref<2x10240x128xf32, #tpu.memory_space<hbm>> -> memref<1x128x128xf32, #tpu.memory_space<hbm>>
      %dma_start3A_60 = tpu.memref_squeeze %dma_start3A_59 : memref<1x128x128xf32, #tpu.memory_space<hbm>> -> memref<128x128xf32, #tpu.memory_space<hbm>>
      tpu.enqueue_dma source(%arg8 : memref<128x128xf32, #tpu.memory_space<vmem>>) target(%dma_start3A_60 : memref<128x128xf32, #tpu.memory_space<hbm>>) target_semaphore(%run_scoped3A : memref<!tpu.dma_semaphore, #tpu.memory_space<semaphore_mem>>)
      %dma_wait3A = arith.constant 0 : i32
      %dma_wait3A_61 = tpu.memref_slice %arg5[%arg0, %add3A_43, %dma_wait3A] : memref<2x10240x128xf32, #tpu.memory_space<hbm>> -> memref<1x128x128xf32, #tpu.memory_space<hbm>>
      %dma_wait3A_62 = tpu.memref_squeeze %dma_wait3A_61 : memref<1x128x128xf32, #tpu.memory_space<hbm>> -> memref<128x128xf32, #tpu.memory_space<hbm>>
      %dma_wait3A_63 = arith.constant 0 : i32
      %dma_wait3A_64 = tpu.memref_slice %arg5[%arg0, %add3A_43, %dma_wait3A_63] : memref<2x10240x128xf32, #tpu.memory_space<hbm>> -> memref<1x128x128xf32, #tpu.memory_space<hbm>>
      %dma_wait3A_65 = tpu.memref_squeeze %dma_wait3A_64 : memref<1x128x128xf32, #tpu.memory_space<hbm>> -> memref<128x128xf32, #tpu.memory_space<hbm>>
      tpu.wait_dma2 semaphore(%run_scoped3A : memref<!tpu.dma_semaphore, #tpu.memory_space<semaphore_mem>>) src(%arg8 : memref<128x128xf32, #tpu.memory_space<vmem>>) dst(%dma_wait3A_65 : memref<128x128xf32, #tpu.memory_space<hbm>>)
      tpu.yield
    }) : () -> ()
    %mul3A_44 = arith.constant 640 : i32
    %mul3A_45 = arith.muli %arg1, %mul3A_44 : i32
    %add3A_46 = arith.constant 256 : i32
    %add3A_47 = arith.addi %mul3A_45, %add3A_46 : i32
    "tpu.region"() ({
      %run_scoped3A = tpu.sem_alloc : memref<!tpu.dma_semaphore, #tpu.memory_space<semaphore_mem>>
      %dma_start3A = arith.constant 0 : i32
      %dma_start3A_56 = tpu.memref_slice %arg9[%add3A_47, %dma_start3A] : memref<10240x128xf32, #tpu.memory_space<vmem_shared>> -> memref<128x128xf32, #tpu.memory_space<vmem_shared>>
      %dma_start3A_57 = arith.constant 0 : i32
      %dma_start3A_58 = tpu.memref_slice %arg9[%add3A_47, %dma_start3A_57] : memref<10240x128xf32, #tpu.memory_space<vmem_shared>> -> memref<128x128xf32, #tpu.memory_space<vmem_shared>>
      tpu.enqueue_dma source(%dma_start3A_58 : memref<128x128xf32, #tpu.memory_space<vmem_shared>>) target(%arg8 : memref<128x128xf32, #tpu.memory_space<vmem>>) target_semaphore(%run_scoped3A : memref<!tpu.dma_semaphore, #tpu.memory_space<semaphore_mem>>)
      %dma_wait3A = arith.constant 0 : i32
      %dma_wait3A_59 = tpu.memref_slice %arg9[%add3A_47, %dma_wait3A] : memref<10240x128xf32, #tpu.memory_space<vmem_shared>> -> memref<128x128xf32, #tpu.memory_space<vmem_shared>>
      %dma_wait3A_60 = arith.constant 0 : i32
      %dma_wait3A_61 = tpu.memref_slice %arg9[%add3A_47, %dma_wait3A_60] : memref<10240x128xf32, #tpu.memory_space<vmem_shared>> -> memref<128x128xf32, #tpu.memory_space<vmem_shared>>
      tpu.wait_dma2 semaphore(%run_scoped3A : memref<!tpu.dma_semaphore, #tpu.memory_space<semaphore_mem>>) src(%dma_wait3A_61 : memref<128x128xf32, #tpu.memory_space<vmem_shared>>) dst(%arg8 : memref<128x128xf32, #tpu.memory_space<vmem>>)
      tpu.yield
    }) : () -> ()
    "tpu.region"() ({
      %run_scoped3A = tpu.sem_alloc : memref<!tpu.dma_semaphore, #tpu.memory_space<semaphore_mem>>
      %dma_start3A = arith.constant 0 : i32
      %dma_start3A_56 = tpu.memref_slice %arg5[%arg0, %add3A_47, %dma_start3A] : memref<2x10240x128xf32, #tpu.memory_space<hbm>> -> memref<1x128x128xf32, #tpu.memory_space<hbm>>
      %dma_start3A_57 = tpu.memref_squeeze %dma_start3A_56 : memref<1x128x128xf32, #tpu.memory_space<hbm>> -> memref<128x128xf32, #tpu.memory_space<hbm>>
      %dma_start3A_58 = arith.constant 0 : i32
      %dma_start3A_59 = tpu.memref_slice %arg5[%arg0, %add3A_47, %dma_start3A_58] : memref<2x10240x128xf32, #tpu.memory_space<hbm>> -> memref<1x128x128xf32, #tpu.memory_space<hbm>>
      %dma_start3A_60 = tpu.memref_squeeze %dma_start3A_59 : memref<1x128x128xf32, #tpu.memory_space<hbm>> -> memref<128x128xf32, #tpu.memory_space<hbm>>
      tpu.enqueue_dma source(%arg8 : memref<128x128xf32, #tpu.memory_space<vmem>>) target(%dma_start3A_60 : memref<128x128xf32, #tpu.memory_space<hbm>>) target_semaphore(%run_scoped3A : memref<!tpu.dma_semaphore, #tpu.memory_space<semaphore_mem>>)
      %dma_wait3A = arith.constant 0 : i32
      %dma_wait3A_61 = tpu.memref_slice %arg5[%arg0, %add3A_47, %dma_wait3A] : memref<2x10240x128xf32, #tpu.memory_space<hbm>> -> memref<1x128x128xf32, #tpu.memory_space<hbm>>
      %dma_wait3A_62 = tpu.memref_squeeze %dma_wait3A_61 : memref<1x128x128xf32, #tpu.memory_space<hbm>> -> memref<128x128xf32, #tpu.memory_space<hbm>>
      %dma_wait3A_63 = arith.constant 0 : i32
      %dma_wait3A_64 = tpu.memref_slice %arg5[%arg0, %add3A_47, %dma_wait3A_63] : memref<2x10240x128xf32, #tpu.memory_space<hbm>> -> memref<1x128x128xf32, #tpu.memory_space<hbm>>
      %dma_wait3A_65 = tpu.memref_squeeze %dma_wait3A_64 : memref<1x128x128xf32, #tpu.memory_space<hbm>> -> memref<128x128xf32, #tpu.memory_space<hbm>>
      tpu.wait_dma2 semaphore(%run_scoped3A : memref<!tpu.dma_semaphore, #tpu.memory_space<semaphore_mem>>) src(%arg8 : memref<128x128xf32, #tpu.memory_space<vmem>>) dst(%dma_wait3A_65 : memref<128x128xf32, #tpu.memory_space<hbm>>)
      tpu.yield
    }) : () -> ()
    %mul3A_48 = arith.constant 640 : i32
    %mul3A_49 = arith.muli %arg1, %mul3A_48 : i32
    %add3A_50 = arith.constant 384 : i32
    %add3A_51 = arith.addi %mul3A_49, %add3A_50 : i32
    "tpu.region"() ({
      %run_scoped3A = tpu.sem_alloc : memref<!tpu.dma_semaphore, #tpu.memory_space<semaphore_mem>>
      %dma_start3A = arith.constant 0 : i32
      %dma_start3A_56 = tpu.memref_slice %arg9[%add3A_51, %dma_start3A] : memref<10240x128xf32, #tpu.memory_space<vmem_shared>> -> memref<128x128xf32, #tpu.memory_space<vmem_shared>>
      %dma_start3A_57 = arith.constant 0 : i32
      %dma_start3A_58 = tpu.memref_slice %arg9[%add3A_51, %dma_start3A_57] : memref<10240x128xf32, #tpu.memory_space<vmem_shared>> -> memref<128x128xf32, #tpu.memory_space<vmem_shared>>
      tpu.enqueue_dma source(%dma_start3A_58 : memref<128x128xf32, #tpu.memory_space<vmem_shared>>) target(%arg8 : memref<128x128xf32, #tpu.memory_space<vmem>>) target_semaphore(%run_scoped3A : memref<!tpu.dma_semaphore, #tpu.memory_space<semaphore_mem>>)
      %dma_wait3A = arith.constant 0 : i32
      %dma_wait3A_59 = tpu.memref_slice %arg9[%add3A_51, %dma_wait3A] : memref<10240x128xf32, #tpu.memory_space<vmem_shared>> -> memref<128x128xf32, #tpu.memory_space<vmem_shared>>
      %dma_wait3A_60 = arith.constant 0 : i32
      %dma_wait3A_61 = tpu.memref_slice %arg9[%add3A_51, %dma_wait3A_60] : memref<10240x128xf32, #tpu.memory_space<vmem_shared>> -> memref<128x128xf32, #tpu.memory_space<vmem_shared>>
      tpu.wait_dma2 semaphore(%run_scoped3A : memref<!tpu.dma_semaphore, #tpu.memory_space<semaphore_mem>>) src(%dma_wait3A_61 : memref<128x128xf32, #tpu.memory_space<vmem_shared>>) dst(%arg8 : memref<128x128xf32, #tpu.memory_space<vmem>>)
      tpu.yield
    }) : () -> ()
    "tpu.region"() ({
      %run_scoped3A = tpu.sem_alloc : memref<!tpu.dma_semaphore, #tpu.memory_space<semaphore_mem>>
      %dma_start3A = arith.constant 0 : i32
      %dma_start3A_56 = tpu.memref_slice %arg5[%arg0, %add3A_51, %dma_start3A] : memref<2x10240x128xf32, #tpu.memory_space<hbm>> -> memref<1x128x128xf32, #tpu.memory_space<hbm>>
      %dma_start3A_57 = tpu.memref_squeeze %dma_start3A_56 : memref<1x128x128xf32, #tpu.memory_space<hbm>> -> memref<128x128xf32, #tpu.memory_space<hbm>>
      %dma_start3A_58 = arith.constant 0 : i32
      %dma_start3A_59 = tpu.memref_slice %arg5[%arg0, %add3A_51, %dma_start3A_58] : memref<2x10240x128xf32, #tpu.memory_space<hbm>> -> memref<1x128x128xf32, #tpu.memory_space<hbm>>
      %dma_start3A_60 = tpu.memref_squeeze %dma_start3A_59 : memref<1x128x128xf32, #tpu.memory_space<hbm>> -> memref<128x128xf32, #tpu.memory_space<hbm>>
      tpu.enqueue_dma source(%arg8 : memref<128x128xf32, #tpu.memory_space<vmem>>) target(%dma_start3A_60 : memref<128x128xf32, #tpu.memory_space<hbm>>) target_semaphore(%run_scoped3A : memref<!tpu.dma_semaphore, #tpu.memory_space<semaphore_mem>>)
      %dma_wait3A = arith.constant 0 : i32
      %dma_wait3A_61 = tpu.memref_slice %arg5[%arg0, %add3A_51, %dma_wait3A] : memref<2x10240x128xf32, #tpu.memory_space<hbm>> -> memref<1x128x128xf32, #tpu.memory_space<hbm>>
      %dma_wait3A_62 = tpu.memref_squeeze %dma_wait3A_61 : memref<1x128x128xf32, #tpu.memory_space<hbm>> -> memref<128x128xf32, #tpu.memory_space<hbm>>
      %dma_wait3A_63 = arith.constant 0 : i32
      %dma_wait3A_64 = tpu.memref_slice %arg5[%arg0, %add3A_51, %dma_wait3A_63] : memref<2x10240x128xf32, #tpu.memory_space<hbm>> -> memref<1x128x128xf32, #tpu.memory_space<hbm>>
      %dma_wait3A_65 = tpu.memref_squeeze %dma_wait3A_64 : memref<1x128x128xf32, #tpu.memory_space<hbm>> -> memref<128x128xf32, #tpu.memory_space<hbm>>
      tpu.wait_dma2 semaphore(%run_scoped3A : memref<!tpu.dma_semaphore, #tpu.memory_space<semaphore_mem>>) src(%arg8 : memref<128x128xf32, #tpu.memory_space<vmem>>) dst(%dma_wait3A_65 : memref<128x128xf32, #tpu.memory_space<hbm>>)
      tpu.yield
    }) : () -> ()
    %mul3A_52 = arith.constant 640 : i32
    %mul3A_53 = arith.muli %arg1, %mul3A_52 : i32
    %add3A_54 = arith.constant 512 : i32
    %add3A_55 = arith.addi %mul3A_53, %add3A_54 : i32
    "tpu.region"() ({
      %run_scoped3A = tpu.sem_alloc : memref<!tpu.dma_semaphore, #tpu.memory_space<semaphore_mem>>
      %dma_start3A = arith.constant 0 : i32
      %dma_start3A_56 = tpu.memref_slice %arg9[%add3A_55, %dma_start3A] : memref<10240x128xf32, #tpu.memory_space<vmem_shared>> -> memref<128x128xf32, #tpu.memory_space<vmem_shared>>
      %dma_start3A_57 = arith.constant 0 : i32
      %dma_start3A_58 = tpu.memref_slice %arg9[%add3A_55, %dma_start3A_57] : memref<10240x128xf32, #tpu.memory_space<vmem_shared>> -> memref<128x128xf32, #tpu.memory_space<vmem_shared>>
      tpu.enqueue_dma source(%dma_start3A_58 : memref<128x128xf32, #tpu.memory_space<vmem_shared>>) target(%arg8 : memref<128x128xf32, #tpu.memory_space<vmem>>) target_semaphore(%run_scoped3A : memref<!tpu.dma_semaphore, #tpu.memory_space<semaphore_mem>>)
      %dma_wait3A = arith.constant 0 : i32
      %dma_wait3A_59 = tpu.memref_slice %arg9[%add3A_55, %dma_wait3A] : memref<10240x128xf32, #tpu.memory_space<vmem_shared>> -> memref<128x128xf32, #tpu.memory_space<vmem_shared>>
      %dma_wait3A_60 = arith.constant 0 : i32
      %dma_wait3A_61 = tpu.memref_slice %arg9[%add3A_55, %dma_wait3A_60] : memref<10240x128xf32, #tpu.memory_space<vmem_shared>> -> memref<128x128xf32, #tpu.memory_space<vmem_shared>>
      tpu.wait_dma2 semaphore(%run_scoped3A : memref<!tpu.dma_semaphore, #tpu.memory_space<semaphore_mem>>) src(%dma_wait3A_61 : memref<128x128xf32, #tpu.memory_space<vmem_shared>>) dst(%arg8 : memref<128x128xf32, #tpu.memory_space<vmem>>)
      tpu.yield
    }) : () -> ()
    "tpu.region"() ({
      %run_scoped3A = tpu.sem_alloc : memref<!tpu.dma_semaphore, #tpu.memory_space<semaphore_mem>>
      %dma_start3A = arith.constant 0 : i32
      %dma_start3A_56 = tpu.memref_slice %arg5[%arg0, %add3A_55, %dma_start3A] : memref<2x10240x128xf32, #tpu.memory_space<hbm>> -> memref<1x128x128xf32, #tpu.memory_space<hbm>>
      %dma_start3A_57 = tpu.memref_squeeze %dma_start3A_56 : memref<1x128x128xf32, #tpu.memory_space<hbm>> -> memref<128x128xf32, #tpu.memory_space<hbm>>
      %dma_start3A_58 = arith.constant 0 : i32
      %dma_start3A_59 = tpu.memref_slice %arg5[%arg0, %add3A_55, %dma_start3A_58] : memref<2x10240x128xf32, #tpu.memory_space<hbm>> -> memref<1x128x128xf32, #tpu.memory_space<hbm>>
      %dma_start3A_60 = tpu.memref_squeeze %dma_start3A_59 : memref<1x128x128xf32, #tpu.memory_space<hbm>> -> memref<128x128xf32, #tpu.memory_space<hbm>>
      tpu.enqueue_dma source(%arg8 : memref<128x128xf32, #tpu.memory_space<vmem>>) target(%dma_start3A_60 : memref<128x128xf32, #tpu.memory_space<hbm>>) target_semaphore(%run_scoped3A : memref<!tpu.dma_semaphore, #tpu.memory_space<semaphore_mem>>)
      %dma_wait3A = arith.constant 0 : i32
      %dma_wait3A_61 = tpu.memref_slice %arg5[%arg0, %add3A_55, %dma_wait3A] : memref<2x10240x128xf32, #tpu.memory_space<hbm>> -> memref<1x128x128xf32, #tpu.memory_space<hbm>>
      %dma_wait3A_62 = tpu.memref_squeeze %dma_wait3A_61 : memref<1x128x128xf32, #tpu.memory_space<hbm>> -> memref<128x128xf32, #tpu.memory_space<hbm>>
      %dma_wait3A_63 = arith.constant 0 : i32
      %dma_wait3A_64 = tpu.memref_slice %arg5[%arg0, %add3A_55, %dma_wait3A_63] : memref<2x10240x128xf32, #tpu.memory_space<hbm>> -> memref<1x128x128xf32, #tpu.memory_space<hbm>>
      %dma_wait3A_65 = tpu.memref_squeeze %dma_wait3A_64 : memref<1x128x128xf32, #tpu.memory_space<hbm>> -> memref<128x128xf32, #tpu.memory_space<hbm>>
      tpu.wait_dma2 semaphore(%run_scoped3A : memref<!tpu.dma_semaphore, #tpu.memory_space<semaphore_mem>>) src(%arg8 : memref<128x128xf32, #tpu.memory_space<vmem>>) dst(%dma_wait3A_65 : memref<128x128xf32, #tpu.memory_space<hbm>>)
      tpu.yield
    }) : () -> ()
    return
  }
}

#map = affine_map<(d0, d1) -> (0)>
module attributes {stable_mosaic.version = 14 : i64} {
  func.func @_deg_kernel(%arg0: i32, %arg1: i32, %arg2: memref<323584xi32, #tpu.memory_space<hbm>>, %arg3: memref<20480xf32, #tpu.memory_space<hbm>>, %arg4: memref<128xi32, #tpu.memory_space<vmem>>, %arg5: memref<10240xf32, #tpu.memory_space<vmem>>, %arg6: memref<1024xf32, #tpu.memory_space<vmem>>, %arg7: memref<1024xf32, #tpu.memory_space<vmem>>, %arg8: memref<16x10240xf32, #tpu.memory_space<vmem_shared>>) attributes {dimension_semantics = [#tpu.dimension_semantics<core_parallel>, #tpu.dimension_semantics<subcore_parallel>], iteration_bounds = array<i64: 2, 16>, scalar_prefetch = 0 : i64, scratch_operands = 5 : i64, tpu.core_type = #tpu.core_type<sc_vector_subcore>, window_params = [{transform_indices = #map}, {transform_indices = #map}]} {
    %mul3A = arith.constant 2 : i32
    %mul3A_0 = arith.muli %arg1, %mul3A : i32
    %add3A = arith.addi %mul3A_0, %arg0 : i32
    %broadcast_in_dim3A = arith.constant 1.000000e+00 : f32
    %broadcast_in_dim3A_1 = vector.broadcast %broadcast_in_dim3A : f32 to vector<16xf32>
    %broadcast_in_dim3A_2 = arith.constant 0.000000e+00 : f32
    %broadcast_in_dim3A_3 = vector.broadcast %broadcast_in_dim3A_2 : f32 to vector<16xf32>
    %scan3A = arith.constant 0 : i32
    %scan3A_4 = arith.constant 0 : i32
    %scan3A_5 = arith.constant 640 : i32
    %scan3A_6 = arith.addi %scan3A_4, %scan3A_5 : i32
    %scan3A_7 = arith.constant 1 : i32
    scf.for %scan3A_19 = %scan3A_4 to %scan3A_6 step %scan3A_7  : i32 {
      %mul3A_20 = arith.constant 16 : i32
      %mul3A_21 = arith.muli %scan3A_19, %mul3A_20 : i32
      %swap3A = arith.index_cast %mul3A_21 : i32 to index
      %swap3A_22 = tpu.vector_load %arg5[%swap3A] {strides = array<i32>} : memref<10240xf32, #tpu.memory_space<vmem>>, vector<16xf32>,
      tpu.vector_store %arg5[%swap3A], %broadcast_in_dim3A_3 {strides = array<i32>} : memref<10240xf32, #tpu.memory_space<vmem>>, vector<16xf32>,
    }
    %scan3A_8 = arith.constant 640 : i32
    %mul3A_9 = arith.constant 10112 : i32
    %mul3A_10 = arith.muli %add3A, %mul3A_9 : i32
    %scan3A_11 = arith.constant 0 : i32
    %scan3A_12 = arith.constant 0 : i32
    %scan3A_13 = arith.constant 79 : i32
    %scan3A_14 = arith.addi %scan3A_12, %scan3A_13 : i32
    %scan3A_15 = arith.constant 1 : i32
    scf.for %scan3A_19 = %scan3A_12 to %scan3A_14 step %scan3A_15  : i32 {
      %mul3A_20 = arith.constant 128 : i32
      %mul3A_21 = arith.muli %scan3A_19, %mul3A_20 : i32
      %add3A_22 = arith.addi %mul3A_10, %mul3A_21 : i32
      "tpu.region"() ({
        %run_scoped3A = tpu.sem_alloc : memref<!tpu.dma_semaphore, #tpu.memory_space<semaphore_mem>>
        %dma_start3A = tpu.memref_slice %arg2[%add3A_22] : memref<323584xi32, #tpu.memory_space<hbm>> -> memref<128xi32, #tpu.memory_space<hbm>>
        %dma_start3A_38 = tpu.memref_slice %arg2[%add3A_22] : memref<323584xi32, #tpu.memory_space<hbm>> -> memref<128xi32, #tpu.memory_space<hbm>>
        tpu.enqueue_dma source(%dma_start3A_38 : memref<128xi32, #tpu.memory_space<hbm>>) target(%arg4 : memref<128xi32, #tpu.memory_space<vmem>>) target_semaphore(%run_scoped3A : memref<!tpu.dma_semaphore, #tpu.memory_space<semaphore_mem>>)
        %dma_wait3A = tpu.memref_slice %arg2[%add3A_22] : memref<323584xi32, #tpu.memory_space<hbm>> -> memref<128xi32, #tpu.memory_space<hbm>>
        %dma_wait3A_39 = tpu.memref_slice %arg2[%add3A_22] : memref<323584xi32, #tpu.memory_space<hbm>> -> memref<128xi32, #tpu.memory_space<hbm>>
        tpu.wait_dma2 semaphore(%run_scoped3A : memref<!tpu.dma_semaphore, #tpu.memory_space<semaphore_mem>>) src(%dma_wait3A_39 : memref<128xi32, #tpu.memory_space<hbm>>) dst(%arg4 : memref<128xi32, #tpu.memory_space<vmem>>)
        tpu.yield
      }) : () -> ()
      %get3A = arith.constant 0 : index
      %get3A_23 = tpu.vector_load %arg4[%get3A] {strides = array<i32>} : memref<128xi32, #tpu.memory_space<vmem>>, vector<16xi32>,
      tpu.vector_store_idx %arg5[%get3A_23], %broadcast_in_dim3A_1 {add = true} : memref<10240xf32, #tpu.memory_space<vmem>>[vector<16xi32>], vector<16xf32>,
      %get3A_24 = arith.constant 16 : index
      %get3A_25 = tpu.vector_load %arg4[%get3A_24] {strides = array<i32>} : memref<128xi32, #tpu.memory_space<vmem>>, vector<16xi32>,
      tpu.vector_store_idx %arg5[%get3A_25], %broadcast_in_dim3A_1 {add = true} : memref<10240xf32, #tpu.memory_space<vmem>>[vector<16xi32>], vector<16xf32>,
      %get3A_26 = arith.constant 32 : index
      %get3A_27 = tpu.vector_load %arg4[%get3A_26] {strides = array<i32>} : memref<128xi32, #tpu.memory_space<vmem>>, vector<16xi32>,
      tpu.vector_store_idx %arg5[%get3A_27], %broadcast_in_dim3A_1 {add = true} : memref<10240xf32, #tpu.memory_space<vmem>>[vector<16xi32>], vector<16xf32>,
      %get3A_28 = arith.constant 48 : index
      %get3A_29 = tpu.vector_load %arg4[%get3A_28] {strides = array<i32>} : memref<128xi32, #tpu.memory_space<vmem>>, vector<16xi32>,
      tpu.vector_store_idx %arg5[%get3A_29], %broadcast_in_dim3A_1 {add = true} : memref<10240xf32, #tpu.memory_space<vmem>>[vector<16xi32>], vector<16xf32>,
      %get3A_30 = arith.constant 64 : index
      %get3A_31 = tpu.vector_load %arg4[%get3A_30] {strides = array<i32>} : memref<128xi32, #tpu.memory_space<vmem>>, vector<16xi32>,
      tpu.vector_store_idx %arg5[%get3A_31], %broadcast_in_dim3A_1 {add = true} : memref<10240xf32, #tpu.memory_space<vmem>>[vector<16xi32>], vector<16xf32>,
      %get3A_32 = arith.constant 80 : index
      %get3A_33 = tpu.vector_load %arg4[%get3A_32] {strides = array<i32>} : memref<128xi32, #tpu.memory_space<vmem>>, vector<16xi32>,
      tpu.vector_store_idx %arg5[%get3A_33], %broadcast_in_dim3A_1 {add = true} : memref<10240xf32, #tpu.memory_space<vmem>>[vector<16xi32>], vector<16xf32>,
      %get3A_34 = arith.constant 96 : index
      %get3A_35 = tpu.vector_load %arg4[%get3A_34] {strides = array<i32>} : memref<128xi32, #tpu.memory_space<vmem>>, vector<16xi32>,
      tpu.vector_store_idx %arg5[%get3A_35], %broadcast_in_dim3A_1 {add = true} : memref<10240xf32, #tpu.memory_space<vmem>>[vector<16xi32>], vector<16xf32>,
      %get3A_36 = arith.constant 112 : index
      %get3A_37 = tpu.vector_load %arg4[%get3A_36] {strides = array<i32>} : memref<128xi32, #tpu.memory_space<vmem>>, vector<16xi32>,
      tpu.vector_store_idx %arg5[%get3A_37], %broadcast_in_dim3A_1 {add = true} : memref<10240xf32, #tpu.memory_space<vmem>>[vector<16xi32>], vector<16xf32>,
    }
    %scan3A_16 = arith.constant 79 : i32
    "tpu.region"() ({
      %run_scoped3A = tpu.sem_alloc : memref<!tpu.dma_semaphore, #tpu.memory_space<semaphore_mem>>
      %dma_start3A = arith.constant 0 : i32
      %dma_start3A_19 = tpu.memref_slice %arg8[%arg1, %dma_start3A] : memref<16x10240xf32, #tpu.memory_space<vmem_shared>> -> memref<1x10240xf32, #tpu.memory_space<vmem_shared>>
      %dma_start3A_20 = tpu.memref_squeeze %dma_start3A_19 : memref<1x10240xf32, #tpu.memory_space<vmem_shared>> -> memref<10240xf32, #tpu.memory_space<vmem_shared>>
      %dma_start3A_21 = arith.constant 0 : i32
      %dma_start3A_22 = tpu.memref_slice %arg8[%arg1, %dma_start3A_21] : memref<16x10240xf32, #tpu.memory_space<vmem_shared>> -> memref<1x10240xf32, #tpu.memory_space<vmem_shared>>
      %dma_start3A_23 = tpu.memref_squeeze %dma_start3A_22 : memref<1x10240xf32, #tpu.memory_space<vmem_shared>> -> memref<10240xf32, #tpu.memory_space<vmem_shared>>
      tpu.enqueue_dma source(%arg5 : memref<10240xf32, #tpu.memory_space<vmem>>) target(%dma_start3A_23 : memref<10240xf32, #tpu.memory_space<vmem_shared>>) target_semaphore(%run_scoped3A : memref<!tpu.dma_semaphore, #tpu.memory_space<semaphore_mem>>)
      %dma_wait3A = arith.constant 0 : i32
      %dma_wait3A_24 = tpu.memref_slice %arg8[%arg1, %dma_wait3A] : memref<16x10240xf32, #tpu.memory_space<vmem_shared>> -> memref<1x10240xf32, #tpu.memory_space<vmem_shared>>
      %dma_wait3A_25 = tpu.memref_squeeze %dma_wait3A_24 : memref<1x10240xf32, #tpu.memory_space<vmem_shared>> -> memref<10240xf32, #tpu.memory_space<vmem_shared>>
      %dma_wait3A_26 = arith.constant 0 : i32
      %dma_wait3A_27 = tpu.memref_slice %arg8[%arg1, %dma_wait3A_26] : memref<16x10240xf32, #tpu.memory_space<vmem_shared>> -> memref<1x10240xf32, #tpu.memory_space<vmem_shared>>
      %dma_wait3A_28 = tpu.memref_squeeze %dma_wait3A_27 : memref<1x10240xf32, #tpu.memory_space<vmem_shared>> -> memref<10240xf32, #tpu.memory_space<vmem_shared>>
      tpu.wait_dma2 semaphore(%run_scoped3A : memref<!tpu.dma_semaphore, #tpu.memory_space<semaphore_mem>>) src(%arg5 : memref<10240xf32, #tpu.memory_space<vmem>>) dst(%dma_wait3A_28 : memref<10240xf32, #tpu.memory_space<vmem_shared>>)
      tpu.yield
    }) : () -> ()
    %barrier3A = arith.constant 0 : index
    tpu.barrier barrier_id(%barrier3A)
    %lt3A = arith.constant 10 : i32
    %lt3A_17 = arith.cmpi slt, %arg1, %lt3A : i32
    %convert_element_type3A = arith.extui %lt3A_17 : i1 to i32
    %cond3A = arith.constant 0 : i32
    %cond3A_18 = arith.cmpi ne, %convert_element_type3A, %cond3A : i32
    scf.if %cond3A_18 {
      %scan3A_19 = arith.constant 0 : i32
      %scan3A_20 = arith.constant 0 : i32
      %scan3A_21 = arith.constant 64 : i32
      %scan3A_22 = arith.addi %scan3A_20, %scan3A_21 : i32
      %scan3A_23 = arith.constant 1 : i32
      scf.for %scan3A_173 = %scan3A_20 to %scan3A_22 step %scan3A_23  : i32 {
        %mul3A_174 = arith.constant 16 : i32
        %mul3A_175 = arith.muli %scan3A_173, %mul3A_174 : i32
        %swap3A = arith.index_cast %mul3A_175 : i32 to index
        %swap3A_176 = tpu.vector_load %arg7[%swap3A] {strides = array<i32>} : memref<1024xf32, #tpu.memory_space<vmem>>, vector<16xf32>,
        tpu.vector_store %arg7[%swap3A], %broadcast_in_dim3A_3 {strides = array<i32>} : memref<1024xf32, #tpu.memory_space<vmem>>, vector<16xf32>,
      }
      %scan3A_24 = arith.constant 64 : i32
      %mul3A_25 = arith.constant 1024 : i32
      %mul3A_26 = arith.muli %arg1, %mul3A_25 : i32
      %run_scoped3A = arith.constant 0 : i32
      "tpu.region"() ({
        %run_scoped3A_173 = tpu.sem_alloc : memref<!tpu.dma_semaphore, #tpu.memory_space<semaphore_mem>>
        %dma_start3A = tpu.memref_slice %arg8[%run_scoped3A, %mul3A_26] : memref<16x10240xf32, #tpu.memory_space<vmem_shared>> -> memref<1x1024xf32, #tpu.memory_space<vmem_shared>>
        %dma_start3A_174 = tpu.memref_squeeze %dma_start3A : memref<1x1024xf32, #tpu.memory_space<vmem_shared>> -> memref<1024xf32, #tpu.memory_space<vmem_shared>>
        %dma_start3A_175 = tpu.memref_slice %arg8[%run_scoped3A, %mul3A_26] : memref<16x10240xf32, #tpu.memory_space<vmem_shared>> -> memref<1x1024xf32, #tpu.memory_space<vmem_shared>>
        %dma_start3A_176 = tpu.memref_squeeze %dma_start3A_175 : memref<1x1024xf32, #tpu.memory_space<vmem_shared>> -> memref<1024xf32, #tpu.memory_space<vmem_shared>>
        tpu.enqueue_dma source(%dma_start3A_176 : memref<1024xf32, #tpu.memory_space<vmem_shared>>) target(%arg6 : memref<1024xf32, #tpu.memory_space<vmem>>) target_semaphore(%run_scoped3A_173 : memref<!tpu.dma_semaphore, #tpu.memory_space<semaphore_mem>>)
        %dma_wait3A = tpu.memref_slice %arg8[%run_scoped3A, %mul3A_26] : memref<16x10240xf32, #tpu.memory_space<vmem_shared>> -> memref<1x1024xf32, #tpu.memory_space<vmem_shared>>
        %dma_wait3A_177 = tpu.memref_squeeze %dma_wait3A : memref<1x1024xf32, #tpu.memory_space<vmem_shared>> -> memref<1024xf32, #tpu.memory_space<vmem_shared>>
        %dma_wait3A_178 = tpu.memref_slice %arg8[%run_scoped3A, %mul3A_26] : memref<16x10240xf32, #tpu.memory_space<vmem_shared>> -> memref<1x1024xf32, #tpu.memory_space<vmem_shared>>
        %dma_wait3A_179 = tpu.memref_squeeze %dma_wait3A_178 : memref<1x1024xf32, #tpu.memory_space<vmem_shared>> -> memref<1024xf32, #tpu.memory_space<vmem_shared>>
        tpu.wait_dma2 semaphore(%run_scoped3A_173 : memref<!tpu.dma_semaphore, #tpu.memory_space<semaphore_mem>>) src(%dma_wait3A_179 : memref<1024xf32, #tpu.memory_space<vmem_shared>>) dst(%arg6 : memref<1024xf32, #tpu.memory_space<vmem>>)
        tpu.yield
      }) : () -> ()
      %scan3A_27 = arith.constant 0 : i32
      %scan3A_28 = arith.constant 0 : i32
      %scan3A_29 = arith.constant 64 : i32
      %scan3A_30 = arith.addi %scan3A_28, %scan3A_29 : i32
      %scan3A_31 = arith.constant 1 : i32
      scf.for %scan3A_173 = %scan3A_28 to %scan3A_30 step %scan3A_31  : i32 {
        %mul3A_174 = arith.constant 16 : i32
        %mul3A_175 = arith.muli %scan3A_173, %mul3A_174 : i32
        %get3A = arith.index_cast %mul3A_175 : i32 to index
        %get3A_176 = tpu.vector_load %arg7[%get3A] {strides = array<i32>} : memref<1024xf32, #tpu.memory_space<vmem>>, vector<16xf32>,
        %get3A_177 = arith.index_cast %mul3A_175 : i32 to index
        %get3A_178 = tpu.vector_load %arg6[%get3A_177] {strides = array<i32>} : memref<1024xf32, #tpu.memory_space<vmem>>, vector<16xf32>,
        %add3A_179 = arith.addf %get3A_176, %get3A_178 : vector<16xf32>
        %swap3A = arith.index_cast %mul3A_175 : i32 to index
        %swap3A_180 = tpu.vector_load %arg7[%swap3A] {strides = array<i32>} : memref<1024xf32, #tpu.memory_space<vmem>>, vector<16xf32>,
        tpu.vector_store %arg7[%swap3A], %add3A_179 {strides = array<i32>} : memref<1024xf32, #tpu.memory_space<vmem>>, vector<16xf32>,
      }
      %scan3A_32 = arith.constant 64 : i32
      %mul3A_33 = arith.constant 1024 : i32
      %mul3A_34 = arith.muli %arg1, %mul3A_33 : i32
      %run_scoped3A_35 = arith.constant 1 : i32
      "tpu.region"() ({
        %run_scoped3A_173 = tpu.sem_alloc : memref<!tpu.dma_semaphore, #tpu.memory_space<semaphore_mem>>
        %dma_start3A = tpu.memref_slice %arg8[%run_scoped3A_35, %mul3A_34] : memref<16x10240xf32, #tpu.memory_space<vmem_shared>> -> memref<1x1024xf32, #tpu.memory_space<vmem_shared>>
        %dma_start3A_174 = tpu.memref_squeeze %dma_start3A : memref<1x1024xf32, #tpu.memory_space<vmem_shared>> -> memref<1024xf32, #tpu.memory_space<vmem_shared>>
        %dma_start3A_175 = tpu.memref_slice %arg8[%run_scoped3A_35, %mul3A_34] : memref<16x10240xf32, #tpu.memory_space<vmem_shared>> -> memref<1x1024xf32, #tpu.memory_space<vmem_shared>>
        %dma_start3A_176 = tpu.memref_squeeze %dma_start3A_175 : memref<1x1024xf32, #tpu.memory_space<vmem_shared>> -> memref<1024xf32, #tpu.memory_space<vmem_shared>>
        tpu.enqueue_dma source(%dma_start3A_176 : memref<1024xf32, #tpu.memory_space<vmem_shared>>) target(%arg6 : memref<1024xf32, #tpu.memory_space<vmem>>) target_semaphore(%run_scoped3A_173 : memref<!tpu.dma_semaphore, #tpu.memory_space<semaphore_mem>>)
        %dma_wait3A = tpu.memref_slice %arg8[%run_scoped3A_35, %mul3A_34] : memref<16x10240xf32, #tpu.memory_space<vmem_shared>> -> memref<1x1024xf32, #tpu.memory_space<vmem_shared>>
        %dma_wait3A_177 = tpu.memref_squeeze %dma_wait3A : memref<1x1024xf32, #tpu.memory_space<vmem_shared>> -> memref<1024xf32, #tpu.memory_space<vmem_shared>>
        %dma_wait3A_178 = tpu.memref_slice %arg8[%run_scoped3A_35, %mul3A_34] : memref<16x10240xf32, #tpu.memory_space<vmem_shared>> -> memref<1x1024xf32, #tpu.memory_space<vmem_shared>>
        %dma_wait3A_179 = tpu.memref_squeeze %dma_wait3A_178 : memref<1x1024xf32, #tpu.memory_space<vmem_shared>> -> memref<1024xf32, #tpu.memory_space<vmem_shared>>
        tpu.wait_dma2 semaphore(%run_scoped3A_173 : memref<!tpu.dma_semaphore, #tpu.memory_space<semaphore_mem>>) src(%dma_wait3A_179 : memref<1024xf32, #tpu.memory_space<vmem_shared>>) dst(%arg6 : memref<1024xf32, #tpu.memory_space<vmem>>)
        tpu.yield
      }) : () -> ()
      %scan3A_36 = arith.constant 0 : i32
      %scan3A_37 = arith.constant 0 : i32
      %scan3A_38 = arith.constant 64 : i32
      %scan3A_39 = arith.addi %scan3A_37, %scan3A_38 : i32
      %scan3A_40 = arith.constant 1 : i32
      scf.for %scan3A_173 = %scan3A_37 to %scan3A_39 step %scan3A_40  : i32 {
        %mul3A_174 = arith.constant 16 : i32
        %mul3A_175 = arith.muli %scan3A_173, %mul3A_174 : i32
        %get3A = arith.index_cast %mul3A_175 : i32 to index
        %get3A_176 = tpu.vector_load %arg7[%get3A] {strides = array<i32>} : memref<1024xf32, #tpu.memory_space<vmem>>, vector<16xf32>,
        %get3A_177 = arith.index_cast %mul3A_175 : i32 to index
        %get3A_178 = tpu.vector_load %arg6[%get3A_177] {strides = array<i32>} : memref<1024xf32, #tpu.memory_space<vmem>>, vector<16xf32>,
        %add3A_179 = arith.addf %get3A_176, %get3A_178 : vector<16xf32>
        %swap3A = arith.index_cast %mul3A_175 : i32 to index
        %swap3A_180 = tpu.vector_load %arg7[%swap3A] {strides = array<i32>} : memref<1024xf32, #tpu.memory_space<vmem>>, vector<16xf32>,
        tpu.vector_store %arg7[%swap3A], %add3A_179 {strides = array<i32>} : memref<1024xf32, #tpu.memory_space<vmem>>, vector<16xf32>,
      }
      %scan3A_41 = arith.constant 64 : i32
      %mul3A_42 = arith.constant 1024 : i32
      %mul3A_43 = arith.muli %arg1, %mul3A_42 : i32
      %run_scoped3A_44 = arith.constant 2 : i32
      "tpu.region"() ({
        %run_scoped3A_173 = tpu.sem_alloc : memref<!tpu.dma_semaphore, #tpu.memory_space<semaphore_mem>>
        %dma_start3A = tpu.memref_slice %arg8[%run_scoped3A_44, %mul3A_43] : memref<16x10240xf32, #tpu.memory_space<vmem_shared>> -> memref<1x1024xf32, #tpu.memory_space<vmem_shared>>
        %dma_start3A_174 = tpu.memref_squeeze %dma_start3A : memref<1x1024xf32, #tpu.memory_space<vmem_shared>> -> memref<1024xf32, #tpu.memory_space<vmem_shared>>
        %dma_start3A_175 = tpu.memref_slice %arg8[%run_scoped3A_44, %mul3A_43] : memref<16x10240xf32, #tpu.memory_space<vmem_shared>> -> memref<1x1024xf32, #tpu.memory_space<vmem_shared>>
        %dma_start3A_176 = tpu.memref_squeeze %dma_start3A_175 : memref<1x1024xf32, #tpu.memory_space<vmem_shared>> -> memref<1024xf32, #tpu.memory_space<vmem_shared>>
        tpu.enqueue_dma source(%dma_start3A_176 : memref<1024xf32, #tpu.memory_space<vmem_shared>>) target(%arg6 : memref<1024xf32, #tpu.memory_space<vmem>>) target_semaphore(%run_scoped3A_173 : memref<!tpu.dma_semaphore, #tpu.memory_space<semaphore_mem>>)
        %dma_wait3A = tpu.memref_slice %arg8[%run_scoped3A_44, %mul3A_43] : memref<16x10240xf32, #tpu.memory_space<vmem_shared>> -> memref<1x1024xf32, #tpu.memory_space<vmem_shared>>
        %dma_wait3A_177 = tpu.memref_squeeze %dma_wait3A : memref<1x1024xf32, #tpu.memory_space<vmem_shared>> -> memref<1024xf32, #tpu.memory_space<vmem_shared>>
        %dma_wait3A_178 = tpu.memref_slice %arg8[%run_scoped3A_44, %mul3A_43] : memref<16x10240xf32, #tpu.memory_space<vmem_shared>> -> memref<1x1024xf32, #tpu.memory_space<vmem_shared>>
        %dma_wait3A_179 = tpu.memref_squeeze %dma_wait3A_178 : memref<1x1024xf32, #tpu.memory_space<vmem_shared>> -> memref<1024xf32, #tpu.memory_space<vmem_shared>>
        tpu.wait_dma2 semaphore(%run_scoped3A_173 : memref<!tpu.dma_semaphore, #tpu.memory_space<semaphore_mem>>) src(%dma_wait3A_179 : memref<1024xf32, #tpu.memory_space<vmem_shared>>) dst(%arg6 : memref<1024xf32, #tpu.memory_space<vmem>>)
        tpu.yield
      }) : () -> ()
      %scan3A_45 = arith.constant 0 : i32
      %scan3A_46 = arith.constant 0 : i32
      %scan3A_47 = arith.constant 64 : i32
      %scan3A_48 = arith.addi %scan3A_46, %scan3A_47 : i32
      %scan3A_49 = arith.constant 1 : i32
      scf.for %scan3A_173 = %scan3A_46 to %scan3A_48 step %scan3A_49  : i32 {
        %mul3A_174 = arith.constant 16 : i32
        %mul3A_175 = arith.muli %scan3A_173, %mul3A_174 : i32
        %get3A = arith.index_cast %mul3A_175 : i32 to index
        %get3A_176 = tpu.vector_load %arg7[%get3A] {strides = array<i32>} : memref<1024xf32, #tpu.memory_space<vmem>>, vector<16xf32>,
        %get3A_177 = arith.index_cast %mul3A_175 : i32 to index
        %get3A_178 = tpu.vector_load %arg6[%get3A_177] {strides = array<i32>} : memref<1024xf32, #tpu.memory_space<vmem>>, vector<16xf32>,
        %add3A_179 = arith.addf %get3A_176, %get3A_178 : vector<16xf32>
        %swap3A = arith.index_cast %mul3A_175 : i32 to index
        %swap3A_180 = tpu.vector_load %arg7[%swap3A] {strides = array<i32>} : memref<1024xf32, #tpu.memory_space<vmem>>, vector<16xf32>,
        tpu.vector_store %arg7[%swap3A], %add3A_179 {strides = array<i32>} : memref<1024xf32, #tpu.memory_space<vmem>>, vector<16xf32>,
      }
      %scan3A_50 = arith.constant 64 : i32
      %mul3A_51 = arith.constant 1024 : i32
      %mul3A_52 = arith.muli %arg1, %mul3A_51 : i32
      %run_scoped3A_53 = arith.constant 3 : i32
      "tpu.region"() ({
        %run_scoped3A_173 = tpu.sem_alloc : memref<!tpu.dma_semaphore, #tpu.memory_space<semaphore_mem>>
        %dma_start3A = tpu.memref_slice %arg8[%run_scoped3A_53, %mul3A_52] : memref<16x10240xf32, #tpu.memory_space<vmem_shared>> -> memref<1x1024xf32, #tpu.memory_space<vmem_shared>>
        %dma_start3A_174 = tpu.memref_squeeze %dma_start3A : memref<1x1024xf32, #tpu.memory_space<vmem_shared>> -> memref<1024xf32, #tpu.memory_space<vmem_shared>>
        %dma_start3A_175 = tpu.memref_slice %arg8[%run_scoped3A_53, %mul3A_52] : memref<16x10240xf32, #tpu.memory_space<vmem_shared>> -> memref<1x1024xf32, #tpu.memory_space<vmem_shared>>
        %dma_start3A_176 = tpu.memref_squeeze %dma_start3A_175 : memref<1x1024xf32, #tpu.memory_space<vmem_shared>> -> memref<1024xf32, #tpu.memory_space<vmem_shared>>
        tpu.enqueue_dma source(%dma_start3A_176 : memref<1024xf32, #tpu.memory_space<vmem_shared>>) target(%arg6 : memref<1024xf32, #tpu.memory_space<vmem>>) target_semaphore(%run_scoped3A_173 : memref<!tpu.dma_semaphore, #tpu.memory_space<semaphore_mem>>)
        %dma_wait3A = tpu.memref_slice %arg8[%run_scoped3A_53, %mul3A_52] : memref<16x10240xf32, #tpu.memory_space<vmem_shared>> -> memref<1x1024xf32, #tpu.memory_space<vmem_shared>>
        %dma_wait3A_177 = tpu.memref_squeeze %dma_wait3A : memref<1x1024xf32, #tpu.memory_space<vmem_shared>> -> memref<1024xf32, #tpu.memory_space<vmem_shared>>
        %dma_wait3A_178 = tpu.memref_slice %arg8[%run_scoped3A_53, %mul3A_52] : memref<16x10240xf32, #tpu.memory_space<vmem_shared>> -> memref<1x1024xf32, #tpu.memory_space<vmem_shared>>
        %dma_wait3A_179 = tpu.memref_squeeze %dma_wait3A_178 : memref<1x1024xf32, #tpu.memory_space<vmem_shared>> -> memref<1024xf32, #tpu.memory_space<vmem_shared>>
        tpu.wait_dma2 semaphore(%run_scoped3A_173 : memref<!tpu.dma_semaphore, #tpu.memory_space<semaphore_mem>>) src(%dma_wait3A_179 : memref<1024xf32, #tpu.memory_space<vmem_shared>>) dst(%arg6 : memref<1024xf32, #tpu.memory_space<vmem>>)
        tpu.yield
      }) : () -> ()
      %scan3A_54 = arith.constant 0 : i32
      %scan3A_55 = arith.constant 0 : i32
      %scan3A_56 = arith.constant 64 : i32
      %scan3A_57 = arith.addi %scan3A_55, %scan3A_56 : i32
      %scan3A_58 = arith.constant 1 : i32
      scf.for %scan3A_173 = %scan3A_55 to %scan3A_57 step %scan3A_58  : i32 {
        %mul3A_174 = arith.constant 16 : i32
        %mul3A_175 = arith.muli %scan3A_173, %mul3A_174 : i32
        %get3A = arith.index_cast %mul3A_175 : i32 to index
        %get3A_176 = tpu.vector_load %arg7[%get3A] {strides = array<i32>} : memref<1024xf32, #tpu.memory_space<vmem>>, vector<16xf32>,
        %get3A_177 = arith.index_cast %mul3A_175 : i32 to index
        %get3A_178 = tpu.vector_load %arg6[%get3A_177] {strides = array<i32>} : memref<1024xf32, #tpu.memory_space<vmem>>, vector<16xf32>,
        %add3A_179 = arith.addf %get3A_176, %get3A_178 : vector<16xf32>
        %swap3A = arith.index_cast %mul3A_175 : i32 to index
        %swap3A_180 = tpu.vector_load %arg7[%swap3A] {strides = array<i32>} : memref<1024xf32, #tpu.memory_space<vmem>>, vector<16xf32>,
        tpu.vector_store %arg7[%swap3A], %add3A_179 {strides = array<i32>} : memref<1024xf32, #tpu.memory_space<vmem>>, vector<16xf32>,
      }
      %scan3A_59 = arith.constant 64 : i32
      %mul3A_60 = arith.constant 1024 : i32
      %mul3A_61 = arith.muli %arg1, %mul3A_60 : i32
      %run_scoped3A_62 = arith.constant 4 : i32
      "tpu.region"() ({
        %run_scoped3A_173 = tpu.sem_alloc : memref<!tpu.dma_semaphore, #tpu.memory_space<semaphore_mem>>
        %dma_start3A = tpu.memref_slice %arg8[%run_scoped3A_62, %mul3A_61] : memref<16x10240xf32, #tpu.memory_space<vmem_shared>> -> memref<1x1024xf32, #tpu.memory_space<vmem_shared>>
        %dma_start3A_174 = tpu.memref_squeeze %dma_start3A : memref<1x1024xf32, #tpu.memory_space<vmem_shared>> -> memref<1024xf32, #tpu.memory_space<vmem_shared>>
        %dma_start3A_175 = tpu.memref_slice %arg8[%run_scoped3A_62, %mul3A_61] : memref<16x10240xf32, #tpu.memory_space<vmem_shared>> -> memref<1x1024xf32, #tpu.memory_space<vmem_shared>>
        %dma_start3A_176 = tpu.memref_squeeze %dma_start3A_175 : memref<1x1024xf32, #tpu.memory_space<vmem_shared>> -> memref<1024xf32, #tpu.memory_space<vmem_shared>>
        tpu.enqueue_dma source(%dma_start3A_176 : memref<1024xf32, #tpu.memory_space<vmem_shared>>) target(%arg6 : memref<1024xf32, #tpu.memory_space<vmem>>) target_semaphore(%run_scoped3A_173 : memref<!tpu.dma_semaphore, #tpu.memory_space<semaphore_mem>>)
        %dma_wait3A = tpu.memref_slice %arg8[%run_scoped3A_62, %mul3A_61] : memref<16x10240xf32, #tpu.memory_space<vmem_shared>> -> memref<1x1024xf32, #tpu.memory_space<vmem_shared>>
        %dma_wait3A_177 = tpu.memref_squeeze %dma_wait3A : memref<1x1024xf32, #tpu.memory_space<vmem_shared>> -> memref<1024xf32, #tpu.memory_space<vmem_shared>>
        %dma_wait3A_178 = tpu.memref_slice %arg8[%run_scoped3A_62, %mul3A_61] : memref<16x10240xf32, #tpu.memory_space<vmem_shared>> -> memref<1x1024xf32, #tpu.memory_space<vmem_shared>>
        %dma_wait3A_179 = tpu.memref_squeeze %dma_wait3A_178 : memref<1x1024xf32, #tpu.memory_space<vmem_shared>> -> memref<1024xf32, #tpu.memory_space<vmem_shared>>
        tpu.wait_dma2 semaphore(%run_scoped3A_173 : memref<!tpu.dma_semaphore, #tpu.memory_space<semaphore_mem>>) src(%dma_wait3A_179 : memref<1024xf32, #tpu.memory_space<vmem_shared>>) dst(%arg6 : memref<1024xf32, #tpu.memory_space<vmem>>)
        tpu.yield
      }) : () -> ()
      %scan3A_63 = arith.constant 0 : i32
      %scan3A_64 = arith.constant 0 : i32
      %scan3A_65 = arith.constant 64 : i32
      %scan3A_66 = arith.addi %scan3A_64, %scan3A_65 : i32
      %scan3A_67 = arith.constant 1 : i32
      scf.for %scan3A_173 = %scan3A_64 to %scan3A_66 step %scan3A_67  : i32 {
        %mul3A_174 = arith.constant 16 : i32
        %mul3A_175 = arith.muli %scan3A_173, %mul3A_174 : i32
        %get3A = arith.index_cast %mul3A_175 : i32 to index
        %get3A_176 = tpu.vector_load %arg7[%get3A] {strides = array<i32>} : memref<1024xf32, #tpu.memory_space<vmem>>, vector<16xf32>,
        %get3A_177 = arith.index_cast %mul3A_175 : i32 to index
        %get3A_178 = tpu.vector_load %arg6[%get3A_177] {strides = array<i32>} : memref<1024xf32, #tpu.memory_space<vmem>>, vector<16xf32>,
        %add3A_179 = arith.addf %get3A_176, %get3A_178 : vector<16xf32>
        %swap3A = arith.index_cast %mul3A_175 : i32 to index
        %swap3A_180 = tpu.vector_load %arg7[%swap3A] {strides = array<i32>} : memref<1024xf32, #tpu.memory_space<vmem>>, vector<16xf32>,
        tpu.vector_store %arg7[%swap3A], %add3A_179 {strides = array<i32>} : memref<1024xf32, #tpu.memory_space<vmem>>, vector<16xf32>,
      }
      %scan3A_68 = arith.constant 64 : i32
      %mul3A_69 = arith.constant 1024 : i32
      %mul3A_70 = arith.muli %arg1, %mul3A_69 : i32
      %run_scoped3A_71 = arith.constant 5 : i32
      "tpu.region"() ({
        %run_scoped3A_173 = tpu.sem_alloc : memref<!tpu.dma_semaphore, #tpu.memory_space<semaphore_mem>>
        %dma_start3A = tpu.memref_slice %arg8[%run_scoped3A_71, %mul3A_70] : memref<16x10240xf32, #tpu.memory_space<vmem_shared>> -> memref<1x1024xf32, #tpu.memory_space<vmem_shared>>
        %dma_start3A_174 = tpu.memref_squeeze %dma_start3A : memref<1x1024xf32, #tpu.memory_space<vmem_shared>> -> memref<1024xf32, #tpu.memory_space<vmem_shared>>
        %dma_start3A_175 = tpu.memref_slice %arg8[%run_scoped3A_71, %mul3A_70] : memref<16x10240xf32, #tpu.memory_space<vmem_shared>> -> memref<1x1024xf32, #tpu.memory_space<vmem_shared>>
        %dma_start3A_176 = tpu.memref_squeeze %dma_start3A_175 : memref<1x1024xf32, #tpu.memory_space<vmem_shared>> -> memref<1024xf32, #tpu.memory_space<vmem_shared>>
        tpu.enqueue_dma source(%dma_start3A_176 : memref<1024xf32, #tpu.memory_space<vmem_shared>>) target(%arg6 : memref<1024xf32, #tpu.memory_space<vmem>>) target_semaphore(%run_scoped3A_173 : memref<!tpu.dma_semaphore, #tpu.memory_space<semaphore_mem>>)
        %dma_wait3A = tpu.memref_slice %arg8[%run_scoped3A_71, %mul3A_70] : memref<16x10240xf32, #tpu.memory_space<vmem_shared>> -> memref<1x1024xf32, #tpu.memory_space<vmem_shared>>
        %dma_wait3A_177 = tpu.memref_squeeze %dma_wait3A : memref<1x1024xf32, #tpu.memory_space<vmem_shared>> -> memref<1024xf32, #tpu.memory_space<vmem_shared>>
        %dma_wait3A_178 = tpu.memref_slice %arg8[%run_scoped3A_71, %mul3A_70] : memref<16x10240xf32, #tpu.memory_space<vmem_shared>> -> memref<1x1024xf32, #tpu.memory_space<vmem_shared>>
        %dma_wait3A_179 = tpu.memref_squeeze %dma_wait3A_178 : memref<1x1024xf32, #tpu.memory_space<vmem_shared>> -> memref<1024xf32, #tpu.memory_space<vmem_shared>>
        tpu.wait_dma2 semaphore(%run_scoped3A_173 : memref<!tpu.dma_semaphore, #tpu.memory_space<semaphore_mem>>) src(%dma_wait3A_179 : memref<1024xf32, #tpu.memory_space<vmem_shared>>) dst(%arg6 : memref<1024xf32, #tpu.memory_space<vmem>>)
        tpu.yield
      }) : () -> ()
      %scan3A_72 = arith.constant 0 : i32
      %scan3A_73 = arith.constant 0 : i32
      %scan3A_74 = arith.constant 64 : i32
      %scan3A_75 = arith.addi %scan3A_73, %scan3A_74 : i32
      %scan3A_76 = arith.constant 1 : i32
      scf.for %scan3A_173 = %scan3A_73 to %scan3A_75 step %scan3A_76  : i32 {
        %mul3A_174 = arith.constant 16 : i32
        %mul3A_175 = arith.muli %scan3A_173, %mul3A_174 : i32
        %get3A = arith.index_cast %mul3A_175 : i32 to index
        %get3A_176 = tpu.vector_load %arg7[%get3A] {strides = array<i32>} : memref<1024xf32, #tpu.memory_space<vmem>>, vector<16xf32>,
        %get3A_177 = arith.index_cast %mul3A_175 : i32 to index
        %get3A_178 = tpu.vector_load %arg6[%get3A_177] {strides = array<i32>} : memref<1024xf32, #tpu.memory_space<vmem>>, vector<16xf32>,
        %add3A_179 = arith.addf %get3A_176, %get3A_178 : vector<16xf32>
        %swap3A = arith.index_cast %mul3A_175 : i32 to index
        %swap3A_180 = tpu.vector_load %arg7[%swap3A] {strides = array<i32>} : memref<1024xf32, #tpu.memory_space<vmem>>, vector<16xf32>,
        tpu.vector_store %arg7[%swap3A], %add3A_179 {strides = array<i32>} : memref<1024xf32, #tpu.memory_space<vmem>>, vector<16xf32>,
      }
      %scan3A_77 = arith.constant 64 : i32
      %mul3A_78 = arith.constant 1024 : i32
      %mul3A_79 = arith.muli %arg1, %mul3A_78 : i32
      %run_scoped3A_80 = arith.constant 6 : i32
      "tpu.region"() ({
        %run_scoped3A_173 = tpu.sem_alloc : memref<!tpu.dma_semaphore, #tpu.memory_space<semaphore_mem>>
        %dma_start3A = tpu.memref_slice %arg8[%run_scoped3A_80, %mul3A_79] : memref<16x10240xf32, #tpu.memory_space<vmem_shared>> -> memref<1x1024xf32, #tpu.memory_space<vmem_shared>>
        %dma_start3A_174 = tpu.memref_squeeze %dma_start3A : memref<1x1024xf32, #tpu.memory_space<vmem_shared>> -> memref<1024xf32, #tpu.memory_space<vmem_shared>>
        %dma_start3A_175 = tpu.memref_slice %arg8[%run_scoped3A_80, %mul3A_79] : memref<16x10240xf32, #tpu.memory_space<vmem_shared>> -> memref<1x1024xf32, #tpu.memory_space<vmem_shared>>
        %dma_start3A_176 = tpu.memref_squeeze %dma_start3A_175 : memref<1x1024xf32, #tpu.memory_space<vmem_shared>> -> memref<1024xf32, #tpu.memory_space<vmem_shared>>
        tpu.enqueue_dma source(%dma_start3A_176 : memref<1024xf32, #tpu.memory_space<vmem_shared>>) target(%arg6 : memref<1024xf32, #tpu.memory_space<vmem>>) target_semaphore(%run_scoped3A_173 : memref<!tpu.dma_semaphore, #tpu.memory_space<semaphore_mem>>)
        %dma_wait3A = tpu.memref_slice %arg8[%run_scoped3A_80, %mul3A_79] : memref<16x10240xf32, #tpu.memory_space<vmem_shared>> -> memref<1x1024xf32, #tpu.memory_space<vmem_shared>>
        %dma_wait3A_177 = tpu.memref_squeeze %dma_wait3A : memref<1x1024xf32, #tpu.memory_space<vmem_shared>> -> memref<1024xf32, #tpu.memory_space<vmem_shared>>
        %dma_wait3A_178 = tpu.memref_slice %arg8[%run_scoped3A_80, %mul3A_79] : memref<16x10240xf32, #tpu.memory_space<vmem_shared>> -> memref<1x1024xf32, #tpu.memory_space<vmem_shared>>
        %dma_wait3A_179 = tpu.memref_squeeze %dma_wait3A_178 : memref<1x1024xf32, #tpu.memory_space<vmem_shared>> -> memref<1024xf32, #tpu.memory_space<vmem_shared>>
        tpu.wait_dma2 semaphore(%run_scoped3A_173 : memref<!tpu.dma_semaphore, #tpu.memory_space<semaphore_mem>>) src(%dma_wait3A_179 : memref<1024xf32, #tpu.memory_space<vmem_shared>>) dst(%arg6 : memref<1024xf32, #tpu.memory_space<vmem>>)
        tpu.yield
      }) : () -> ()
      %scan3A_81 = arith.constant 0 : i32
      %scan3A_82 = arith.constant 0 : i32
      %scan3A_83 = arith.constant 64 : i32
      %scan3A_84 = arith.addi %scan3A_82, %scan3A_83 : i32
      %scan3A_85 = arith.constant 1 : i32
      scf.for %scan3A_173 = %scan3A_82 to %scan3A_84 step %scan3A_85  : i32 {
        %mul3A_174 = arith.constant 16 : i32
        %mul3A_175 = arith.muli %scan3A_173, %mul3A_174 : i32
        %get3A = arith.index_cast %mul3A_175 : i32 to index
        %get3A_176 = tpu.vector_load %arg7[%get3A] {strides = array<i32>} : memref<1024xf32, #tpu.memory_space<vmem>>, vector<16xf32>,
        %get3A_177 = arith.index_cast %mul3A_175 : i32 to index
        %get3A_178 = tpu.vector_load %arg6[%get3A_177] {strides = array<i32>} : memref<1024xf32, #tpu.memory_space<vmem>>, vector<16xf32>,
        %add3A_179 = arith.addf %get3A_176, %get3A_178 : vector<16xf32>
        %swap3A = arith.index_cast %mul3A_175 : i32 to index
        %swap3A_180 = tpu.vector_load %arg7[%swap3A] {strides = array<i32>} : memref<1024xf32, #tpu.memory_space<vmem>>, vector<16xf32>,
        tpu.vector_store %arg7[%swap3A], %add3A_179 {strides = array<i32>} : memref<1024xf32, #tpu.memory_space<vmem>>, vector<16xf32>,
      }
      %scan3A_86 = arith.constant 64 : i32
      %mul3A_87 = arith.constant 1024 : i32
      %mul3A_88 = arith.muli %arg1, %mul3A_87 : i32
      %run_scoped3A_89 = arith.constant 7 : i32
      "tpu.region"() ({
        %run_scoped3A_173 = tpu.sem_alloc : memref<!tpu.dma_semaphore, #tpu.memory_space<semaphore_mem>>
        %dma_start3A = tpu.memref_slice %arg8[%run_scoped3A_89, %mul3A_88] : memref<16x10240xf32, #tpu.memory_space<vmem_shared>> -> memref<1x1024xf32, #tpu.memory_space<vmem_shared>>
        %dma_start3A_174 = tpu.memref_squeeze %dma_start3A : memref<1x1024xf32, #tpu.memory_space<vmem_shared>> -> memref<1024xf32, #tpu.memory_space<vmem_shared>>
        %dma_start3A_175 = tpu.memref_slice %arg8[%run_scoped3A_89, %mul3A_88] : memref<16x10240xf32, #tpu.memory_space<vmem_shared>> -> memref<1x1024xf32, #tpu.memory_space<vmem_shared>>
        %dma_start3A_176 = tpu.memref_squeeze %dma_start3A_175 : memref<1x1024xf32, #tpu.memory_space<vmem_shared>> -> memref<1024xf32, #tpu.memory_space<vmem_shared>>
        tpu.enqueue_dma source(%dma_start3A_176 : memref<1024xf32, #tpu.memory_space<vmem_shared>>) target(%arg6 : memref<1024xf32, #tpu.memory_space<vmem>>) target_semaphore(%run_scoped3A_173 : memref<!tpu.dma_semaphore, #tpu.memory_space<semaphore_mem>>)
        %dma_wait3A = tpu.memref_slice %arg8[%run_scoped3A_89, %mul3A_88] : memref<16x10240xf32, #tpu.memory_space<vmem_shared>> -> memref<1x1024xf32, #tpu.memory_space<vmem_shared>>
        %dma_wait3A_177 = tpu.memref_squeeze %dma_wait3A : memref<1x1024xf32, #tpu.memory_space<vmem_shared>> -> memref<1024xf32, #tpu.memory_space<vmem_shared>>
        %dma_wait3A_178 = tpu.memref_slice %arg8[%run_scoped3A_89, %mul3A_88] : memref<16x10240xf32, #tpu.memory_space<vmem_shared>> -> memref<1x1024xf32, #tpu.memory_space<vmem_shared>>
        %dma_wait3A_179 = tpu.memref_squeeze %dma_wait3A_178 : memref<1x1024xf32, #tpu.memory_space<vmem_shared>> -> memref<1024xf32, #tpu.memory_space<vmem_shared>>
        tpu.wait_dma2 semaphore(%run_scoped3A_173 : memref<!tpu.dma_semaphore, #tpu.memory_space<semaphore_mem>>) src(%dma_wait3A_179 : memref<1024xf32, #tpu.memory_space<vmem_shared>>) dst(%arg6 : memref<1024xf32, #tpu.memory_space<vmem>>)
        tpu.yield
      }) : () -> ()
      %scan3A_90 = arith.constant 0 : i32
      %scan3A_91 = arith.constant 0 : i32
      %scan3A_92 = arith.constant 64 : i32
      %scan3A_93 = arith.addi %scan3A_91, %scan3A_92 : i32
      %scan3A_94 = arith.constant 1 : i32
      scf.for %scan3A_173 = %scan3A_91 to %scan3A_93 step %scan3A_94  : i32 {
        %mul3A_174 = arith.constant 16 : i32
        %mul3A_175 = arith.muli %scan3A_173, %mul3A_174 : i32
        %get3A = arith.index_cast %mul3A_175 : i32 to index
        %get3A_176 = tpu.vector_load %arg7[%get3A] {strides = array<i32>} : memref<1024xf32, #tpu.memory_space<vmem>>, vector<16xf32>,
        %get3A_177 = arith.index_cast %mul3A_175 : i32 to index
        %get3A_178 = tpu.vector_load %arg6[%get3A_177] {strides = array<i32>} : memref<1024xf32, #tpu.memory_space<vmem>>, vector<16xf32>,
        %add3A_179 = arith.addf %get3A_176, %get3A_178 : vector<16xf32>
        %swap3A = arith.index_cast %mul3A_175 : i32 to index
        %swap3A_180 = tpu.vector_load %arg7[%swap3A] {strides = array<i32>} : memref<1024xf32, #tpu.memory_space<vmem>>, vector<16xf32>,
        tpu.vector_store %arg7[%swap3A], %add3A_179 {strides = array<i32>} : memref<1024xf32, #tpu.memory_space<vmem>>, vector<16xf32>,
      }
      %scan3A_95 = arith.constant 64 : i32
      %mul3A_96 = arith.constant 1024 : i32
      %mul3A_97 = arith.muli %arg1, %mul3A_96 : i32
      %run_scoped3A_98 = arith.constant 8 : i32
      "tpu.region"() ({
        %run_scoped3A_173 = tpu.sem_alloc : memref<!tpu.dma_semaphore, #tpu.memory_space<semaphore_mem>>
        %dma_start3A = tpu.memref_slice %arg8[%run_scoped3A_98, %mul3A_97] : memref<16x10240xf32, #tpu.memory_space<vmem_shared>> -> memref<1x1024xf32, #tpu.memory_space<vmem_shared>>
        %dma_start3A_174 = tpu.memref_squeeze %dma_start3A : memref<1x1024xf32, #tpu.memory_space<vmem_shared>> -> memref<1024xf32, #tpu.memory_space<vmem_shared>>
        %dma_start3A_175 = tpu.memref_slice %arg8[%run_scoped3A_98, %mul3A_97] : memref<16x10240xf32, #tpu.memory_space<vmem_shared>> -> memref<1x1024xf32, #tpu.memory_space<vmem_shared>>
        %dma_start3A_176 = tpu.memref_squeeze %dma_start3A_175 : memref<1x1024xf32, #tpu.memory_space<vmem_shared>> -> memref<1024xf32, #tpu.memory_space<vmem_shared>>
        tpu.enqueue_dma source(%dma_start3A_176 : memref<1024xf32, #tpu.memory_space<vmem_shared>>) target(%arg6 : memref<1024xf32, #tpu.memory_space<vmem>>) target_semaphore(%run_scoped3A_173 : memref<!tpu.dma_semaphore, #tpu.memory_space<semaphore_mem>>)
        %dma_wait3A = tpu.memref_slice %arg8[%run_scoped3A_98, %mul3A_97] : memref<16x10240xf32, #tpu.memory_space<vmem_shared>> -> memref<1x1024xf32, #tpu.memory_space<vmem_shared>>
        %dma_wait3A_177 = tpu.memref_squeeze %dma_wait3A : memref<1x1024xf32, #tpu.memory_space<vmem_shared>> -> memref<1024xf32, #tpu.memory_space<vmem_shared>>
        %dma_wait3A_178 = tpu.memref_slice %arg8[%run_scoped3A_98, %mul3A_97] : memref<16x10240xf32, #tpu.memory_space<vmem_shared>> -> memref<1x1024xf32, #tpu.memory_space<vmem_shared>>
        %dma_wait3A_179 = tpu.memref_squeeze %dma_wait3A_178 : memref<1x1024xf32, #tpu.memory_space<vmem_shared>> -> memref<1024xf32, #tpu.memory_space<vmem_shared>>
        tpu.wait_dma2 semaphore(%run_scoped3A_173 : memref<!tpu.dma_semaphore, #tpu.memory_space<semaphore_mem>>) src(%dma_wait3A_179 : memref<1024xf32, #tpu.memory_space<vmem_shared>>) dst(%arg6 : memref<1024xf32, #tpu.memory_space<vmem>>)
        tpu.yield
      }) : () -> ()
      %scan3A_99 = arith.constant 0 : i32
      %scan3A_100 = arith.constant 0 : i32
      %scan3A_101 = arith.constant 64 : i32
      %scan3A_102 = arith.addi %scan3A_100, %scan3A_101 : i32
      %scan3A_103 = arith.constant 1 : i32
      scf.for %scan3A_173 = %scan3A_100 to %scan3A_102 step %scan3A_103  : i32 {
        %mul3A_174 = arith.constant 16 : i32
        %mul3A_175 = arith.muli %scan3A_173, %mul3A_174 : i32
        %get3A = arith.index_cast %mul3A_175 : i32 to index
        %get3A_176 = tpu.vector_load %arg7[%get3A] {strides = array<i32>} : memref<1024xf32, #tpu.memory_space<vmem>>, vector<16xf32>,
        %get3A_177 = arith.index_cast %mul3A_175 : i32 to index
        %get3A_178 = tpu.vector_load %arg6[%get3A_177] {strides = array<i32>} : memref<1024xf32, #tpu.memory_space<vmem>>, vector<16xf32>,
        %add3A_179 = arith.addf %get3A_176, %get3A_178 : vector<16xf32>
        %swap3A = arith.index_cast %mul3A_175 : i32 to index
        %swap3A_180 = tpu.vector_load %arg7[%swap3A] {strides = array<i32>} : memref<1024xf32, #tpu.memory_space<vmem>>, vector<16xf32>,
        tpu.vector_store %arg7[%swap3A], %add3A_179 {strides = array<i32>} : memref<1024xf32, #tpu.memory_space<vmem>>, vector<16xf32>,
      }
      %scan3A_104 = arith.constant 64 : i32
      %mul3A_105 = arith.constant 1024 : i32
      %mul3A_106 = arith.muli %arg1, %mul3A_105 : i32
      %run_scoped3A_107 = arith.constant 9 : i32
      "tpu.region"() ({
        %run_scoped3A_173 = tpu.sem_alloc : memref<!tpu.dma_semaphore, #tpu.memory_space<semaphore_mem>>
        %dma_start3A = tpu.memref_slice %arg8[%run_scoped3A_107, %mul3A_106] : memref<16x10240xf32, #tpu.memory_space<vmem_shared>> -> memref<1x1024xf32, #tpu.memory_space<vmem_shared>>
        %dma_start3A_174 = tpu.memref_squeeze %dma_start3A : memref<1x1024xf32, #tpu.memory_space<vmem_shared>> -> memref<1024xf32, #tpu.memory_space<vmem_shared>>
        %dma_start3A_175 = tpu.memref_slice %arg8[%run_scoped3A_107, %mul3A_106] : memref<16x10240xf32, #tpu.memory_space<vmem_shared>> -> memref<1x1024xf32, #tpu.memory_space<vmem_shared>>
        %dma_start3A_176 = tpu.memref_squeeze %dma_start3A_175 : memref<1x1024xf32, #tpu.memory_space<vmem_shared>> -> memref<1024xf32, #tpu.memory_space<vmem_shared>>
        tpu.enqueue_dma source(%dma_start3A_176 : memref<1024xf32, #tpu.memory_space<vmem_shared>>) target(%arg6 : memref<1024xf32, #tpu.memory_space<vmem>>) target_semaphore(%run_scoped3A_173 : memref<!tpu.dma_semaphore, #tpu.memory_space<semaphore_mem>>)
        %dma_wait3A = tpu.memref_slice %arg8[%run_scoped3A_107, %mul3A_106] : memref<16x10240xf32, #tpu.memory_space<vmem_shared>> -> memref<1x1024xf32, #tpu.memory_space<vmem_shared>>
        %dma_wait3A_177 = tpu.memref_squeeze %dma_wait3A : memref<1x1024xf32, #tpu.memory_space<vmem_shared>> -> memref<1024xf32, #tpu.memory_space<vmem_shared>>
        %dma_wait3A_178 = tpu.memref_slice %arg8[%run_scoped3A_107, %mul3A_106] : memref<16x10240xf32, #tpu.memory_space<vmem_shared>> -> memref<1x1024xf32, #tpu.memory_space<vmem_shared>>
        %dma_wait3A_179 = tpu.memref_squeeze %dma_wait3A_178 : memref<1x1024xf32, #tpu.memory_space<vmem_shared>> -> memref<1024xf32, #tpu.memory_space<vmem_shared>>
        tpu.wait_dma2 semaphore(%run_scoped3A_173 : memref<!tpu.dma_semaphore, #tpu.memory_space<semaphore_mem>>) src(%dma_wait3A_179 : memref<1024xf32, #tpu.memory_space<vmem_shared>>) dst(%arg6 : memref<1024xf32, #tpu.memory_space<vmem>>)
        tpu.yield
      }) : () -> ()
      %scan3A_108 = arith.constant 0 : i32
      %scan3A_109 = arith.constant 0 : i32
      %scan3A_110 = arith.constant 64 : i32
      %scan3A_111 = arith.addi %scan3A_109, %scan3A_110 : i32
      %scan3A_112 = arith.constant 1 : i32
      scf.for %scan3A_173 = %scan3A_109 to %scan3A_111 step %scan3A_112  : i32 {
        %mul3A_174 = arith.constant 16 : i32
        %mul3A_175 = arith.muli %scan3A_173, %mul3A_174 : i32
        %get3A = arith.index_cast %mul3A_175 : i32 to index
        %get3A_176 = tpu.vector_load %arg7[%get3A] {strides = array<i32>} : memref<1024xf32, #tpu.memory_space<vmem>>, vector<16xf32>,
        %get3A_177 = arith.index_cast %mul3A_175 : i32 to index
        %get3A_178 = tpu.vector_load %arg6[%get3A_177] {strides = array<i32>} : memref<1024xf32, #tpu.memory_space<vmem>>, vector<16xf32>,
        %add3A_179 = arith.addf %get3A_176, %get3A_178 : vector<16xf32>
        %swap3A = arith.index_cast %mul3A_175 : i32 to index
        %swap3A_180 = tpu.vector_load %arg7[%swap3A] {strides = array<i32>} : memref<1024xf32, #tpu.memory_space<vmem>>, vector<16xf32>,
        tpu.vector_store %arg7[%swap3A], %add3A_179 {strides = array<i32>} : memref<1024xf32, #tpu.memory_space<vmem>>, vector<16xf32>,
      }
      %scan3A_113 = arith.constant 64 : i32
      %mul3A_114 = arith.constant 1024 : i32
      %mul3A_115 = arith.muli %arg1, %mul3A_114 : i32
      %run_scoped3A_116 = arith.constant 10 : i32
      "tpu.region"() ({
        %run_scoped3A_173 = tpu.sem_alloc : memref<!tpu.dma_semaphore, #tpu.memory_space<semaphore_mem>>
        %dma_start3A = tpu.memref_slice %arg8[%run_scoped3A_116, %mul3A_115] : memref<16x10240xf32, #tpu.memory_space<vmem_shared>> -> memref<1x1024xf32, #tpu.memory_space<vmem_shared>>
        %dma_start3A_174 = tpu.memref_squeeze %dma_start3A : memref<1x1024xf32, #tpu.memory_space<vmem_shared>> -> memref<1024xf32, #tpu.memory_space<vmem_shared>>
        %dma_start3A_175 = tpu.memref_slice %arg8[%run_scoped3A_116, %mul3A_115] : memref<16x10240xf32, #tpu.memory_space<vmem_shared>> -> memref<1x1024xf32, #tpu.memory_space<vmem_shared>>
        %dma_start3A_176 = tpu.memref_squeeze %dma_start3A_175 : memref<1x1024xf32, #tpu.memory_space<vmem_shared>> -> memref<1024xf32, #tpu.memory_space<vmem_shared>>
        tpu.enqueue_dma source(%dma_start3A_176 : memref<1024xf32, #tpu.memory_space<vmem_shared>>) target(%arg6 : memref<1024xf32, #tpu.memory_space<vmem>>) target_semaphore(%run_scoped3A_173 : memref<!tpu.dma_semaphore, #tpu.memory_space<semaphore_mem>>)
        %dma_wait3A = tpu.memref_slice %arg8[%run_scoped3A_116, %mul3A_115] : memref<16x10240xf32, #tpu.memory_space<vmem_shared>> -> memref<1x1024xf32, #tpu.memory_space<vmem_shared>>
        %dma_wait3A_177 = tpu.memref_squeeze %dma_wait3A : memref<1x1024xf32, #tpu.memory_space<vmem_shared>> -> memref<1024xf32, #tpu.memory_space<vmem_shared>>
        %dma_wait3A_178 = tpu.memref_slice %arg8[%run_scoped3A_116, %mul3A_115] : memref<16x10240xf32, #tpu.memory_space<vmem_shared>> -> memref<1x1024xf32, #tpu.memory_space<vmem_shared>>
        %dma_wait3A_179 = tpu.memref_squeeze %dma_wait3A_178 : memref<1x1024xf32, #tpu.memory_space<vmem_shared>> -> memref<1024xf32, #tpu.memory_space<vmem_shared>>
        tpu.wait_dma2 semaphore(%run_scoped3A_173 : memref<!tpu.dma_semaphore, #tpu.memory_space<semaphore_mem>>) src(%dma_wait3A_179 : memref<1024xf32, #tpu.memory_space<vmem_shared>>) dst(%arg6 : memref<1024xf32, #tpu.memory_space<vmem>>)
        tpu.yield
      }) : () -> ()
      %scan3A_117 = arith.constant 0 : i32
      %scan3A_118 = arith.constant 0 : i32
      %scan3A_119 = arith.constant 64 : i32
      %scan3A_120 = arith.addi %scan3A_118, %scan3A_119 : i32
      %scan3A_121 = arith.constant 1 : i32
      scf.for %scan3A_173 = %scan3A_118 to %scan3A_120 step %scan3A_121  : i32 {
        %mul3A_174 = arith.constant 16 : i32
        %mul3A_175 = arith.muli %scan3A_173, %mul3A_174 : i32
        %get3A = arith.index_cast %mul3A_175 : i32 to index
        %get3A_176 = tpu.vector_load %arg7[%get3A] {strides = array<i32>} : memref<1024xf32, #tpu.memory_space<vmem>>, vector<16xf32>,
        %get3A_177 = arith.index_cast %mul3A_175 : i32 to index
        %get3A_178 = tpu.vector_load %arg6[%get3A_177] {strides = array<i32>} : memref<1024xf32, #tpu.memory_space<vmem>>, vector<16xf32>,
        %add3A_179 = arith.addf %get3A_176, %get3A_178 : vector<16xf32>
        %swap3A = arith.index_cast %mul3A_175 : i32 to index
        %swap3A_180 = tpu.vector_load %arg7[%swap3A] {strides = array<i32>} : memref<1024xf32, #tpu.memory_space<vmem>>, vector<16xf32>,
        tpu.vector_store %arg7[%swap3A], %add3A_179 {strides = array<i32>} : memref<1024xf32, #tpu.memory_space<vmem>>, vector<16xf32>,
      }
      %scan3A_122 = arith.constant 64 : i32
      %mul3A_123 = arith.constant 1024 : i32
      %mul3A_124 = arith.muli %arg1, %mul3A_123 : i32
      %run_scoped3A_125 = arith.constant 11 : i32
      "tpu.region"() ({
        %run_scoped3A_173 = tpu.sem_alloc : memref<!tpu.dma_semaphore, #tpu.memory_space<semaphore_mem>>
        %dma_start3A = tpu.memref_slice %arg8[%run_scoped3A_125, %mul3A_124] : memref<16x10240xf32, #tpu.memory_space<vmem_shared>> -> memref<1x1024xf32, #tpu.memory_space<vmem_shared>>
        %dma_start3A_174 = tpu.memref_squeeze %dma_start3A : memref<1x1024xf32, #tpu.memory_space<vmem_shared>> -> memref<1024xf32, #tpu.memory_space<vmem_shared>>
        %dma_start3A_175 = tpu.memref_slice %arg8[%run_scoped3A_125, %mul3A_124] : memref<16x10240xf32, #tpu.memory_space<vmem_shared>> -> memref<1x1024xf32, #tpu.memory_space<vmem_shared>>
        %dma_start3A_176 = tpu.memref_squeeze %dma_start3A_175 : memref<1x1024xf32, #tpu.memory_space<vmem_shared>> -> memref<1024xf32, #tpu.memory_space<vmem_shared>>
        tpu.enqueue_dma source(%dma_start3A_176 : memref<1024xf32, #tpu.memory_space<vmem_shared>>) target(%arg6 : memref<1024xf32, #tpu.memory_space<vmem>>) target_semaphore(%run_scoped3A_173 : memref<!tpu.dma_semaphore, #tpu.memory_space<semaphore_mem>>)
        %dma_wait3A = tpu.memref_slice %arg8[%run_scoped3A_125, %mul3A_124] : memref<16x10240xf32, #tpu.memory_space<vmem_shared>> -> memref<1x1024xf32, #tpu.memory_space<vmem_shared>>
        %dma_wait3A_177 = tpu.memref_squeeze %dma_wait3A : memref<1x1024xf32, #tpu.memory_space<vmem_shared>> -> memref<1024xf32, #tpu.memory_space<vmem_shared>>
        %dma_wait3A_178 = tpu.memref_slice %arg8[%run_scoped3A_125, %mul3A_124] : memref<16x10240xf32, #tpu.memory_space<vmem_shared>> -> memref<1x1024xf32, #tpu.memory_space<vmem_shared>>
        %dma_wait3A_179 = tpu.memref_squeeze %dma_wait3A_178 : memref<1x1024xf32, #tpu.memory_space<vmem_shared>> -> memref<1024xf32, #tpu.memory_space<vmem_shared>>
        tpu.wait_dma2 semaphore(%run_scoped3A_173 : memref<!tpu.dma_semaphore, #tpu.memory_space<semaphore_mem>>) src(%dma_wait3A_179 : memref<1024xf32, #tpu.memory_space<vmem_shared>>) dst(%arg6 : memref<1024xf32, #tpu.memory_space<vmem>>)
        tpu.yield
      }) : () -> ()
      %scan3A_126 = arith.constant 0 : i32
      %scan3A_127 = arith.constant 0 : i32
      %scan3A_128 = arith.constant 64 : i32
      %scan3A_129 = arith.addi %scan3A_127, %scan3A_128 : i32
      %scan3A_130 = arith.constant 1 : i32
      scf.for %scan3A_173 = %scan3A_127 to %scan3A_129 step %scan3A_130  : i32 {
        %mul3A_174 = arith.constant 16 : i32
        %mul3A_175 = arith.muli %scan3A_173, %mul3A_174 : i32
        %get3A = arith.index_cast %mul3A_175 : i32 to index
        %get3A_176 = tpu.vector_load %arg7[%get3A] {strides = array<i32>} : memref<1024xf32, #tpu.memory_space<vmem>>, vector<16xf32>,
        %get3A_177 = arith.index_cast %mul3A_175 : i32 to index
        %get3A_178 = tpu.vector_load %arg6[%get3A_177] {strides = array<i32>} : memref<1024xf32, #tpu.memory_space<vmem>>, vector<16xf32>,
        %add3A_179 = arith.addf %get3A_176, %get3A_178 : vector<16xf32>
        %swap3A = arith.index_cast %mul3A_175 : i32 to index
        %swap3A_180 = tpu.vector_load %arg7[%swap3A] {strides = array<i32>} : memref<1024xf32, #tpu.memory_space<vmem>>, vector<16xf32>,
        tpu.vector_store %arg7[%swap3A], %add3A_179 {strides = array<i32>} : memref<1024xf32, #tpu.memory_space<vmem>>, vector<16xf32>,
      }
      %scan3A_131 = arith.constant 64 : i32
      %mul3A_132 = arith.constant 1024 : i32
      %mul3A_133 = arith.muli %arg1, %mul3A_132 : i32
      %run_scoped3A_134 = arith.constant 12 : i32
      "tpu.region"() ({
        %run_scoped3A_173 = tpu.sem_alloc : memref<!tpu.dma_semaphore, #tpu.memory_space<semaphore_mem>>
        %dma_start3A = tpu.memref_slice %arg8[%run_scoped3A_134, %mul3A_133] : memref<16x10240xf32, #tpu.memory_space<vmem_shared>> -> memref<1x1024xf32, #tpu.memory_space<vmem_shared>>
        %dma_start3A_174 = tpu.memref_squeeze %dma_start3A : memref<1x1024xf32, #tpu.memory_space<vmem_shared>> -> memref<1024xf32, #tpu.memory_space<vmem_shared>>
        %dma_start3A_175 = tpu.memref_slice %arg8[%run_scoped3A_134, %mul3A_133] : memref<16x10240xf32, #tpu.memory_space<vmem_shared>> -> memref<1x1024xf32, #tpu.memory_space<vmem_shared>>
        %dma_start3A_176 = tpu.memref_squeeze %dma_start3A_175 : memref<1x1024xf32, #tpu.memory_space<vmem_shared>> -> memref<1024xf32, #tpu.memory_space<vmem_shared>>
        tpu.enqueue_dma source(%dma_start3A_176 : memref<1024xf32, #tpu.memory_space<vmem_shared>>) target(%arg6 : memref<1024xf32, #tpu.memory_space<vmem>>) target_semaphore(%run_scoped3A_173 : memref<!tpu.dma_semaphore, #tpu.memory_space<semaphore_mem>>)
        %dma_wait3A = tpu.memref_slice %arg8[%run_scoped3A_134, %mul3A_133] : memref<16x10240xf32, #tpu.memory_space<vmem_shared>> -> memref<1x1024xf32, #tpu.memory_space<vmem_shared>>
        %dma_wait3A_177 = tpu.memref_squeeze %dma_wait3A : memref<1x1024xf32, #tpu.memory_space<vmem_shared>> -> memref<1024xf32, #tpu.memory_space<vmem_shared>>
        %dma_wait3A_178 = tpu.memref_slice %arg8[%run_scoped3A_134, %mul3A_133] : memref<16x10240xf32, #tpu.memory_space<vmem_shared>> -> memref<1x1024xf32, #tpu.memory_space<vmem_shared>>
        %dma_wait3A_179 = tpu.memref_squeeze %dma_wait3A_178 : memref<1x1024xf32, #tpu.memory_space<vmem_shared>> -> memref<1024xf32, #tpu.memory_space<vmem_shared>>
        tpu.wait_dma2 semaphore(%run_scoped3A_173 : memref<!tpu.dma_semaphore, #tpu.memory_space<semaphore_mem>>) src(%dma_wait3A_179 : memref<1024xf32, #tpu.memory_space<vmem_shared>>) dst(%arg6 : memref<1024xf32, #tpu.memory_space<vmem>>)
        tpu.yield
      }) : () -> ()
      %scan3A_135 = arith.constant 0 : i32
      %scan3A_136 = arith.constant 0 : i32
      %scan3A_137 = arith.constant 64 : i32
      %scan3A_138 = arith.addi %scan3A_136, %scan3A_137 : i32
      %scan3A_139 = arith.constant 1 : i32
      scf.for %scan3A_173 = %scan3A_136 to %scan3A_138 step %scan3A_139  : i32 {
        %mul3A_174 = arith.constant 16 : i32
        %mul3A_175 = arith.muli %scan3A_173, %mul3A_174 : i32
        %get3A = arith.index_cast %mul3A_175 : i32 to index
        %get3A_176 = tpu.vector_load %arg7[%get3A] {strides = array<i32>} : memref<1024xf32, #tpu.memory_space<vmem>>, vector<16xf32>,
        %get3A_177 = arith.index_cast %mul3A_175 : i32 to index
        %get3A_178 = tpu.vector_load %arg6[%get3A_177] {strides = array<i32>} : memref<1024xf32, #tpu.memory_space<vmem>>, vector<16xf32>,
        %add3A_179 = arith.addf %get3A_176, %get3A_178 : vector<16xf32>
        %swap3A = arith.index_cast %mul3A_175 : i32 to index
        %swap3A_180 = tpu.vector_load %arg7[%swap3A] {strides = array<i32>} : memref<1024xf32, #tpu.memory_space<vmem>>, vector<16xf32>,
        tpu.vector_store %arg7[%swap3A], %add3A_179 {strides = array<i32>} : memref<1024xf32, #tpu.memory_space<vmem>>, vector<16xf32>,
      }
      %scan3A_140 = arith.constant 64 : i32
      %mul3A_141 = arith.constant 1024 : i32
      %mul3A_142 = arith.muli %arg1, %mul3A_141 : i32
      %run_scoped3A_143 = arith.constant 13 : i32
      "tpu.region"() ({
        %run_scoped3A_173 = tpu.sem_alloc : memref<!tpu.dma_semaphore, #tpu.memory_space<semaphore_mem>>
        %dma_start3A = tpu.memref_slice %arg8[%run_scoped3A_143, %mul3A_142] : memref<16x10240xf32, #tpu.memory_space<vmem_shared>> -> memref<1x1024xf32, #tpu.memory_space<vmem_shared>>
        %dma_start3A_174 = tpu.memref_squeeze %dma_start3A : memref<1x1024xf32, #tpu.memory_space<vmem_shared>> -> memref<1024xf32, #tpu.memory_space<vmem_shared>>
        %dma_start3A_175 = tpu.memref_slice %arg8[%run_scoped3A_143, %mul3A_142] : memref<16x10240xf32, #tpu.memory_space<vmem_shared>> -> memref<1x1024xf32, #tpu.memory_space<vmem_shared>>
        %dma_start3A_176 = tpu.memref_squeeze %dma_start3A_175 : memref<1x1024xf32, #tpu.memory_space<vmem_shared>> -> memref<1024xf32, #tpu.memory_space<vmem_shared>>
        tpu.enqueue_dma source(%dma_start3A_176 : memref<1024xf32, #tpu.memory_space<vmem_shared>>) target(%arg6 : memref<1024xf32, #tpu.memory_space<vmem>>) target_semaphore(%run_scoped3A_173 : memref<!tpu.dma_semaphore, #tpu.memory_space<semaphore_mem>>)
        %dma_wait3A = tpu.memref_slice %arg8[%run_scoped3A_143, %mul3A_142] : memref<16x10240xf32, #tpu.memory_space<vmem_shared>> -> memref<1x1024xf32, #tpu.memory_space<vmem_shared>>
        %dma_wait3A_177 = tpu.memref_squeeze %dma_wait3A : memref<1x1024xf32, #tpu.memory_space<vmem_shared>> -> memref<1024xf32, #tpu.memory_space<vmem_shared>>
        %dma_wait3A_178 = tpu.memref_slice %arg8[%run_scoped3A_143, %mul3A_142] : memref<16x10240xf32, #tpu.memory_space<vmem_shared>> -> memref<1x1024xf32, #tpu.memory_space<vmem_shared>>
        %dma_wait3A_179 = tpu.memref_squeeze %dma_wait3A_178 : memref<1x1024xf32, #tpu.memory_space<vmem_shared>> -> memref<1024xf32, #tpu.memory_space<vmem_shared>>
        tpu.wait_dma2 semaphore(%run_scoped3A_173 : memref<!tpu.dma_semaphore, #tpu.memory_space<semaphore_mem>>) src(%dma_wait3A_179 : memref<1024xf32, #tpu.memory_space<vmem_shared>>) dst(%arg6 : memref<1024xf32, #tpu.memory_space<vmem>>)
        tpu.yield
      }) : () -> ()
      %scan3A_144 = arith.constant 0 : i32
      %scan3A_145 = arith.constant 0 : i32
      %scan3A_146 = arith.constant 64 : i32
      %scan3A_147 = arith.addi %scan3A_145, %scan3A_146 : i32
      %scan3A_148 = arith.constant 1 : i32
      scf.for %scan3A_173 = %scan3A_145 to %scan3A_147 step %scan3A_148  : i32 {
        %mul3A_174 = arith.constant 16 : i32
        %mul3A_175 = arith.muli %scan3A_173, %mul3A_174 : i32
        %get3A = arith.index_cast %mul3A_175 : i32 to index
        %get3A_176 = tpu.vector_load %arg7[%get3A] {strides = array<i32>} : memref<1024xf32, #tpu.memory_space<vmem>>, vector<16xf32>,
        %get3A_177 = arith.index_cast %mul3A_175 : i32 to index
        %get3A_178 = tpu.vector_load %arg6[%get3A_177] {strides = array<i32>} : memref<1024xf32, #tpu.memory_space<vmem>>, vector<16xf32>,
        %add3A_179 = arith.addf %get3A_176, %get3A_178 : vector<16xf32>
        %swap3A = arith.index_cast %mul3A_175 : i32 to index
        %swap3A_180 = tpu.vector_load %arg7[%swap3A] {strides = array<i32>} : memref<1024xf32, #tpu.memory_space<vmem>>, vector<16xf32>,
        tpu.vector_store %arg7[%swap3A], %add3A_179 {strides = array<i32>} : memref<1024xf32, #tpu.memory_space<vmem>>, vector<16xf32>,
      }
      %scan3A_149 = arith.constant 64 : i32
      %mul3A_150 = arith.constant 1024 : i32
      %mul3A_151 = arith.muli %arg1, %mul3A_150 : i32
      %run_scoped3A_152 = arith.constant 14 : i32
      "tpu.region"() ({
        %run_scoped3A_173 = tpu.sem_alloc : memref<!tpu.dma_semaphore, #tpu.memory_space<semaphore_mem>>
        %dma_start3A = tpu.memref_slice %arg8[%run_scoped3A_152, %mul3A_151] : memref<16x10240xf32, #tpu.memory_space<vmem_shared>> -> memref<1x1024xf32, #tpu.memory_space<vmem_shared>>
        %dma_start3A_174 = tpu.memref_squeeze %dma_start3A : memref<1x1024xf32, #tpu.memory_space<vmem_shared>> -> memref<1024xf32, #tpu.memory_space<vmem_shared>>
        %dma_start3A_175 = tpu.memref_slice %arg8[%run_scoped3A_152, %mul3A_151] : memref<16x10240xf32, #tpu.memory_space<vmem_shared>> -> memref<1x1024xf32, #tpu.memory_space<vmem_shared>>
        %dma_start3A_176 = tpu.memref_squeeze %dma_start3A_175 : memref<1x1024xf32, #tpu.memory_space<vmem_shared>> -> memref<1024xf32, #tpu.memory_space<vmem_shared>>
        tpu.enqueue_dma source(%dma_start3A_176 : memref<1024xf32, #tpu.memory_space<vmem_shared>>) target(%arg6 : memref<1024xf32, #tpu.memory_space<vmem>>) target_semaphore(%run_scoped3A_173 : memref<!tpu.dma_semaphore, #tpu.memory_space<semaphore_mem>>)
        %dma_wait3A = tpu.memref_slice %arg8[%run_scoped3A_152, %mul3A_151] : memref<16x10240xf32, #tpu.memory_space<vmem_shared>> -> memref<1x1024xf32, #tpu.memory_space<vmem_shared>>
        %dma_wait3A_177 = tpu.memref_squeeze %dma_wait3A : memref<1x1024xf32, #tpu.memory_space<vmem_shared>> -> memref<1024xf32, #tpu.memory_space<vmem_shared>>
        %dma_wait3A_178 = tpu.memref_slice %arg8[%run_scoped3A_152, %mul3A_151] : memref<16x10240xf32, #tpu.memory_space<vmem_shared>> -> memref<1x1024xf32, #tpu.memory_space<vmem_shared>>
        %dma_wait3A_179 = tpu.memref_squeeze %dma_wait3A_178 : memref<1x1024xf32, #tpu.memory_space<vmem_shared>> -> memref<1024xf32, #tpu.memory_space<vmem_shared>>
        tpu.wait_dma2 semaphore(%run_scoped3A_173 : memref<!tpu.dma_semaphore, #tpu.memory_space<semaphore_mem>>) src(%dma_wait3A_179 : memref<1024xf32, #tpu.memory_space<vmem_shared>>) dst(%arg6 : memref<1024xf32, #tpu.memory_space<vmem>>)
        tpu.yield
      }) : () -> ()
      %scan3A_153 = arith.constant 0 : i32
      %scan3A_154 = arith.constant 0 : i32
      %scan3A_155 = arith.constant 64 : i32
      %scan3A_156 = arith.addi %scan3A_154, %scan3A_155 : i32
      %scan3A_157 = arith.constant 1 : i32
      scf.for %scan3A_173 = %scan3A_154 to %scan3A_156 step %scan3A_157  : i32 {
        %mul3A_174 = arith.constant 16 : i32
        %mul3A_175 = arith.muli %scan3A_173, %mul3A_174 : i32
        %get3A = arith.index_cast %mul3A_175 : i32 to index
        %get3A_176 = tpu.vector_load %arg7[%get3A] {strides = array<i32>} : memref<1024xf32, #tpu.memory_space<vmem>>, vector<16xf32>,
        %get3A_177 = arith.index_cast %mul3A_175 : i32 to index
        %get3A_178 = tpu.vector_load %arg6[%get3A_177] {strides = array<i32>} : memref<1024xf32, #tpu.memory_space<vmem>>, vector<16xf32>,
        %add3A_179 = arith.addf %get3A_176, %get3A_178 : vector<16xf32>
        %swap3A = arith.index_cast %mul3A_175 : i32 to index
        %swap3A_180 = tpu.vector_load %arg7[%swap3A] {strides = array<i32>} : memref<1024xf32, #tpu.memory_space<vmem>>, vector<16xf32>,
        tpu.vector_store %arg7[%swap3A], %add3A_179 {strides = array<i32>} : memref<1024xf32, #tpu.memory_space<vmem>>, vector<16xf32>,
      }
      %scan3A_158 = arith.constant 64 : i32
      %mul3A_159 = arith.constant 1024 : i32
      %mul3A_160 = arith.muli %arg1, %mul3A_159 : i32
      %run_scoped3A_161 = arith.constant 15 : i32
      "tpu.region"() ({
        %run_scoped3A_173 = tpu.sem_alloc : memref<!tpu.dma_semaphore, #tpu.memory_space<semaphore_mem>>
        %dma_start3A = tpu.memref_slice %arg8[%run_scoped3A_161, %mul3A_160] : memref<16x10240xf32, #tpu.memory_space<vmem_shared>> -> memref<1x1024xf32, #tpu.memory_space<vmem_shared>>
        %dma_start3A_174 = tpu.memref_squeeze %dma_start3A : memref<1x1024xf32, #tpu.memory_space<vmem_shared>> -> memref<1024xf32, #tpu.memory_space<vmem_shared>>
        %dma_start3A_175 = tpu.memref_slice %arg8[%run_scoped3A_161, %mul3A_160] : memref<16x10240xf32, #tpu.memory_space<vmem_shared>> -> memref<1x1024xf32, #tpu.memory_space<vmem_shared>>
        %dma_start3A_176 = tpu.memref_squeeze %dma_start3A_175 : memref<1x1024xf32, #tpu.memory_space<vmem_shared>> -> memref<1024xf32, #tpu.memory_space<vmem_shared>>
        tpu.enqueue_dma source(%dma_start3A_176 : memref<1024xf32, #tpu.memory_space<vmem_shared>>) target(%arg6 : memref<1024xf32, #tpu.memory_space<vmem>>) target_semaphore(%run_scoped3A_173 : memref<!tpu.dma_semaphore, #tpu.memory_space<semaphore_mem>>)
        %dma_wait3A = tpu.memref_slice %arg8[%run_scoped3A_161, %mul3A_160] : memref<16x10240xf32, #tpu.memory_space<vmem_shared>> -> memref<1x1024xf32, #tpu.memory_space<vmem_shared>>
        %dma_wait3A_177 = tpu.memref_squeeze %dma_wait3A : memref<1x1024xf32, #tpu.memory_space<vmem_shared>> -> memref<1024xf32, #tpu.memory_space<vmem_shared>>
        %dma_wait3A_178 = tpu.memref_slice %arg8[%run_scoped3A_161, %mul3A_160] : memref<16x10240xf32, #tpu.memory_space<vmem_shared>> -> memref<1x1024xf32, #tpu.memory_space<vmem_shared>>
        %dma_wait3A_179 = tpu.memref_squeeze %dma_wait3A_178 : memref<1x1024xf32, #tpu.memory_space<vmem_shared>> -> memref<1024xf32, #tpu.memory_space<vmem_shared>>
        tpu.wait_dma2 semaphore(%run_scoped3A_173 : memref<!tpu.dma_semaphore, #tpu.memory_space<semaphore_mem>>) src(%dma_wait3A_179 : memref<1024xf32, #tpu.memory_space<vmem_shared>>) dst(%arg6 : memref<1024xf32, #tpu.memory_space<vmem>>)
        tpu.yield
      }) : () -> ()
      %scan3A_162 = arith.constant 0 : i32
      %scan3A_163 = arith.constant 0 : i32
      %scan3A_164 = arith.constant 64 : i32
      %scan3A_165 = arith.addi %scan3A_163, %scan3A_164 : i32
      %scan3A_166 = arith.constant 1 : i32
      scf.for %scan3A_173 = %scan3A_163 to %scan3A_165 step %scan3A_166  : i32 {
        %mul3A_174 = arith.constant 16 : i32
        %mul3A_175 = arith.muli %scan3A_173, %mul3A_174 : i32
        %get3A = arith.index_cast %mul3A_175 : i32 to index
        %get3A_176 = tpu.vector_load %arg7[%get3A] {strides = array<i32>} : memref<1024xf32, #tpu.memory_space<vmem>>, vector<16xf32>,
        %get3A_177 = arith.index_cast %mul3A_175 : i32 to index
        %get3A_178 = tpu.vector_load %arg6[%get3A_177] {strides = array<i32>} : memref<1024xf32, #tpu.memory_space<vmem>>, vector<16xf32>,
        %add3A_179 = arith.addf %get3A_176, %get3A_178 : vector<16xf32>
        %swap3A = arith.index_cast %mul3A_175 : i32 to index
        %swap3A_180 = tpu.vector_load %arg7[%swap3A] {strides = array<i32>} : memref<1024xf32, #tpu.memory_space<vmem>>, vector<16xf32>,
        tpu.vector_store %arg7[%swap3A], %add3A_179 {strides = array<i32>} : memref<1024xf32, #tpu.memory_space<vmem>>, vector<16xf32>,
      }
      %scan3A_167 = arith.constant 64 : i32
      %mul3A_168 = arith.constant 10240 : i32
      %mul3A_169 = arith.muli %arg0, %mul3A_168 : i32
      %mul3A_170 = arith.constant 1024 : i32
      %mul3A_171 = arith.muli %arg1, %mul3A_170 : i32
      %add3A_172 = arith.addi %mul3A_169, %mul3A_171 : i32
      "tpu.region"() ({
        %run_scoped3A_173 = tpu.sem_alloc : memref<!tpu.dma_semaphore, #tpu.memory_space<semaphore_mem>>
        %dma_start3A = tpu.memref_slice %arg3[%add3A_172] : memref<20480xf32, #tpu.memory_space<hbm>> -> memref<1024xf32, #tpu.memory_space<hbm>>
        %dma_start3A_174 = tpu.memref_slice %arg3[%add3A_172] : memref<20480xf32, #tpu.memory_space<hbm>> -> memref<1024xf32, #tpu.memory_space<hbm>>
        tpu.enqueue_dma source(%arg7 : memref<1024xf32, #tpu.memory_space<vmem>>) target(%dma_start3A_174 : memref<1024xf32, #tpu.memory_space<hbm>>) target_semaphore(%run_scoped3A_173 : memref<!tpu.dma_semaphore, #tpu.memory_space<semaphore_mem>>)
        %dma_wait3A = tpu.memref_slice %arg3[%add3A_172] : memref<20480xf32, #tpu.memory_space<hbm>> -> memref<1024xf32, #tpu.memory_space<hbm>>
        %dma_wait3A_175 = tpu.memref_slice %arg3[%add3A_172] : memref<20480xf32, #tpu.memory_space<hbm>> -> memref<1024xf32, #tpu.memory_space<hbm>>
        tpu.wait_dma2 semaphore(%run_scoped3A_173 : memref<!tpu.dma_semaphore, #tpu.memory_space<semaphore_mem>>) src(%arg7 : memref<1024xf32, #tpu.memory_space<vmem>>) dst(%dma_wait3A_175 : memref<1024xf32, #tpu.memory_space<hbm>>)
        tpu.yield
      }) : () -> ()
    } else {
    }
    return
  }
}

#map = affine_map<(d0, d1) -> (0, 0)>
#map1 = affine_map<(d0, d1) -> (0)>
#map2 = affine_map<(d0, d1) -> (0, 0, 0)>
module attributes {stable_mosaic.version = 14 : i64} {
  func.func @_scatter_kernel(%arg0: i32, %arg1: i32, %arg2: memref<10000x128xf32, #tpu.memory_space<hbm>>, %arg3: memref<323584xi32, #tpu.memory_space<hbm>>, %arg4: memref<323584xi32, #tpu.memory_space<hbm>>, %arg5: memref<2x10240x128xf32, #tpu.memory_space<hbm>>, %arg6: memref<128xi32, #tpu.memory_space<vmem>>, %arg7: memref<128xi32, #tpu.memory_space<vmem>>, %arg8: memref<128x128xf32, #tpu.memory_space<vmem>>, %arg9: memref<10240x128xf32, #tpu.memory_space<vmem_shared>>, %arg10: memref<!tpu.dma_semaphore, #tpu.memory_space<semaphore_mem>>) attributes {dimension_semantics = [#tpu.dimension_semantics<core_parallel>, #tpu.dimension_semantics<subcore_parallel>], iteration_bounds = array<i64: 2, 16>, scalar_prefetch = 0 : i64, scratch_operands = 5 : i64, tpu.core_type = #tpu.core_type<sc_vector_subcore>, window_params = [{transform_indices = #map}, {transform_indices = #map1}, {transform_indices = #map1}, {transform_indices = #map2}]} {
    %mul3A = arith.constant 2 : i32
    %mul3A_0 = arith.muli %arg1, %mul3A : i32
    %add3A = arith.addi %mul3A_0, %arg0 : i32
    %broadcast_in_dim3A = arith.constant 0.000000e+00 : f32
    %broadcast_in_dim3A_1 = vector.broadcast %broadcast_in_dim3A : f32 to vector<16xf32>
    %scan3A = arith.constant 0 : i32
    %scan3A_2 = arith.constant 0 : i32
    %scan3A_3 = arith.constant 1024 : i32
    %scan3A_4 = arith.addi %scan3A_2, %scan3A_3 : i32
    %scan3A_5 = arith.constant 1 : i32
    scf.for %scan3A_56 = %scan3A_2 to %scan3A_4 step %scan3A_5  : i32 {
      %jit3A = arith.constant 8 : i32
      %div3A = arith.divsi %scan3A_56, %jit3A : i32
      %sign3A = arith.constant 0 : i32
      %sign3A_57 = arith.cmpi sgt, %scan3A_56, %sign3A : i32
      %sign3A_58 = arith.extui %sign3A_57 : i1 to i32
      %sign3A_59 = arith.constant 0 : i32
      %sign3A_60 = arith.cmpi slt, %scan3A_56, %sign3A_59 : i32
      %sign3A_61 = arith.extui %sign3A_60 : i1 to i32
      %sign3A_62 = arith.subi %sign3A_58, %sign3A_61 : i32
      %sign3A_63 = arith.constant 0 : i32
      %sign3A_64 = arith.cmpi sgt, %jit3A, %sign3A_63 : i32
      %sign3A_65 = arith.extui %sign3A_64 : i1 to i32
      %sign3A_66 = arith.constant 0 : i32
      %sign3A_67 = arith.cmpi slt, %jit3A, %sign3A_66 : i32
      %sign3A_68 = arith.extui %sign3A_67 : i1 to i32
      %sign3A_69 = arith.subi %sign3A_65, %sign3A_68 : i32
      %ne3A = arith.cmpi ne, %sign3A_62, %sign3A_69 : i32
      %rem3A = arith.remsi %scan3A_56, %jit3A : i32
      %ne3A_70 = arith.constant 0 : i32
      %ne3A_71 = arith.cmpi ne, %rem3A, %ne3A_70 : i32
      %and3A = arith.andi %ne3A, %ne3A_71 : i1
      %sub3A = arith.constant 1 : i32
      %sub3A_72 = arith.subi %div3A, %sub3A : i32
      %select_n3A = arith.select %and3A, %sub3A_72, %div3A : i32
      %jit3A_73 = arith.constant 8 : i32
      %eq3A = arith.constant 0 : i32
      %eq3A_74 = arith.cmpi eq, %jit3A_73, %eq3A : i32
      %jit3A_75 = arith.constant 1 : i32
      %select_n3A_76 = arith.select %eq3A_74, %jit3A_75, %jit3A_73 : i32
      %rem3A_77 = arith.remsi %scan3A_56, %select_n3A_76 : i32
      %ne3A_78 = arith.constant 0 : i32
      %ne3A_79 = arith.cmpi ne, %rem3A_77, %ne3A_78 : i32
      %lt3A = arith.constant 0 : i32
      %lt3A_80 = arith.cmpi slt, %rem3A_77, %lt3A : i32
      %lt3A_81 = arith.constant 0 : i32
      %lt3A_82 = arith.cmpi slt, %select_n3A_76, %lt3A_81 : i32
      %ne3A_83 = arith.xori %lt3A_80, %lt3A_82 : i1
      %and3A_84 = arith.andi %ne3A_83, %ne3A_79 : i1
      %add3A_85 = arith.addi %rem3A_77, %select_n3A_76 : i32
      %select_n3A_86 = arith.select %and3A_84, %add3A_85, %rem3A_77 : i32
      %mul3A_87 = arith.constant 16 : i32
      %mul3A_88 = arith.muli %select_n3A_86, %mul3A_87 : i32
      %swap3A = arith.index_cast %select_n3A : i32 to index
      %swap3A_89 = arith.index_cast %mul3A_88 : i32 to index
      %swap3A_90 = tpu.vector_load %arg8[%swap3A, %swap3A_89] {strides = array<i32>} : memref<128x128xf32, #tpu.memory_space<vmem>>, vector<1x16xf32>,
      %swap3A_91 = vector.shape_cast %swap3A_90 : vector<1x16xf32> to vector<16xf32>
      %swap3A_92 = vector.shape_cast %broadcast_in_dim3A_1 : vector<16xf32> to vector<1x16xf32>
      tpu.vector_store %arg8[%swap3A, %swap3A_89], %swap3A_92 {strides = array<i32>} : memref<128x128xf32, #tpu.memory_space<vmem>>, vector<1x16xf32>,
    }
    %scan3A_6 = arith.constant 1024 : i32
    %mul3A_7 = arith.constant 640 : i32
    %mul3A_8 = arith.muli %arg1, %mul3A_7 : i32
    %add3A_9 = arith.constant 0 : i32
    %add3A_10 = arith.addi %mul3A_8, %add3A_9 : i32
    "tpu.region"() ({
      %run_scoped3A = tpu.sem_alloc : memref<!tpu.dma_semaphore, #tpu.memory_space<semaphore_mem>>
      %dma_start3A = arith.constant 0 : i32
      %dma_start3A_56 = tpu.memref_slice %arg9[%add3A_10, %dma_start3A] : memref<10240x128xf32, #tpu.memory_space<vmem_shared>> -> memref<128x128xf32, #tpu.memory_space<vmem_shared>>
      %dma_start3A_57 = arith.constant 0 : i32
      %dma_start3A_58 = tpu.memref_slice %arg9[%add3A_10, %dma_start3A_57] : memref<10240x128xf32, #tpu.memory_space<vmem_shared>> -> memref<128x128xf32, #tpu.memory_space<vmem_shared>>
      tpu.enqueue_dma source(%arg8 : memref<128x128xf32, #tpu.memory_space<vmem>>) target(%dma_start3A_58 : memref<128x128xf32, #tpu.memory_space<vmem_shared>>) target_semaphore(%run_scoped3A : memref<!tpu.dma_semaphore, #tpu.memory_space<semaphore_mem>>)
      %dma_wait3A = arith.constant 0 : i32
      %dma_wait3A_59 = tpu.memref_slice %arg9[%add3A_10, %dma_wait3A] : memref<10240x128xf32, #tpu.memory_space<vmem_shared>> -> memref<128x128xf32, #tpu.memory_space<vmem_shared>>
      %dma_wait3A_60 = arith.constant 0 : i32
      %dma_wait3A_61 = tpu.memref_slice %arg9[%add3A_10, %dma_wait3A_60] : memref<10240x128xf32, #tpu.memory_space<vmem_shared>> -> memref<128x128xf32, #tpu.memory_space<vmem_shared>>
      tpu.wait_dma2 semaphore(%run_scoped3A : memref<!tpu.dma_semaphore, #tpu.memory_space<semaphore_mem>>) src(%arg8 : memref<128x128xf32, #tpu.memory_space<vmem>>) dst(%dma_wait3A_61 : memref<128x128xf32, #tpu.memory_space<vmem_shared>>)
      tpu.yield
    }) : () -> ()
    %mul3A_11 = arith.constant 640 : i32
    %mul3A_12 = arith.muli %arg1, %mul3A_11 : i32
    %add3A_13 = arith.constant 128 : i32
    %add3A_14 = arith.addi %mul3A_12, %add3A_13 : i32
    "tpu.region"() ({
      %run_scoped3A = tpu.sem_alloc : memref<!tpu.dma_semaphore, #tpu.memory_space<semaphore_mem>>
      %dma_start3A = arith.constant 0 : i32
      %dma_start3A_56 = tpu.memref_slice %arg9[%add3A_14, %dma_start3A] : memref<10240x128xf32, #tpu.memory_space<vmem_shared>> -> memref<128x128xf32, #tpu.memory_space<vmem_shared>>
      %dma_start3A_57 = arith.constant 0 : i32
      %dma_start3A_58 = tpu.memref_slice %arg9[%add3A_14, %dma_start3A_57] : memref<10240x128xf32, #tpu.memory_space<vmem_shared>> -> memref<128x128xf32, #tpu.memory_space<vmem_shared>>
      tpu.enqueue_dma source(%arg8 : memref<128x128xf32, #tpu.memory_space<vmem>>) target(%dma_start3A_58 : memref<128x128xf32, #tpu.memory_space<vmem_shared>>) target_semaphore(%run_scoped3A : memref<!tpu.dma_semaphore, #tpu.memory_space<semaphore_mem>>)
      %dma_wait3A = arith.constant 0 : i32
      %dma_wait3A_59 = tpu.memref_slice %arg9[%add3A_14, %dma_wait3A] : memref<10240x128xf32, #tpu.memory_space<vmem_shared>> -> memref<128x128xf32, #tpu.memory_space<vmem_shared>>
      %dma_wait3A_60 = arith.constant 0 : i32
      %dma_wait3A_61 = tpu.memref_slice %arg9[%add3A_14, %dma_wait3A_60] : memref<10240x128xf32, #tpu.memory_space<vmem_shared>> -> memref<128x128xf32, #tpu.memory_space<vmem_shared>>
      tpu.wait_dma2 semaphore(%run_scoped3A : memref<!tpu.dma_semaphore, #tpu.memory_space<semaphore_mem>>) src(%arg8 : memref<128x128xf32, #tpu.memory_space<vmem>>) dst(%dma_wait3A_61 : memref<128x128xf32, #tpu.memory_space<vmem_shared>>)
      tpu.yield
    }) : () -> ()
    %mul3A_15 = arith.constant 640 : i32
    %mul3A_16 = arith.muli %arg1, %mul3A_15 : i32
    %add3A_17 = arith.constant 256 : i32
    %add3A_18 = arith.addi %mul3A_16, %add3A_17 : i32
    "tpu.region"() ({
      %run_scoped3A = tpu.sem_alloc : memref<!tpu.dma_semaphore, #tpu.memory_space<semaphore_mem>>
      %dma_start3A = arith.constant 0 : i32
      %dma_start3A_56 = tpu.memref_slice %arg9[%add3A_18, %dma_start3A] : memref<10240x128xf32, #tpu.memory_space<vmem_shared>> -> memref<128x128xf32, #tpu.memory_space<vmem_shared>>
      %dma_start3A_57 = arith.constant 0 : i32
      %dma_start3A_58 = tpu.memref_slice %arg9[%add3A_18, %dma_start3A_57] : memref<10240x128xf32, #tpu.memory_space<vmem_shared>> -> memref<128x128xf32, #tpu.memory_space<vmem_shared>>
      tpu.enqueue_dma source(%arg8 : memref<128x128xf32, #tpu.memory_space<vmem>>) target(%dma_start3A_58 : memref<128x128xf32, #tpu.memory_space<vmem_shared>>) target_semaphore(%run_scoped3A : memref<!tpu.dma_semaphore, #tpu.memory_space<semaphore_mem>>)
      %dma_wait3A = arith.constant 0 : i32
      %dma_wait3A_59 = tpu.memref_slice %arg9[%add3A_18, %dma_wait3A] : memref<10240x128xf32, #tpu.memory_space<vmem_shared>> -> memref<128x128xf32, #tpu.memory_space<vmem_shared>>
      %dma_wait3A_60 = arith.constant 0 : i32
      %dma_wait3A_61 = tpu.memref_slice %arg9[%add3A_18, %dma_wait3A_60] : memref<10240x128xf32, #tpu.memory_space<vmem_shared>> -> memref<128x128xf32, #tpu.memory_space<vmem_shared>>
      tpu.wait_dma2 semaphore(%run_scoped3A : memref<!tpu.dma_semaphore, #tpu.memory_space<semaphore_mem>>) src(%arg8 : memref<128x128xf32, #tpu.memory_space<vmem>>) dst(%dma_wait3A_61 : memref<128x128xf32, #tpu.memory_space<vmem_shared>>)
      tpu.yield
    }) : () -> ()
    %mul3A_19 = arith.constant 640 : i32
    %mul3A_20 = arith.muli %arg1, %mul3A_19 : i32
    %add3A_21 = arith.constant 384 : i32
    %add3A_22 = arith.addi %mul3A_20, %add3A_21 : i32
    "tpu.region"() ({
      %run_scoped3A = tpu.sem_alloc : memref<!tpu.dma_semaphore, #tpu.memory_space<semaphore_mem>>
      %dma_start3A = arith.constant 0 : i32
      %dma_start3A_56 = tpu.memref_slice %arg9[%add3A_22, %dma_start3A] : memref<10240x128xf32, #tpu.memory_space<vmem_shared>> -> memref<128x128xf32, #tpu.memory_space<vmem_shared>>
      %dma_start3A_57 = arith.constant 0 : i32
      %dma_start3A_58 = tpu.memref_slice %arg9[%add3A_22, %dma_start3A_57] : memref<10240x128xf32, #tpu.memory_space<vmem_shared>> -> memref<128x128xf32, #tpu.memory_space<vmem_shared>>
      tpu.enqueue_dma source(%arg8 : memref<128x128xf32, #tpu.memory_space<vmem>>) target(%dma_start3A_58 : memref<128x128xf32, #tpu.memory_space<vmem_shared>>) target_semaphore(%run_scoped3A : memref<!tpu.dma_semaphore, #tpu.memory_space<semaphore_mem>>)
      %dma_wait3A = arith.constant 0 : i32
      %dma_wait3A_59 = tpu.memref_slice %arg9[%add3A_22, %dma_wait3A] : memref<10240x128xf32, #tpu.memory_space<vmem_shared>> -> memref<128x128xf32, #tpu.memory_space<vmem_shared>>
      %dma_wait3A_60 = arith.constant 0 : i32
      %dma_wait3A_61 = tpu.memref_slice %arg9[%add3A_22, %dma_wait3A_60] : memref<10240x128xf32, #tpu.memory_space<vmem_shared>> -> memref<128x128xf32, #tpu.memory_space<vmem_shared>>
      tpu.wait_dma2 semaphore(%run_scoped3A : memref<!tpu.dma_semaphore, #tpu.memory_space<semaphore_mem>>) src(%arg8 : memref<128x128xf32, #tpu.memory_space<vmem>>) dst(%dma_wait3A_61 : memref<128x128xf32, #tpu.memory_space<vmem_shared>>)
      tpu.yield
    }) : () -> ()
    %mul3A_23 = arith.constant 640 : i32
    %mul3A_24 = arith.muli %arg1, %mul3A_23 : i32
    %add3A_25 = arith.constant 512 : i32
    %add3A_26 = arith.addi %mul3A_24, %add3A_25 : i32
    "tpu.region"() ({
      %run_scoped3A = tpu.sem_alloc : memref<!tpu.dma_semaphore, #tpu.memory_space<semaphore_mem>>
      %dma_start3A = arith.constant 0 : i32
      %dma_start3A_56 = tpu.memref_slice %arg9[%add3A_26, %dma_start3A] : memref<10240x128xf32, #tpu.memory_space<vmem_shared>> -> memref<128x128xf32, #tpu.memory_space<vmem_shared>>
      %dma_start3A_57 = arith.constant 0 : i32
      %dma_start3A_58 = tpu.memref_slice %arg9[%add3A_26, %dma_start3A_57] : memref<10240x128xf32, #tpu.memory_space<vmem_shared>> -> memref<128x128xf32, #tpu.memory_space<vmem_shared>>
      tpu.enqueue_dma source(%arg8 : memref<128x128xf32, #tpu.memory_space<vmem>>) target(%dma_start3A_58 : memref<128x128xf32, #tpu.memory_space<vmem_shared>>) target_semaphore(%run_scoped3A : memref<!tpu.dma_semaphore, #tpu.memory_space<semaphore_mem>>)
      %dma_wait3A = arith.constant 0 : i32
      %dma_wait3A_59 = tpu.memref_slice %arg9[%add3A_26, %dma_wait3A] : memref<10240x128xf32, #tpu.memory_space<vmem_shared>> -> memref<128x128xf32, #tpu.memory_space<vmem_shared>>
      %dma_wait3A_60 = arith.constant 0 : i32
      %dma_wait3A_61 = tpu.memref_slice %arg9[%add3A_26, %dma_wait3A_60] : memref<10240x128xf32, #tpu.memory_space<vmem_shared>> -> memref<128x128xf32, #tpu.memory_space<vmem_shared>>
      tpu.wait_dma2 semaphore(%run_scoped3A : memref<!tpu.dma_semaphore, #tpu.memory_space<semaphore_mem>>) src(%arg8 : memref<128x128xf32, #tpu.memory_space<vmem>>) dst(%dma_wait3A_61 : memref<128x128xf32, #tpu.memory_space<vmem_shared>>)
      tpu.yield
    }) : () -> ()
    %barrier3A = arith.constant 0 : index
    tpu.barrier barrier_id(%barrier3A)
    %mul3A_27 = arith.constant 10112 : i32
    %mul3A_28 = arith.muli %add3A, %mul3A_27 : i32
    %scan3A_29 = arith.constant 0 : i32
    %scan3A_30 = arith.constant 0 : i32
    %scan3A_31 = arith.constant 79 : i32
    %scan3A_32 = arith.addi %scan3A_30, %scan3A_31 : i32
    %scan3A_33 = arith.constant 1 : i32
    scf.for %scan3A_56 = %scan3A_30 to %scan3A_32 step %scan3A_33  : i32 {
      %mul3A_57 = arith.constant 128 : i32
      %mul3A_58 = arith.muli %scan3A_56, %mul3A_57 : i32
      %add3A_59 = arith.addi %mul3A_28, %mul3A_58 : i32
      "tpu.region"() ({
        %run_scoped3A = tpu.sem_alloc : memref<!tpu.dma_semaphore, #tpu.memory_space<semaphore_mem>>
        %dma_start3A_67 = tpu.memref_slice %arg3[%add3A_59] : memref<323584xi32, #tpu.memory_space<hbm>> -> memref<128xi32, #tpu.memory_space<hbm>>
        %dma_start3A_68 = tpu.memref_slice %arg3[%add3A_59] : memref<323584xi32, #tpu.memory_space<hbm>> -> memref<128xi32, #tpu.memory_space<hbm>>
        tpu.enqueue_dma source(%dma_start3A_68 : memref<128xi32, #tpu.memory_space<hbm>>) target(%arg6 : memref<128xi32, #tpu.memory_space<vmem>>) target_semaphore(%run_scoped3A : memref<!tpu.dma_semaphore, #tpu.memory_space<semaphore_mem>>)
        %dma_wait3A_69 = tpu.memref_slice %arg3[%add3A_59] : memref<323584xi32, #tpu.memory_space<hbm>> -> memref<128xi32, #tpu.memory_space<hbm>>
        %dma_wait3A_70 = tpu.memref_slice %arg3[%add3A_59] : memref<323584xi32, #tpu.memory_space<hbm>> -> memref<128xi32, #tpu.memory_space<hbm>>
        tpu.wait_dma2 semaphore(%run_scoped3A : memref<!tpu.dma_semaphore, #tpu.memory_space<semaphore_mem>>) src(%dma_wait3A_70 : memref<128xi32, #tpu.memory_space<hbm>>) dst(%arg6 : memref<128xi32, #tpu.memory_space<vmem>>)
        tpu.yield
      }) : () -> ()
      %mul3A_60 = arith.constant 128 : i32
      %mul3A_61 = arith.muli %scan3A_56, %mul3A_60 : i32
      %add3A_62 = arith.addi %mul3A_28, %mul3A_61 : i32
      "tpu.region"() ({
        %run_scoped3A = tpu.sem_alloc : memref<!tpu.dma_semaphore, #tpu.memory_space<semaphore_mem>>
        %dma_start3A_67 = tpu.memref_slice %arg4[%add3A_62] : memref<323584xi32, #tpu.memory_space<hbm>> -> memref<128xi32, #tpu.memory_space<hbm>>
        %dma_start3A_68 = tpu.memref_slice %arg4[%add3A_62] : memref<323584xi32, #tpu.memory_space<hbm>> -> memref<128xi32, #tpu.memory_space<hbm>>
        tpu.enqueue_dma source(%dma_start3A_68 : memref<128xi32, #tpu.memory_space<hbm>>) target(%arg7 : memref<128xi32, #tpu.memory_space<vmem>>) target_semaphore(%run_scoped3A : memref<!tpu.dma_semaphore, #tpu.memory_space<semaphore_mem>>)
        %dma_wait3A_69 = tpu.memref_slice %arg4[%add3A_62] : memref<323584xi32, #tpu.memory_space<hbm>> -> memref<128xi32, #tpu.memory_space<hbm>>
        %dma_wait3A_70 = tpu.memref_slice %arg4[%add3A_62] : memref<323584xi32, #tpu.memory_space<hbm>> -> memref<128xi32, #tpu.memory_space<hbm>>
        tpu.wait_dma2 semaphore(%run_scoped3A : memref<!tpu.dma_semaphore, #tpu.memory_space<semaphore_mem>>) src(%dma_wait3A_70 : memref<128xi32, #tpu.memory_space<hbm>>) dst(%arg7 : memref<128xi32, #tpu.memory_space<vmem>>)
        tpu.yield
      }) : () -> ()
      %dma_start3A = arith.constant 0 : i32
      %dma_start3A_63 = arith.constant 0 : i32
      %dma_start3A_64 = tpu.memref_slice %arg2[%dma_start3A, %dma_start3A_63] : memref<10000x128xf32, #tpu.memory_space<hbm>> -> memref<10000x128xf32, #tpu.memory_space<hbm>>
      tpu.enqueue_indirect_dma source(%dma_start3A_64 : memref<10000x128xf32, #tpu.memory_space<hbm>>) target(%arg8 : memref<128x128xf32, #tpu.memory_space<vmem>>) offsets(%arg6 : memref<128xi32, #tpu.memory_space<vmem>>) semaphore(%arg10 : memref<!tpu.dma_semaphore, #tpu.memory_space<semaphore_mem>>)
      %dma_wait3A = arith.constant 0 : i32
      %dma_wait3A_65 = arith.constant 0 : i32
      %dma_wait3A_66 = tpu.memref_slice %arg2[%dma_wait3A, %dma_wait3A_65] : memref<10000x128xf32, #tpu.memory_space<hbm>> -> memref<10000x128xf32, #tpu.memory_space<hbm>>
      tpu.wait_indirect_dma semaphore(%arg10 : memref<!tpu.dma_semaphore, #tpu.memory_space<semaphore_mem>>) src(%dma_wait3A_66 : memref<10000x128xf32, #tpu.memory_space<hbm>>) dst(%arg8 : memref<128x128xf32, #tpu.memory_space<vmem>>)
      "tpu.region"() ({
        %run_scoped3A = tpu.sem_alloc : memref<!tpu.dma_semaphore, #tpu.memory_space<semaphore_mem>>
        %dma_start3A_67 = arith.constant 0 : i32
        %dma_start3A_68 = arith.constant 0 : i32
        %dma_start3A_69 = tpu.memref_slice %arg9[%dma_start3A_67, %dma_start3A_68] : memref<10240x128xf32, #tpu.memory_space<vmem_shared>> -> memref<10240x128xf32, #tpu.memory_space<vmem_shared>>
        tpu.enqueue_indirect_dma source(%arg8 : memref<128x128xf32, #tpu.memory_space<vmem>>) target(%dma_start3A_69 : memref<10240x128xf32, #tpu.memory_space<vmem_shared>>) offsets(%arg7 : memref<128xi32, #tpu.memory_space<vmem>>) semaphore(%run_scoped3A : memref<!tpu.dma_semaphore, #tpu.memory_space<semaphore_mem>>) {add = true}
        %dma_wait3A_70 = arith.constant 0 : i32
        %dma_wait3A_71 = arith.constant 0 : i32
        %dma_wait3A_72 = tpu.memref_slice %arg9[%dma_wait3A_70, %dma_wait3A_71] : memref<10240x128xf32, #tpu.memory_space<vmem_shared>> -> memref<10240x128xf32, #tpu.memory_space<vmem_shared>>
        tpu.wait_indirect_dma semaphore(%run_scoped3A : memref<!tpu.dma_semaphore, #tpu.memory_space<semaphore_mem>>) src(%arg8 : memref<128x128xf32, #tpu.memory_space<vmem>>) dst(%dma_wait3A_72 : memref<10240x128xf32, #tpu.memory_space<vmem_shared>>)
        tpu.yield
      }) : () -> ()
    }
    %scan3A_34 = arith.constant 79 : i32
    %barrier3A_35 = arith.constant 0 : index
    tpu.barrier barrier_id(%barrier3A_35)
    %mul3A_36 = arith.constant 640 : i32
    %mul3A_37 = arith.muli %arg1, %mul3A_36 : i32
    %add3A_38 = arith.constant 0 : i32
    %add3A_39 = arith.addi %mul3A_37, %add3A_38 : i32
    "tpu.region"() ({
      %run_scoped3A = tpu.sem_alloc : memref<!tpu.dma_semaphore, #tpu.memory_space<semaphore_mem>>
      %dma_start3A = arith.constant 0 : i32
      %dma_start3A_56 = tpu.memref_slice %arg9[%add3A_39, %dma_start3A] : memref<10240x128xf32, #tpu.memory_space<vmem_shared>> -> memref<128x128xf32, #tpu.memory_space<vmem_shared>>
      %dma_start3A_57 = arith.constant 0 : i32
      %dma_start3A_58 = tpu.memref_slice %arg9[%add3A_39, %dma_start3A_57] : memref<10240x128xf32, #tpu.memory_space<vmem_shared>> -> memref<128x128xf32, #tpu.memory_space<vmem_shared>>
      tpu.enqueue_dma source(%dma_start3A_58 : memref<128x128xf32, #tpu.memory_space<vmem_shared>>) target(%arg8 : memref<128x128xf32, #tpu.memory_space<vmem>>) target_semaphore(%run_scoped3A : memref<!tpu.dma_semaphore, #tpu.memory_space<semaphore_mem>>)
      %dma_wait3A = arith.constant 0 : i32
      %dma_wait3A_59 = tpu.memref_slice %arg9[%add3A_39, %dma_wait3A] : memref<10240x128xf32, #tpu.memory_space<vmem_shared>> -> memref<128x128xf32, #tpu.memory_space<vmem_shared>>
      %dma_wait3A_60 = arith.constant 0 : i32
      %dma_wait3A_61 = tpu.memref_slice %arg9[%add3A_39, %dma_wait3A_60] : memref<10240x128xf32, #tpu.memory_space<vmem_shared>> -> memref<128x128xf32, #tpu.memory_space<vmem_shared>>
      tpu.wait_dma2 semaphore(%run_scoped3A : memref<!tpu.dma_semaphore, #tpu.memory_space<semaphore_mem>>) src(%dma_wait3A_61 : memref<128x128xf32, #tpu.memory_space<vmem_shared>>) dst(%arg8 : memref<128x128xf32, #tpu.memory_space<vmem>>)
      tpu.yield
    }) : () -> ()
    "tpu.region"() ({
      %run_scoped3A = tpu.sem_alloc : memref<!tpu.dma_semaphore, #tpu.memory_space<semaphore_mem>>
      %dma_start3A = arith.constant 0 : i32
      %dma_start3A_56 = tpu.memref_slice %arg5[%arg0, %add3A_39, %dma_start3A] : memref<2x10240x128xf32, #tpu.memory_space<hbm>> -> memref<1x128x128xf32, #tpu.memory_space<hbm>>
      %dma_start3A_57 = tpu.memref_squeeze %dma_start3A_56 : memref<1x128x128xf32, #tpu.memory_space<hbm>> -> memref<128x128xf32, #tpu.memory_space<hbm>>
      %dma_start3A_58 = arith.constant 0 : i32
      %dma_start3A_59 = tpu.memref_slice %arg5[%arg0, %add3A_39, %dma_start3A_58] : memref<2x10240x128xf32, #tpu.memory_space<hbm>> -> memref<1x128x128xf32, #tpu.memory_space<hbm>>
      %dma_start3A_60 = tpu.memref_squeeze %dma_start3A_59 : memref<1x128x128xf32, #tpu.memory_space<hbm>> -> memref<128x128xf32, #tpu.memory_space<hbm>>
      tpu.enqueue_dma source(%arg8 : memref<128x128xf32, #tpu.memory_space<vmem>>) target(%dma_start3A_60 : memref<128x128xf32, #tpu.memory_space<hbm>>) target_semaphore(%run_scoped3A : memref<!tpu.dma_semaphore, #tpu.memory_space<semaphore_mem>>)
      %dma_wait3A = arith.constant 0 : i32
      %dma_wait3A_61 = tpu.memref_slice %arg5[%arg0, %add3A_39, %dma_wait3A] : memref<2x10240x128xf32, #tpu.memory_space<hbm>> -> memref<1x128x128xf32, #tpu.memory_space<hbm>>
      %dma_wait3A_62 = tpu.memref_squeeze %dma_wait3A_61 : memref<1x128x128xf32, #tpu.memory_space<hbm>> -> memref<128x128xf32, #tpu.memory_space<hbm>>
      %dma_wait3A_63 = arith.constant 0 : i32
      %dma_wait3A_64 = tpu.memref_slice %arg5[%arg0, %add3A_39, %dma_wait3A_63] : memref<2x10240x128xf32, #tpu.memory_space<hbm>> -> memref<1x128x128xf32, #tpu.memory_space<hbm>>
      %dma_wait3A_65 = tpu.memref_squeeze %dma_wait3A_64 : memref<1x128x128xf32, #tpu.memory_space<hbm>> -> memref<128x128xf32, #tpu.memory_space<hbm>>
      tpu.wait_dma2 semaphore(%run_scoped3A : memref<!tpu.dma_semaphore, #tpu.memory_space<semaphore_mem>>) src(%arg8 : memref<128x128xf32, #tpu.memory_space<vmem>>) dst(%dma_wait3A_65 : memref<128x128xf32, #tpu.memory_space<hbm>>)
      tpu.yield
    }) : () -> ()
    %mul3A_40 = arith.constant 640 : i32
    %mul3A_41 = arith.muli %arg1, %mul3A_40 : i32
    %add3A_42 = arith.constant 128 : i32
    %add3A_43 = arith.addi %mul3A_41, %add3A_42 : i32
    "tpu.region"() ({
      %run_scoped3A = tpu.sem_alloc : memref<!tpu.dma_semaphore, #tpu.memory_space<semaphore_mem>>
      %dma_start3A = arith.constant 0 : i32
      %dma_start3A_56 = tpu.memref_slice %arg9[%add3A_43, %dma_start3A] : memref<10240x128xf32, #tpu.memory_space<vmem_shared>> -> memref<128x128xf32, #tpu.memory_space<vmem_shared>>
      %dma_start3A_57 = arith.constant 0 : i32
      %dma_start3A_58 = tpu.memref_slice %arg9[%add3A_43, %dma_start3A_57] : memref<10240x128xf32, #tpu.memory_space<vmem_shared>> -> memref<128x128xf32, #tpu.memory_space<vmem_shared>>
      tpu.enqueue_dma source(%dma_start3A_58 : memref<128x128xf32, #tpu.memory_space<vmem_shared>>) target(%arg8 : memref<128x128xf32, #tpu.memory_space<vmem>>) target_semaphore(%run_scoped3A : memref<!tpu.dma_semaphore, #tpu.memory_space<semaphore_mem>>)
      %dma_wait3A = arith.constant 0 : i32
      %dma_wait3A_59 = tpu.memref_slice %arg9[%add3A_43, %dma_wait3A] : memref<10240x128xf32, #tpu.memory_space<vmem_shared>> -> memref<128x128xf32, #tpu.memory_space<vmem_shared>>
      %dma_wait3A_60 = arith.constant 0 : i32
      %dma_wait3A_61 = tpu.memref_slice %arg9[%add3A_43, %dma_wait3A_60] : memref<10240x128xf32, #tpu.memory_space<vmem_shared>> -> memref<128x128xf32, #tpu.memory_space<vmem_shared>>
      tpu.wait_dma2 semaphore(%run_scoped3A : memref<!tpu.dma_semaphore, #tpu.memory_space<semaphore_mem>>) src(%dma_wait3A_61 : memref<128x128xf32, #tpu.memory_space<vmem_shared>>) dst(%arg8 : memref<128x128xf32, #tpu.memory_space<vmem>>)
      tpu.yield
    }) : () -> ()
    "tpu.region"() ({
      %run_scoped3A = tpu.sem_alloc : memref<!tpu.dma_semaphore, #tpu.memory_space<semaphore_mem>>
      %dma_start3A = arith.constant 0 : i32
      %dma_start3A_56 = tpu.memref_slice %arg5[%arg0, %add3A_43, %dma_start3A] : memref<2x10240x128xf32, #tpu.memory_space<hbm>> -> memref<1x128x128xf32, #tpu.memory_space<hbm>>
      %dma_start3A_57 = tpu.memref_squeeze %dma_start3A_56 : memref<1x128x128xf32, #tpu.memory_space<hbm>> -> memref<128x128xf32, #tpu.memory_space<hbm>>
      %dma_start3A_58 = arith.constant 0 : i32
      %dma_start3A_59 = tpu.memref_slice %arg5[%arg0, %add3A_43, %dma_start3A_58] : memref<2x10240x128xf32, #tpu.memory_space<hbm>> -> memref<1x128x128xf32, #tpu.memory_space<hbm>>
      %dma_start3A_60 = tpu.memref_squeeze %dma_start3A_59 : memref<1x128x128xf32, #tpu.memory_space<hbm>> -> memref<128x128xf32, #tpu.memory_space<hbm>>
      tpu.enqueue_dma source(%arg8 : memref<128x128xf32, #tpu.memory_space<vmem>>) target(%dma_start3A_60 : memref<128x128xf32, #tpu.memory_space<hbm>>) target_semaphore(%run_scoped3A : memref<!tpu.dma_semaphore, #tpu.memory_space<semaphore_mem>>)
      %dma_wait3A = arith.constant 0 : i32
      %dma_wait3A_61 = tpu.memref_slice %arg5[%arg0, %add3A_43, %dma_wait3A] : memref<2x10240x128xf32, #tpu.memory_space<hbm>> -> memref<1x128x128xf32, #tpu.memory_space<hbm>>
      %dma_wait3A_62 = tpu.memref_squeeze %dma_wait3A_61 : memref<1x128x128xf32, #tpu.memory_space<hbm>> -> memref<128x128xf32, #tpu.memory_space<hbm>>
      %dma_wait3A_63 = arith.constant 0 : i32
      %dma_wait3A_64 = tpu.memref_slice %arg5[%arg0, %add3A_43, %dma_wait3A_63] : memref<2x10240x128xf32, #tpu.memory_space<hbm>> -> memref<1x128x128xf32, #tpu.memory_space<hbm>>
      %dma_wait3A_65 = tpu.memref_squeeze %dma_wait3A_64 : memref<1x128x128xf32, #tpu.memory_space<hbm>> -> memref<128x128xf32, #tpu.memory_space<hbm>>
      tpu.wait_dma2 semaphore(%run_scoped3A : memref<!tpu.dma_semaphore, #tpu.memory_space<semaphore_mem>>) src(%arg8 : memref<128x128xf32, #tpu.memory_space<vmem>>) dst(%dma_wait3A_65 : memref<128x128xf32, #tpu.memory_space<hbm>>)
      tpu.yield
    }) : () -> ()
    %mul3A_44 = arith.constant 640 : i32
    %mul3A_45 = arith.muli %arg1, %mul3A_44 : i32
    %add3A_46 = arith.constant 256 : i32
    %add3A_47 = arith.addi %mul3A_45, %add3A_46 : i32
    "tpu.region"() ({
      %run_scoped3A = tpu.sem_alloc : memref<!tpu.dma_semaphore, #tpu.memory_space<semaphore_mem>>
      %dma_start3A = arith.constant 0 : i32
      %dma_start3A_56 = tpu.memref_slice %arg9[%add3A_47, %dma_start3A] : memref<10240x128xf32, #tpu.memory_space<vmem_shared>> -> memref<128x128xf32, #tpu.memory_space<vmem_shared>>
      %dma_start3A_57 = arith.constant 0 : i32
      %dma_start3A_58 = tpu.memref_slice %arg9[%add3A_47, %dma_start3A_57] : memref<10240x128xf32, #tpu.memory_space<vmem_shared>> -> memref<128x128xf32, #tpu.memory_space<vmem_shared>>
      tpu.enqueue_dma source(%dma_start3A_58 : memref<128x128xf32, #tpu.memory_space<vmem_shared>>) target(%arg8 : memref<128x128xf32, #tpu.memory_space<vmem>>) target_semaphore(%run_scoped3A : memref<!tpu.dma_semaphore, #tpu.memory_space<semaphore_mem>>)
      %dma_wait3A = arith.constant 0 : i32
      %dma_wait3A_59 = tpu.memref_slice %arg9[%add3A_47, %dma_wait3A] : memref<10240x128xf32, #tpu.memory_space<vmem_shared>> -> memref<128x128xf32, #tpu.memory_space<vmem_shared>>
      %dma_wait3A_60 = arith.constant 0 : i32
      %dma_wait3A_61 = tpu.memref_slice %arg9[%add3A_47, %dma_wait3A_60] : memref<10240x128xf32, #tpu.memory_space<vmem_shared>> -> memref<128x128xf32, #tpu.memory_space<vmem_shared>>
      tpu.wait_dma2 semaphore(%run_scoped3A : memref<!tpu.dma_semaphore, #tpu.memory_space<semaphore_mem>>) src(%dma_wait3A_61 : memref<128x128xf32, #tpu.memory_space<vmem_shared>>) dst(%arg8 : memref<128x128xf32, #tpu.memory_space<vmem>>)
      tpu.yield
    }) : () -> ()
    "tpu.region"() ({
      %run_scoped3A = tpu.sem_alloc : memref<!tpu.dma_semaphore, #tpu.memory_space<semaphore_mem>>
      %dma_start3A = arith.constant 0 : i32
      %dma_start3A_56 = tpu.memref_slice %arg5[%arg0, %add3A_47, %dma_start3A] : memref<2x10240x128xf32, #tpu.memory_space<hbm>> -> memref<1x128x128xf32, #tpu.memory_space<hbm>>
      %dma_start3A_57 = tpu.memref_squeeze %dma_start3A_56 : memref<1x128x128xf32, #tpu.memory_space<hbm>> -> memref<128x128xf32, #tpu.memory_space<hbm>>
      %dma_start3A_58 = arith.constant 0 : i32
      %dma_start3A_59 = tpu.memref_slice %arg5[%arg0, %add3A_47, %dma_start3A_58] : memref<2x10240x128xf32, #tpu.memory_space<hbm>> -> memref<1x128x128xf32, #tpu.memory_space<hbm>>
      %dma_start3A_60 = tpu.memref_squeeze %dma_start3A_59 : memref<1x128x128xf32, #tpu.memory_space<hbm>> -> memref<128x128xf32, #tpu.memory_space<hbm>>
      tpu.enqueue_dma source(%arg8 : memref<128x128xf32, #tpu.memory_space<vmem>>) target(%dma_start3A_60 : memref<128x128xf32, #tpu.memory_space<hbm>>) target_semaphore(%run_scoped3A : memref<!tpu.dma_semaphore, #tpu.memory_space<semaphore_mem>>)
      %dma_wait3A = arith.constant 0 : i32
      %dma_wait3A_61 = tpu.memref_slice %arg5[%arg0, %add3A_47, %dma_wait3A] : memref<2x10240x128xf32, #tpu.memory_space<hbm>> -> memref<1x128x128xf32, #tpu.memory_space<hbm>>
      %dma_wait3A_62 = tpu.memref_squeeze %dma_wait3A_61 : memref<1x128x128xf32, #tpu.memory_space<hbm>> -> memref<128x128xf32, #tpu.memory_space<hbm>>
      %dma_wait3A_63 = arith.constant 0 : i32
      %dma_wait3A_64 = tpu.memref_slice %arg5[%arg0, %add3A_47, %dma_wait3A_63] : memref<2x10240x128xf32, #tpu.memory_space<hbm>> -> memref<1x128x128xf32, #tpu.memory_space<hbm>>
      %dma_wait3A_65 = tpu.memref_squeeze %dma_wait3A_64 : memref<1x128x128xf32, #tpu.memory_space<hbm>> -> memref<128x128xf32, #tpu.memory_space<hbm>>
      tpu.wait_dma2 semaphore(%run_scoped3A : memref<!tpu.dma_semaphore, #tpu.memory_space<semaphore_mem>>) src(%arg8 : memref<128x128xf32, #tpu.memory_space<vmem>>) dst(%dma_wait3A_65 : memref<128x128xf32, #tpu.memory_space<hbm>>)
      tpu.yield
    }) : () -> ()
    %mul3A_48 = arith.constant 640 : i32
    %mul3A_49 = arith.muli %arg1, %mul3A_48 : i32
    %add3A_50 = arith.constant 384 : i32
    %add3A_51 = arith.addi %mul3A_49, %add3A_50 : i32
    "tpu.region"() ({
      %run_scoped3A = tpu.sem_alloc : memref<!tpu.dma_semaphore, #tpu.memory_space<semaphore_mem>>
      %dma_start3A = arith.constant 0 : i32
      %dma_start3A_56 = tpu.memref_slice %arg9[%add3A_51, %dma_start3A] : memref<10240x128xf32, #tpu.memory_space<vmem_shared>> -> memref<128x128xf32, #tpu.memory_space<vmem_shared>>
      %dma_start3A_57 = arith.constant 0 : i32
      %dma_start3A_58 = tpu.memref_slice %arg9[%add3A_51, %dma_start3A_57] : memref<10240x128xf32, #tpu.memory_space<vmem_shared>> -> memref<128x128xf32, #tpu.memory_space<vmem_shared>>
      tpu.enqueue_dma source(%dma_start3A_58 : memref<128x128xf32, #tpu.memory_space<vmem_shared>>) target(%arg8 : memref<128x128xf32, #tpu.memory_space<vmem>>) target_semaphore(%run_scoped3A : memref<!tpu.dma_semaphore, #tpu.memory_space<semaphore_mem>>)
      %dma_wait3A = arith.constant 0 : i32
      %dma_wait3A_59 = tpu.memref_slice %arg9[%add3A_51, %dma_wait3A] : memref<10240x128xf32, #tpu.memory_space<vmem_shared>> -> memref<128x128xf32, #tpu.memory_space<vmem_shared>>
      %dma_wait3A_60 = arith.constant 0 : i32
      %dma_wait3A_61 = tpu.memref_slice %arg9[%add3A_51, %dma_wait3A_60] : memref<10240x128xf32, #tpu.memory_space<vmem_shared>> -> memref<128x128xf32, #tpu.memory_space<vmem_shared>>
      tpu.wait_dma2 semaphore(%run_scoped3A : memref<!tpu.dma_semaphore, #tpu.memory_space<semaphore_mem>>) src(%dma_wait3A_61 : memref<128x128xf32, #tpu.memory_space<vmem_shared>>) dst(%arg8 : memref<128x128xf32, #tpu.memory_space<vmem>>)
      tpu.yield
    }) : () -> ()
    "tpu.region"() ({
      %run_scoped3A = tpu.sem_alloc : memref<!tpu.dma_semaphore, #tpu.memory_space<semaphore_mem>>
      %dma_start3A = arith.constant 0 : i32
      %dma_start3A_56 = tpu.memref_slice %arg5[%arg0, %add3A_51, %dma_start3A] : memref<2x10240x128xf32, #tpu.memory_space<hbm>> -> memref<1x128x128xf32, #tpu.memory_space<hbm>>
      %dma_start3A_57 = tpu.memref_squeeze %dma_start3A_56 : memref<1x128x128xf32, #tpu.memory_space<hbm>> -> memref<128x128xf32, #tpu.memory_space<hbm>>
      %dma_start3A_58 = arith.constant 0 : i32
      %dma_start3A_59 = tpu.memref_slice %arg5[%arg0, %add3A_51, %dma_start3A_58] : memref<2x10240x128xf32, #tpu.memory_space<hbm>> -> memref<1x128x128xf32, #tpu.memory_space<hbm>>
      %dma_start3A_60 = tpu.memref_squeeze %dma_start3A_59 : memref<1x128x128xf32, #tpu.memory_space<hbm>> -> memref<128x128xf32, #tpu.memory_space<hbm>>
      tpu.enqueue_dma source(%arg8 : memref<128x128xf32, #tpu.memory_space<vmem>>) target(%dma_start3A_60 : memref<128x128xf32, #tpu.memory_space<hbm>>) target_semaphore(%run_scoped3A : memref<!tpu.dma_semaphore, #tpu.memory_space<semaphore_mem>>)
      %dma_wait3A = arith.constant 0 : i32
      %dma_wait3A_61 = tpu.memref_slice %arg5[%arg0, %add3A_51, %dma_wait3A] : memref<2x10240x128xf32, #tpu.memory_space<hbm>> -> memref<1x128x128xf32, #tpu.memory_space<hbm>>
      %dma_wait3A_62 = tpu.memref_squeeze %dma_wait3A_61 : memref<1x128x128xf32, #tpu.memory_space<hbm>> -> memref<128x128xf32, #tpu.memory_space<hbm>>
      %dma_wait3A_63 = arith.constant 0 : i32
      %dma_wait3A_64 = tpu.memref_slice %arg5[%arg0, %add3A_51, %dma_wait3A_63] : memref<2x10240x128xf32, #tpu.memory_space<hbm>> -> memref<1x128x128xf32, #tpu.memory_space<hbm>>
      %dma_wait3A_65 = tpu.memref_squeeze %dma_wait3A_64 : memref<1x128x128xf32, #tpu.memory_space<hbm>> -> memref<128x128xf32, #tpu.memory_space<hbm>>
      tpu.wait_dma2 semaphore(%run_scoped3A : memref<!tpu.dma_semaphore, #tpu.memory_space<semaphore_mem>>) src(%arg8 : memref<128x128xf32, #tpu.memory_space<vmem>>) dst(%dma_wait3A_65 : memref<128x128xf32, #tpu.memory_space<hbm>>)
      tpu.yield
    }) : () -> ()
    %mul3A_52 = arith.constant 640 : i32
    %mul3A_53 = arith.muli %arg1, %mul3A_52 : i32
    %add3A_54 = arith.constant 512 : i32
    %add3A_55 = arith.addi %mul3A_53, %add3A_54 : i32
    "tpu.region"() ({
      %run_scoped3A = tpu.sem_alloc : memref<!tpu.dma_semaphore, #tpu.memory_space<semaphore_mem>>
      %dma_start3A = arith.constant 0 : i32
      %dma_start3A_56 = tpu.memref_slice %arg9[%add3A_55, %dma_start3A] : memref<10240x128xf32, #tpu.memory_space<vmem_shared>> -> memref<128x128xf32, #tpu.memory_space<vmem_shared>>
      %dma_start3A_57 = arith.constant 0 : i32
      %dma_start3A_58 = tpu.memref_slice %arg9[%add3A_55, %dma_start3A_57] : memref<10240x128xf32, #tpu.memory_space<vmem_shared>> -> memref<128x128xf32, #tpu.memory_space<vmem_shared>>
      tpu.enqueue_dma source(%dma_start3A_58 : memref<128x128xf32, #tpu.memory_space<vmem_shared>>) target(%arg8 : memref<128x128xf32, #tpu.memory_space<vmem>>) target_semaphore(%run_scoped3A : memref<!tpu.dma_semaphore, #tpu.memory_space<semaphore_mem>>)
      %dma_wait3A = arith.constant 0 : i32
      %dma_wait3A_59 = tpu.memref_slice %arg9[%add3A_55, %dma_wait3A] : memref<10240x128xf32, #tpu.memory_space<vmem_shared>> -> memref<128x128xf32, #tpu.memory_space<vmem_shared>>
      %dma_wait3A_60 = arith.constant 0 : i32
      %dma_wait3A_61 = tpu.memref_slice %arg9[%add3A_55, %dma_wait3A_60] : memref<10240x128xf32, #tpu.memory_space<vmem_shared>> -> memref<128x128xf32, #tpu.memory_space<vmem_shared>>
      tpu.wait_dma2 semaphore(%run_scoped3A : memref<!tpu.dma_semaphore, #tpu.memory_space<semaphore_mem>>) src(%dma_wait3A_61 : memref<128x128xf32, #tpu.memory_space<vmem_shared>>) dst(%arg8 : memref<128x128xf32, #tpu.memory_space<vmem>>)
      tpu.yield
    }) : () -> ()
    "tpu.region"() ({
      %run_scoped3A = tpu.sem_alloc : memref<!tpu.dma_semaphore, #tpu.memory_space<semaphore_mem>>
      %dma_start3A = arith.constant 0 : i32
      %dma_start3A_56 = tpu.memref_slice %arg5[%arg0, %add3A_55, %dma_start3A] : memref<2x10240x128xf32, #tpu.memory_space<hbm>> -> memref<1x128x128xf32, #tpu.memory_space<hbm>>
      %dma_start3A_57 = tpu.memref_squeeze %dma_start3A_56 : memref<1x128x128xf32, #tpu.memory_space<hbm>> -> memref<128x128xf32, #tpu.memory_space<hbm>>
      %dma_start3A_58 = arith.constant 0 : i32
      %dma_start3A_59 = tpu.memref_slice %arg5[%arg0, %add3A_55, %dma_start3A_58] : memref<2x10240x128xf32, #tpu.memory_space<hbm>> -> memref<1x128x128xf32, #tpu.memory_space<hbm>>
      %dma_start3A_60 = tpu.memref_squeeze %dma_start3A_59 : memref<1x128x128xf32, #tpu.memory_space<hbm>> -> memref<128x128xf32, #tpu.memory_space<hbm>>
      tpu.enqueue_dma source(%arg8 : memref<128x128xf32, #tpu.memory_space<vmem>>) target(%dma_start3A_60 : memref<128x128xf32, #tpu.memory_space<hbm>>) target_semaphore(%run_scoped3A : memref<!tpu.dma_semaphore, #tpu.memory_space<semaphore_mem>>)
      %dma_wait3A = arith.constant 0 : i32
      %dma_wait3A_61 = tpu.memref_slice %arg5[%arg0, %add3A_55, %dma_wait3A] : memref<2x10240x128xf32, #tpu.memory_space<hbm>> -> memref<1x128x128xf32, #tpu.memory_space<hbm>>
      %dma_wait3A_62 = tpu.memref_squeeze %dma_wait3A_61 : memref<1x128x128xf32, #tpu.memory_space<hbm>> -> memref<128x128xf32, #tpu.memory_space<hbm>>
      %dma_wait3A_63 = arith.constant 0 : i32
      %dma_wait3A_64 = tpu.memref_slice %arg5[%arg0, %add3A_55, %dma_wait3A_63] : memref<2x10240x128xf32, #tpu.memory_space<hbm>> -> memref<1x128x128xf32, #tpu.memory_space<hbm>>
      %dma_wait3A_65 = tpu.memref_squeeze %dma_wait3A_64 : memref<1x128x128xf32, #tpu.memory_space<hbm>> -> memref<128x128xf32, #tpu.memory_space<hbm>>
      tpu.wait_dma2 semaphore(%run_scoped3A : memref<!tpu.dma_semaphore, #tpu.memory_space<semaphore_mem>>) src(%arg8 : memref<128x128xf32, #tpu.memory_space<vmem>>) dst(%dma_wait3A_65 : memref<128x128xf32, #tpu.memory_space<hbm>>)
      tpu.yield
    }) : () -> ()
    return
  }
}

module attributes {stable_mosaic.version = 14 : i64} {
  func.func @_tc1_body(%arg0: i32, %arg1: memref<1000x128xf32, #tpu.memory_space<vmem>>, %arg2: memref<128x128xf32, #tpu.memory_space<vmem>>, %arg3: memref<1000x2xf32, #tpu.memory_space<vmem>>, %arg4: memref<1000x128xf32, #tpu.memory_space<vmem>>) attributes {dimension_semantics = [#tpu.dimension_semantics<arbitrary>], iteration_bounds = array<i64: 10>, scalar_prefetch = 0 : i64, scratch_operands = 0 : i64, tpu.core_type = #tpu.core_type<tc>, window_params = [{transform_indices = @transform_0, window_bounds = array<i64: 1000, 128>}, {pipeline_mode = #tpu.pipeline_mode<synchronous>, transform_indices = @transform_1, window_bounds = array<i64: 128, 128>}, {transform_indices = @transform_2, window_bounds = array<i64: 1000, 2>}, {transform_indices = @transform_3, window_bounds = array<i64: 1000, 128>}]} {
    %get3A = arith.constant 0 : index
    %get3A_0 = arith.constant 0 : index
    %get3A_1 = vector.load %arg3[%get3A, %get3A_0] : memref<1000x2xf32, #tpu.memory_space<vmem>>, vector<1000x2xf32>
    %slice3A = vector.extract_strided_slice %get3A_1 {offsets = [0, 0], sizes = [1000, 1], strides = [1, 1]} : vector<1000x2xf32> to vector<1000x1xf32>
    %slice3A_2 = vector.extract_strided_slice %get3A_1 {offsets = [0, 1], sizes = [1000, 1], strides = [1, 1]} : vector<1000x2xf32> to vector<1000x1xf32>
    %add3A = arith.addf %slice3A, %slice3A_2 : vector<1000x1xf32>
    %add3A_3 = arith.constant 1.000000e+00 : f32
    %add3A_4 = vector.broadcast %add3A_3 : f32 to vector<1000x1xf32>
    %add3A_5 = arith.addf %add3A, %add3A_4 : vector<1000x1xf32>
    %rsqrt3A = math.rsqrt %add3A_5 : vector<1000x1xf32>
    %get3A_6 = arith.constant 0 : index
    %get3A_7 = arith.constant 0 : index
    %get3A_8 = vector.load %arg1[%get3A_6, %get3A_7] : memref<1000x128xf32, #tpu.memory_space<vmem>>, vector<1000x128xf32>
    %get3A_9 = arith.constant 0 : index
    %get3A_10 = arith.constant 0 : index
    %get3A_11 = vector.load %arg2[%get3A_9, %get3A_10] : memref<128x128xf32, #tpu.memory_space<vmem>>, vector<128x128xf32>
    %dot_general3A = arith.constant dense<0.000000e+00> : vector<1000x128xf32>
    %dot_general3A_12 = tpu.matmul %get3A_8, %get3A_11, %dot_general3A {dimension_numbers = #tpu.dot_dimension_numbers<[1], [0], [0], [1], [0, 0, 1, 1], [], []>, transpose_lhs_hint = false} : vector<1000x128xf32>, vector<128x128xf32>, vector<1000x128xf32> -> vector<1000x128xf32>
    %mul3A = vector.broadcast %rsqrt3A : vector<1000x1xf32> to vector<1000x128xf32>
    %mul3A_13 = arith.mulf %dot_general3A_12, %mul3A : vector<1000x128xf32>
    %swap3A = arith.constant 0 : index
    %swap3A_14 = arith.constant 0 : index
    %swap3A_15 = vector.load %arg4[%swap3A, %swap3A_14] : memref<1000x128xf32, #tpu.memory_space<vmem>>, vector<1000x128xf32>
    tpu.vector_store %arg4[%swap3A, %swap3A_14], %mul3A_13 {strides = array<i32>} : memref<1000x128xf32, #tpu.memory_space<vmem>>, vector<1000x128xf32>,
    return
  }
  func.func @transform_0(%arg0: i32) -> (i32, i32) {
    %c0_i32 = arith.constant 0 : i32
    %c0_i32_0 = arith.constant 0 : i32
    return %arg0, %c0_i32 : i32, i32
  }
  func.func @transform_1(%arg0: i32) -> (i32, i32) {
    %c0_i32 = arith.constant 0 : i32
    %c0_i32_0 = arith.constant 0 : i32
    %c0_i32_1 = arith.constant 0 : i32
    return %c0_i32, %c0_i32_0 : i32, i32
  }
  func.func @transform_2(%arg0: i32) -> (i32, i32) {
    %c0_i32 = arith.constant 0 : i32
    %c0_i32_0 = arith.constant 0 : i32
    return %arg0, %c0_i32 : i32, i32
  }
  func.func @transform_3(%arg0: i32) -> (i32, i32) {
    %c0_i32 = arith.constant 0 : i32
    %c0_i32_0 = arith.constant 0 : i32
    return %arg0, %c0_i32 : i32, i32
  }
}

module attributes {stable_mosaic.version = 14 : i64} {
  func.func @_tc2_body(%arg0: i32, %arg1: memref<1x1000x128xf32, #tpu.memory_space<vmem>>, %arg2: memref<1x1000x128xf32, #tpu.memory_space<vmem>>, %arg3: memref<1000x128xf32, #tpu.memory_space<vmem>>, %arg4: memref<1000x2xf32, #tpu.memory_space<vmem>>, %arg5: memref<1x128xf32, #tpu.memory_space<vmem>>, %arg6: memref<128x64xf32, #tpu.memory_space<vmem>>, %arg7: memref<1000x128xf32, #tpu.memory_space<vmem>>) attributes {dimension_semantics = [#tpu.dimension_semantics<arbitrary>], iteration_bounds = array<i64: 10>, scalar_prefetch = 0 : i64, scratch_operands = 0 : i64, tpu.core_type = #tpu.core_type<tc>, window_params = [{transform_indices = @transform_0, window_bounds = array<i64: 1, 1000, 128>}, {transform_indices = @transform_1, window_bounds = array<i64: 1, 1000, 128>}, {transform_indices = @transform_2, window_bounds = array<i64: 1000, 128>}, {transform_indices = @transform_3, window_bounds = array<i64: 1000, 2>}, {pipeline_mode = #tpu.pipeline_mode<synchronous>, transform_indices = @transform_4, window_bounds = array<i64: 1, 128>}, {pipeline_mode = #tpu.pipeline_mode<synchronous>, transform_indices = @transform_5, window_bounds = array<i64: 128, 64>}, {transform_indices = @transform_6, window_bounds = array<i64: 1000, 128>}]} {
    %get3A = arith.constant 0 : index
    %get3A_0 = arith.constant 0 : index
    %get3A_1 = vector.load %arg4[%get3A, %get3A_0] : memref<1000x2xf32, #tpu.memory_space<vmem>>, vector<1000x2xf32>
    %slice3A = vector.extract_strided_slice %get3A_1 {offsets = [0, 0], sizes = [1000, 1], strides = [1, 1]} : vector<1000x2xf32> to vector<1000x1xf32>
    %slice3A_2 = vector.extract_strided_slice %get3A_1 {offsets = [0, 1], sizes = [1000, 1], strides = [1, 1]} : vector<1000x2xf32> to vector<1000x1xf32>
    %add3A = arith.addf %slice3A, %slice3A_2 : vector<1000x1xf32>
    %add3A_3 = arith.constant 1.000000e+00 : f32
    %add3A_4 = vector.broadcast %add3A_3 : f32 to vector<1000x1xf32>
    %add3A_5 = arith.addf %add3A, %add3A_4 : vector<1000x1xf32>
    %rsqrt3A = math.rsqrt %add3A_5 : vector<1000x1xf32>
    %get3A_6 = arith.constant 0 : index
    %get3A_7 = arith.constant 0 : index
    %get3A_8 = arith.constant 0 : index
    %get3A_9 = vector.load %arg1[%get3A_6, %get3A_7, %get3A_8] : memref<1x1000x128xf32, #tpu.memory_space<vmem>>, vector<1x1000x128xf32>
    %get3A_10 = vector.shape_cast %get3A_9 : vector<1x1000x128xf32> to vector<1000x128xf32>
    %get3A_11 = arith.constant 0 : index
    %get3A_12 = arith.constant 0 : index
    %get3A_13 = arith.constant 0 : index
    %get3A_14 = vector.load %arg2[%get3A_11, %get3A_12, %get3A_13] : memref<1x1000x128xf32, #tpu.memory_space<vmem>>, vector<1x1000x128xf32>
    %get3A_15 = vector.shape_cast %get3A_14 : vector<1x1000x128xf32> to vector<1000x128xf32>
    %add3A_16 = arith.addf %get3A_10, %get3A_15 : vector<1000x128xf32>
    %get3A_17 = arith.constant 0 : index
    %get3A_18 = arith.constant 0 : index
    %get3A_19 = vector.load %arg3[%get3A_17, %get3A_18] : memref<1000x128xf32, #tpu.memory_space<vmem>>, vector<1000x128xf32>
    %add3A_20 = arith.addf %add3A_16, %get3A_19 : vector<1000x128xf32>
    %mul3A = vector.broadcast %rsqrt3A : vector<1000x1xf32> to vector<1000x128xf32>
    %mul3A_21 = arith.mulf %add3A_20, %mul3A : vector<1000x128xf32>
    %get3A_22 = arith.constant 0 : index
    %get3A_23 = arith.constant 0 : index
    %get3A_24 = vector.load %arg5[%get3A_22, %get3A_23] : memref<1x128xf32, #tpu.memory_space<vmem>>, vector<1x128xf32>
    %add3A_25 = vector.broadcast %get3A_24 : vector<1x128xf32> to vector<1000x128xf32>
    %add3A_26 = arith.addf %mul3A_21, %add3A_25 : vector<1000x128xf32>
    %max3A = arith.constant 0.000000e+00 : f32
    %max3A_27 = vector.broadcast %max3A : f32 to vector<1000x128xf32>
    %max3A_28 = arith.maximumf %add3A_26, %max3A_27 : vector<1000x128xf32>
    %get3A_29 = arith.constant 0 : index
    %get3A_30 = arith.constant 0 : index
    %get3A_31 = vector.load %arg6[%get3A_29, %get3A_30] : memref<128x64xf32, #tpu.memory_space<vmem>>, vector<128x64xf32>
    %dot_general3A = arith.constant dense<0.000000e+00> : vector<1000x64xf32>
    %dot_general3A_32 = tpu.matmul %max3A_28, %get3A_31, %dot_general3A {dimension_numbers = #tpu.dot_dimension_numbers<[1], [0], [0], [1], [0, 0, 1, 1], [], []>, transpose_lhs_hint = false} : vector<1000x128xf32>, vector<128x64xf32>, vector<1000x64xf32> -> vector<1000x64xf32>
    %mul3A_33 = vector.broadcast %rsqrt3A : vector<1000x1xf32> to vector<1000x64xf32>
    %mul3A_34 = arith.mulf %dot_general3A_32, %mul3A_33 : vector<1000x64xf32>
    %broadcast_in_dim3A = arith.constant 0.000000e+00 : f32
    %broadcast_in_dim3A_35 = vector.broadcast %broadcast_in_dim3A : f32 to vector<1000x64xf32>
    %concatenate3A = tpu.concatenate %mul3A_34, %broadcast_in_dim3A_35 in 1 : vector<1000x64xf32>, vector<1000x64xf32> -> vector<1000x128xf32>
    %swap3A = arith.constant 0 : index
    %swap3A_36 = arith.constant 0 : index
    %swap3A_37 = vector.load %arg7[%swap3A, %swap3A_36] : memref<1000x128xf32, #tpu.memory_space<vmem>>, vector<1000x128xf32>
    tpu.vector_store %arg7[%swap3A, %swap3A_36], %concatenate3A {strides = array<i32>} : memref<1000x128xf32, #tpu.memory_space<vmem>>, vector<1000x128xf32>,
    return
  }
  func.func @transform_0(%arg0: i32) -> (i32, i32, i32) {
    %c0_i32 = arith.constant 0 : i32
    %c0_i32_0 = arith.constant 0 : i32
    %c0_i32_1 = arith.constant 0 : i32
    return %c0_i32, %arg0, %c0_i32_0 : i32, i32, i32
  }
  func.func @transform_1(%arg0: i32) -> (i32, i32, i32) {
    %c1_i32 = arith.constant 1 : i32
    %c0_i32 = arith.constant 0 : i32
    %c0_i32_0 = arith.constant 0 : i32
    return %c1_i32, %arg0, %c0_i32 : i32, i32, i32
  }
  func.func @transform_2(%arg0: i32) -> (i32, i32) {
    %c0_i32 = arith.constant 0 : i32
    %c0_i32_0 = arith.constant 0 : i32
    return %arg0, %c0_i32 : i32, i32
  }
  func.func @transform_3(%arg0: i32) -> (i32, i32) {
    %c0_i32 = arith.constant 0 : i32
    %c0_i32_0 = arith.constant 0 : i32
    return %arg0, %c0_i32 : i32, i32
  }
  func.func @transform_4(%arg0: i32) -> (i32, i32) {
    %c0_i32 = arith.constant 0 : i32
    %c0_i32_0 = arith.constant 0 : i32
    %c0_i32_1 = arith.constant 0 : i32
    return %c0_i32, %c0_i32_0 : i32, i32
  }
  func.func @transform_5(%arg0: i32) -> (i32, i32) {
    %c0_i32 = arith.constant 0 : i32
    %c0_i32_0 = arith.constant 0 : i32
    %c0_i32_1 = arith.constant 0 : i32
    return %c0_i32, %c0_i32_0 : i32, i32
  }
  func.func @transform_6(%arg0: i32) -> (i32, i32) {
    %c0_i32 = arith.constant 0 : i32
    %c0_i32_0 = arith.constant 0 : i32
    return %arg0, %c0_i32 : i32, i32
  }
}

module attributes {stable_mosaic.version = 14 : i64} {
  func.func @_tc3_body(%arg0: i32, %arg1: memref<1x1000x128xf32, #tpu.memory_space<vmem>>, %arg2: memref<1x1000x128xf32, #tpu.memory_space<vmem>>, %arg3: memref<1000x128xf32, #tpu.memory_space<vmem>>, %arg4: memref<1000x2xf32, #tpu.memory_space<vmem>>, %arg5: memref<1x64xf32, #tpu.memory_space<vmem>>, %arg6: memref<64x64xf32, #tpu.memory_space<vmem>>, %arg7: memref<1x64xf32, #tpu.memory_space<vmem>>, %arg8: memref<1000x64xf32, #tpu.memory_space<vmem>>) attributes {dimension_semantics = [#tpu.dimension_semantics<arbitrary>], iteration_bounds = array<i64: 10>, scalar_prefetch = 0 : i64, scratch_operands = 0 : i64, tpu.core_type = #tpu.core_type<tc>, window_params = [{transform_indices = @transform_0, window_bounds = array<i64: 1, 1000, 128>}, {transform_indices = @transform_1, window_bounds = array<i64: 1, 1000, 128>}, {transform_indices = @transform_2, window_bounds = array<i64: 1000, 128>}, {transform_indices = @transform_3, window_bounds = array<i64: 1000, 2>}, {pipeline_mode = #tpu.pipeline_mode<synchronous>, transform_indices = @transform_4, window_bounds = array<i64: 1, 64>}, {pipeline_mode = #tpu.pipeline_mode<synchronous>, transform_indices = @transform_5, window_bounds = array<i64: 64, 64>}, {pipeline_mode = #tpu.pipeline_mode<synchronous>, transform_indices = @transform_6, window_bounds = array<i64: 1, 64>}, {transform_indices = @transform_7, window_bounds = array<i64: 1000, 64>}]} {
    %get3A = arith.constant 0 : index
    %get3A_0 = arith.constant 0 : index
    %get3A_1 = vector.load %arg4[%get3A, %get3A_0] : memref<1000x2xf32, #tpu.memory_space<vmem>>, vector<1000x2xf32>
    %slice3A = vector.extract_strided_slice %get3A_1 {offsets = [0, 0], sizes = [1000, 1], strides = [1, 1]} : vector<1000x2xf32> to vector<1000x1xf32>
    %slice3A_2 = vector.extract_strided_slice %get3A_1 {offsets = [0, 1], sizes = [1000, 1], strides = [1, 1]} : vector<1000x2xf32> to vector<1000x1xf32>
    %add3A = arith.addf %slice3A, %slice3A_2 : vector<1000x1xf32>
    %add3A_3 = arith.constant 1.000000e+00 : f32
    %add3A_4 = vector.broadcast %add3A_3 : f32 to vector<1000x1xf32>
    %add3A_5 = arith.addf %add3A, %add3A_4 : vector<1000x1xf32>
    %rsqrt3A = math.rsqrt %add3A_5 : vector<1000x1xf32>
    %get3A_6 = arith.constant 0 : index
    %get3A_7 = arith.constant 0 : index
    %get3A_8 = arith.constant 0 : index
    %get3A_9 = vector.load %arg1[%get3A_6, %get3A_7, %get3A_8] : memref<1x1000x128xf32, #tpu.memory_space<vmem>>, vector<1x1000x128xf32>
    %get3A_10 = vector.shape_cast %get3A_9 : vector<1x1000x128xf32> to vector<1000x128xf32>
    %slice3A_11 = vector.extract_strided_slice %get3A_10 {offsets = [0, 0], sizes = [1000, 64], strides = [1, 1]} : vector<1000x128xf32> to vector<1000x64xf32>
    %get3A_12 = arith.constant 0 : index
    %get3A_13 = arith.constant 0 : index
    %get3A_14 = arith.constant 0 : index
    %get3A_15 = vector.load %arg2[%get3A_12, %get3A_13, %get3A_14] : memref<1x1000x128xf32, #tpu.memory_space<vmem>>, vector<1x1000x128xf32>
    %get3A_16 = vector.shape_cast %get3A_15 : vector<1x1000x128xf32> to vector<1000x128xf32>
    %slice3A_17 = vector.extract_strided_slice %get3A_16 {offsets = [0, 0], sizes = [1000, 64], strides = [1, 1]} : vector<1000x128xf32> to vector<1000x64xf32>
    %add3A_18 = arith.addf %slice3A_11, %slice3A_17 : vector<1000x64xf32>
    %get3A_19 = arith.constant 0 : index
    %get3A_20 = arith.constant 0 : index
    %get3A_21 = vector.load %arg3[%get3A_19, %get3A_20] : memref<1000x128xf32, #tpu.memory_space<vmem>>, vector<1000x64xf32>
    %add3A_22 = arith.addf %add3A_18, %get3A_21 : vector<1000x64xf32>
    %mul3A = vector.broadcast %rsqrt3A : vector<1000x1xf32> to vector<1000x64xf32>
    %mul3A_23 = arith.mulf %add3A_22, %mul3A : vector<1000x64xf32>
    %get3A_24 = arith.constant 0 : index
    %get3A_25 = arith.constant 0 : index
    %get3A_26 = vector.load %arg5[%get3A_24, %get3A_25] : memref<1x64xf32, #tpu.memory_space<vmem>>, vector<1x64xf32>
    %add3A_27 = vector.broadcast %get3A_26 : vector<1x64xf32> to vector<1000x64xf32>
    %add3A_28 = arith.addf %mul3A_23, %add3A_27 : vector<1000x64xf32>
    %get3A_29 = arith.constant 0 : index
    %get3A_30 = arith.constant 0 : index
    %get3A_31 = vector.load %arg6[%get3A_29, %get3A_30] : memref<64x64xf32, #tpu.memory_space<vmem>>, vector<64x64xf32>
    %dot_general3A = arith.constant dense<0.000000e+00> : vector<1000x64xf32>
    %dot_general3A_32 = tpu.matmul %add3A_28, %get3A_31, %dot_general3A {dimension_numbers = #tpu.dot_dimension_numbers<[1], [0], [0], [1], [0, 0, 1, 1], [], []>, transpose_lhs_hint = false} : vector<1000x64xf32>, vector<64x64xf32>, vector<1000x64xf32> -> vector<1000x64xf32>
    %get3A_33 = arith.constant 0 : index
    %get3A_34 = arith.constant 0 : index
    %get3A_35 = vector.load %arg7[%get3A_33, %get3A_34] : memref<1x64xf32, #tpu.memory_space<vmem>>, vector<1x64xf32>
    %add3A_36 = vector.broadcast %get3A_35 : vector<1x64xf32> to vector<1000x64xf32>
    %add3A_37 = arith.addf %dot_general3A_32, %add3A_36 : vector<1000x64xf32>
    %reduce_max3A = arith.constant dense<0xFF800000> : vector<1000xf32>
    %reduce_max3A_38 = vector.multi_reduction <maximumf>, %add3A_37, %reduce_max3A [1] : vector<1000x64xf32> to vector<1000xf32>
    %broadcast_in_dim3A = vector.shape_cast %reduce_max3A_38 : vector<1000xf32> to vector<1000x1xf32>
    %sub3A = vector.broadcast %broadcast_in_dim3A : vector<1000x1xf32> to vector<1000x64xf32>
    %sub3A_39 = arith.subf %add3A_37, %sub3A : vector<1000x64xf32>
    %exp3A = math.exp %sub3A_39 : vector<1000x64xf32>
    %sub3A_40 = vector.broadcast %broadcast_in_dim3A : vector<1000x1xf32> to vector<1000x64xf32>
    %sub3A_41 = arith.subf %add3A_37, %sub3A_40 : vector<1000x64xf32>
    %reduce_sum3A = arith.constant dense<0.000000e+00> : vector<1000xf32>
    %reduce_sum3A_42 = vector.multi_reduction <add>, %exp3A, %reduce_sum3A [1] : vector<1000x64xf32> to vector<1000xf32>
    %broadcast_in_dim3A_43 = vector.shape_cast %reduce_sum3A_42 : vector<1000xf32> to vector<1000x1xf32>
    %log3A = math.log %broadcast_in_dim3A_43 : vector<1000x1xf32>
    %sub3A_44 = vector.broadcast %log3A : vector<1000x1xf32> to vector<1000x64xf32>
    %sub3A_45 = arith.subf %sub3A_41, %sub3A_44 : vector<1000x64xf32>
    %swap3A = arith.constant 0 : index
    %swap3A_46 = arith.constant 0 : index
    %swap3A_47 = vector.load %arg8[%swap3A, %swap3A_46] : memref<1000x64xf32, #tpu.memory_space<vmem>>, vector<1000x64xf32>
    tpu.vector_store %arg8[%swap3A, %swap3A_46], %sub3A_45 {strides = array<i32>} : memref<1000x64xf32, #tpu.memory_space<vmem>>, vector<1000x64xf32>,
    return
  }
  func.func @transform_0(%arg0: i32) -> (i32, i32, i32) {
    %c0_i32 = arith.constant 0 : i32
    %c0_i32_0 = arith.constant 0 : i32
    %c0_i32_1 = arith.constant 0 : i32
    return %c0_i32, %arg0, %c0_i32_0 : i32, i32, i32
  }
  func.func @transform_1(%arg0: i32) -> (i32, i32, i32) {
    %c1_i32 = arith.constant 1 : i32
    %c0_i32 = arith.constant 0 : i32
    %c0_i32_0 = arith.constant 0 : i32
    return %c1_i32, %arg0, %c0_i32 : i32, i32, i32
  }
  func.func @transform_2(%arg0: i32) -> (i32, i32) {
    %c0_i32 = arith.constant 0 : i32
    %c0_i32_0 = arith.constant 0 : i32
    return %arg0, %c0_i32 : i32, i32
  }
  func.func @transform_3(%arg0: i32) -> (i32, i32) {
    %c0_i32 = arith.constant 0 : i32
    %c0_i32_0 = arith.constant 0 : i32
    return %arg0, %c0_i32 : i32, i32
  }
  func.func @transform_4(%arg0: i32) -> (i32, i32) {
    %c0_i32 = arith.constant 0 : i32
    %c0_i32_0 = arith.constant 0 : i32
    %c0_i32_1 = arith.constant 0 : i32
    return %c0_i32, %c0_i32_0 : i32, i32
  }
  func.func @transform_5(%arg0: i32) -> (i32, i32) {
    %c0_i32 = arith.constant 0 : i32
    %c0_i32_0 = arith.constant 0 : i32
    %c0_i32_1 = arith.constant 0 : i32
    return %c0_i32, %c0_i32_0 : i32, i32
  }
  func.func @transform_6(%arg0: i32) -> (i32, i32) {
    %c0_i32 = arith.constant 0 : i32
    %c0_i32_0 = arith.constant 0 : i32
    %c0_i32_1 = arith.constant 0 : i32
    return %c0_i32, %c0_i32_0 : i32, i32
  }
  func.func @transform_7(%arg0: i32) -> (i32, i32) {
    %c0_i32 = arith.constant 0 : i32
    %c0_i32_0 = arith.constant 0 : i32
    return %arg0, %c0_i32 : i32, i32
  }
}

</mosaic_0001>

<sc_bundles>
// kernel: kernel.11.cloned.1.call-start
scs
__scs_entry_jumppad:
0x0: {  	(pc) =	sbr.rel $0x88, $3  }
0x1: {  	(tag) =	ssettag $0x0;
	lr =	simm.s32 $0x1  }
0x2: {  	[smem:$0x3F99] =	sst lr;
	_ =	strace $0xD0000000  }
0x3: {  	_ = 	snop  }
0x4: {  	_ = 	snop  }
0x5: {  	_ = 	snop  }
0x6: {  	_ = 	snop  }
0x7: {  	_ = 	snop  }
__scs_overlays_trampoline_lowered:
0x8: {  	[smem:$0x3FA8] =	sst s0  }
0x9: {  	[smem:$0x3FA9] =	sst s1  }
0xa: {  	[smem:$0x3FAA] =	sst s2  }
0xb: {  	[smem:$0x3FAB] =	sst s3  }
0xc: {  	[smem:$0x3FAC] =	sst s4  }
0xd: {  	[smem:$0x3FAD] =	sst s5  }
0xe: {  	[smem:$0x3FAE] =	sst s6  }
0xf: {  	[smem:$0x3FAF] =	sst s7  }
0x10: {  	[smem:$0x3FB0] =	sst s8  }
0x11: {  	[smem:$0x3FB1] =	sst s9;
	s0 =	simm.s32 @!p0 $0x0  }
0x12: {  	s1 =	sld [smem:$0x3F97];
	s0 =	simm.s32 @p0 $0x1  }
0x13: {  	[smem:$0x3FB2] =	sst s0;
	s0 =	simm.s32 @!p1 $0x0  }
0x14: {  	s2 =	sld [smem:$0x3F96];
	s0 =	simm.s32 @p1 $0x1  }
0x15: {  	[smem:$0x3FB3] =	sst s0;
	s0 =	simm.s32 @!p2 $0x0  }
0x16: {  	s3 =	sld [smem:$0x3FDB];
	s0 =	simm.s32 @p2 $0x1  }
0x17: {  	s4 =	simm.s32 $0x1BF5;
	[smem:$0x3FB5] =	sst s0  }
0x18: {  	s0 =	sld [smem:$0x3F98];
	_ =	swait.ge [sflag:s4], $0x0  }
0x19: {  	s7 =	sld [smem:$0x3F99]  }
0x1a: {  	s8 =	sadd.s32 $0xFFFFE003, lr  }
0x1b: {  	s9 =	sadd.s32 $0xFFFFFEF7, lr;
	s5 =	simm.s32 $0xFFFFFFFF;
	p2 =	slt.u32 s8, $0xFFFFF086  }
0x1c: {  	p1 =	slt.u32 s9, $0xF7A;
	s5 =	simm.s32 @!p2 $0x0  }
0x1d: {  	s5 =	simm.s32 @p1 $0x1;
	p0 =	seq.s32 s7, s2  }
0x1e: {  	s7 =	smul.u32 @!p0 $0xF7A, s2;
	p2 =	seq.s32 @!p0 s5, $0x0  }
0x1f: {  	s9 =	smul.u32 $0xF7A, s1;
	s8 =	simm.s32 @!p0 $0x1BF5;
	p2 =	por !p2, p0  }
0x20: {  	[sflag:s8] =	ssyncset.s32 @!p0 $0xFFFFF086;
	s6 =	sadd.s32 @!p0 s3, s7;
	s7 =	simm.s32 @!p0 $0x108  }
0x21: {  	s3 =	sadd.s32 s3, s9;
	s6 =	sadd.s32 @!p0 $0x88, s6;
	s7 =	simm.s32 @p2 $0x1082  }
0x22: {  	[simem:s7], [sflag:s8] =	dma.local @!p0 [hbm:s6], $0xF7A  }
0x23: {  	s9 =	sor.u32 $0xD0000000, s2;
	s6 =	simm.s32 $0x108;
	_ =	swait.ge @!p0 [sflag:s8], $0x0  }
0x24: {  	s3 =	sadd.s32 $0x88, s3;
	s6 =	simm.s32 @!p1 $0x1082;
	[sflag:s4] =	ssyncset.s32 $0xFFFFF086  }
0x25: {  	[simem:s6], [sflag:s4] =	dma.local [hbm:s3], $0xF7A  }
0x26: {  	[smem:$0x3F99] =	sst s1;
	(tag) =	ssettag s2;
	_ =	strace s9  }
0x27: {  	s1 =	sld [smem:$0x3FA9]  }
0x28: {  	s2 =	sld [smem:$0x3FAA]  }
0x29: {  	s4 =	sld [smem:$0x3FAC]  }
0x2a: {  	p0 =	seq.s32 s5, $0x0;
	s5 =	sld [smem:$0x3FAD]  }
0x2b: {  	s6 =	sld [smem:$0x3FAE]  }
0x2c: {  	s7 =	sld [smem:$0x3FAF]  }
0x2d: {  	s3 =	simm.s32 $0x108;
	s8 =	sld [smem:$0x3FB0]  }
0x2e: {  	s3 =	simm.s32 @!p0 $0x1082;
	s9 =	sld [smem:$0x3FB1]  }
0x2f: {  	lr =	sadd.s32 s0, s3;
	s0 =	sld [smem:$0x3FA8]  }
0x30: {  	s3 =	sld [smem:$0x3FAB]  }
0x31: {  	[smem:$0x3FB4] =	sst s10  }
0x32: {  	s10 =	sld [smem:$0x3FB2];
	_ =	sdelay $0x3  }
0x33: {  	p0 =	seq.s32 s10, $0x1;
	s10 =	sld [smem:$0x3FB4];
	_ =	sdelay $0x3  }
0x34: {  	[smem:$0x3FB4] =	sst s10  }
0x35: {  	s10 =	sld [smem:$0x3FB3];
	_ =	sdelay $0x3  }
0x36: {  	p1 =	seq.s32 s10, $0x1;
	s10 =	sld [smem:$0x3FB4];
	_ =	sdelay $0x3  }
0x37: {  	[smem:$0x3FB4] =	sst s10  }
0x38: {  	s10 =	sld [smem:$0x3FB5]  }
0x39: {  	_ = 	snop;
	(pc) =	sbr.ind lr, $3  }
0x3a: {  	_ = 	snop  }
0x3b: {  	_ = 	snop  }
0x3c: {  	p2 =	seq.s32 s10, $0x1;
	s10 =	sld [smem:$0x3FB4]  }
0x3d: {  	_ =	shalt  }
0x3e: {  	_ =	shalt  }
0x3f: {  	_ =	shalt  }
0x40: {  	_ =	shalt  }
0x41: {  	_ =	shalt  }
0x42: {  	_ =	shalt  }
0x43: {  	_ =	shalt  }
0x44: {  	_ =	shalt  }
0x45: {  	_ =	shalt  }
0x46: {  	_ =	shalt  }
0x47: {  	_ =	shalt  }
0x48: {  	_ =	shalt  }
0x49: {  	_ =	shalt  }
0x4a: {  	_ =	shalt  }
0x4b: {  	_ =	shalt  }
0x4c: {  	_ =	shalt  }
0x4d: {  	_ =	shalt  }
0x4e: {  	_ =	shalt  }
0x4f: {  	_ =	shalt  }
0x50: {  	_ =	shalt  }
0x51: {  	_ =	shalt  }
0x52: {  	_ =	shalt  }
0x53: {  	_ =	shalt  }
0x54: {  	_ =	shalt  }
0x55: {  	_ =	shalt  }
0x56: {  	_ =	shalt  }
0x57: {  	_ =	shalt  }
0x58: {  	_ =	shalt  }
0x59: {  	_ =	shalt  }
0x5a: {  	_ =	shalt  }
0x5b: {  	_ =	shalt  }
0x5c: {  	_ =	shalt  }
0x5d: {  	_ =	shalt  }
0x5e: {  	_ =	shalt  }
0x5f: {  	_ =	shalt  }
0x60: {  	_ =	shalt  }
0x61: {  	_ =	shalt  }
0x62: {  	_ =	shalt  }
0x63: {  	_ =	shalt  }
0x64: {  	_ =	shalt  }
0x65: {  	_ =	shalt  }
0x66: {  	_ =	shalt  }
0x67: {  	_ =	shalt  }
0x68: {  	_ =	shalt  }
0x69: {  	_ =	shalt  }
0x6a: {  	_ =	shalt  }
0x6b: {  	_ =	shalt  }
0x6c: {  	_ =	shalt  }
0x6d: {  	_ =	shalt  }
0x6e: {  	_ =	shalt  }
0x6f: {  	_ =	shalt  }
0x70: {  	_ =	shalt  }
0x71: {  	_ =	shalt  }
0x72: {  	_ =	shalt  }
0x73: {  	_ =	shalt  }
0x74: {  	_ =	shalt  }
0x75: {  	_ =	shalt  }
0x76: {  	_ =	shalt  }
0x77: {  	_ =	shalt  }
0x78: {  	_ =	shalt  }
0x79: {  	_ =	shalt  }
0x7a: {  	_ =	shalt  }
0x7b: {  	_ =	shalt  }
0x7c: {  	_ =	shalt  }
0x7d: {  	_ =	shalt  }
0x7e: {  	_ =	shalt  }
0x7f: {  	_ =	shalt  }
0x80: {  	_ =	shalt  }
0x81: {  	_ =	shalt  }
0x82: {  	_ =	shalt  }
0x83: {  	_ =	shalt  }
0x84: {  	_ =	shalt  }
0x85: {  	_ =	shalt  }
0x86: {  	_ =	shalt  }
0x87: {  	_ =	shalt  }
.Lfunc_end0:
.L_simem_size_0:
called_computation.1_lowered:
.L_overlay_start_0:
0x88: {  	s2 =	sld [smem:$0x3FD9]  }
0x89: {  	s3 =	sld [smem:$0x3FFE];
	_ =	sdelay $0x1  }
0x8a: {  	s1 =	srdreg.scid  }
0x8b: {  	s0 =	sand.u32 $0x1, s1  }
0x8c: {  	s17 =	sshll.u32 s0, $0xA;
	s2 =	sadd.s32 s3, s2  }
0x8d: {  	s2 =	sadd.s32 s2, s17  }
0x8e: {  	[smem:$0x3FC0] =	sst s2  }
0x8f: {  	_ = 	snop  }
0x90: {  	s2 =	sld [smem:$0x3FD0];
	(tm) =	ssettm $0x1  }
0x91: {  	s18 =	sld [smem:$0x3FFB];
	_ =	sdelay $0x3  }
0x92: {  	_ =	strace s18  }
0x93: {  	s3 =	sld [smem:$0x3FFC];
	_ =	sdelay $0x3  }
0x94: {  	_ =	strace s3  }
0x95: {  	s3 =	sld [smem:$0x3FFD];
	_ =	sdelay $0x3  }
0x96: {  	_ =	strace s3  }
0x97: {  	_ =	strace $0x8FFFFFFF  }
0x98: {  	s19 =	sld [smem:$0x3FDB];
	_ =	sdelay $0x1  }
0x99: {  	s4 =	simm.s32 $_scs_section_size  }
0x9a: {  	s5 =	simm.s32 $_size__tile_overlayer_lowered;
	s6 =	simm.s32 $_tile_overlayer_lowered  }
0x9b: {  	s22 =	simm.s32 $0x1BFF;
	s21 =	sshll.u32 s6, $0x1;
	s3 =	sadd.s32 s4, s19  }
0x9c: {  	s7 =	simm.s32 $0x0;
	s20 =	sshll.u32 s5, $0x1;
	s5 =	sadd.s32 s21, s3  }
0x9d: {  	[timem:s7], [sflag:s22] =	dma.local [hbm:s5], s20  }
0x9e: {  	_ =	swait.ge [sflag:s22], s20  }
0x9f: {  	s4 =	ssub.s32 $0x0, s20;
	[sflag:s22] =	ssyncset.done $0x0  }
0xa0: {  	[sflag:s22] =	ssyncadd.s32 s4;
	_ =	sdelay $0x1  }
0xa1: {  	s23 =	simm.s32 $0x1B8B  }
0xa2: {  	_ =	swait.ge [sflag:s23], $0x1  }
0xa3: {  	[sflag:s23] =	ssyncset.done $0x0  }
0xa4: {  	s25 =	simm.s32 $0x1B8E;
	s24 =	sld [smem:$0x3FFE];
	[sflag:s23] =	ssyncadd.s32 $0xFFFFFFFF  }
0xa5: {  	s26 =	simm.s32 $execute0_lowered;
	[smem:$0x3FD2] =	sst s25  }
0xa6: {  	s5 =	sshll.u32 s26, $0x1;
	_ =	strace $0x80000049;
	[dreg:$0x1] =	wrdreg $0xFFFFFFFF  }
0xa7: {  	s28 =	simm.s32 $_size_execute0_lowered;
	s3 =	sadd.s32 s3, s5;
	[dreg:$0x0] =	wrdreg $0x0  }
0xa8: {  	s5 =	sshll.u32 s28, $0x1;
	[dreg:$0x2] =	wrdreg s3  }
0xa9: {  	[dreg:$0x3] =	wrdreg s5  }
0xaa: {  	[dreg:$0x4] =	wrdreg $0xC0  }
0xab: {  	_ =	task [dreg:s7], $0x5FFFF  }
0xac: {  	[dreg:$0x1] =	wrdreg $0xFFFFFFFF  }
0xad: {  	[dreg:$0x0] =	wrdreg $0x60  }
0xae: {  	[dreg:$0x2] =	wrdreg s24  }
0xaf: {  	[dreg:$0x3] =	wrdreg s2  }
0xb0: {  	[dreg:$0x4] =	wrdreg $0x41000  }
0xb1: {  	[dreg:$0x5] =	wrdreg $0x9  }
0xb2: {  	_ =	task.clear_ibuf [dreg:s7], $0x6FFFF;
	_ =	strace $0x90000049  }
0xb3: {  	s29 =	simm.s32 $0x9;
	_ =	strace $0x8000004B  }
0xb4: {  	_ =	swait.ge [sflag:s29], $0x1  }
0xb5: {  	[sflag:s29] =	ssyncadd.s32 $0xFFFFFFFF  }
0xb6: {  	_ =	strace $0x9000004B  }
0xb7: {  	_ =	sfence  }
0xb8: {  	s30 =	sld [smem:$0x0];
	_ =	sdelay $0x2  }
0xb9: {  	s31 =	sshll.u32 s1, $0xD;
	s1 =	sshrl.u32 s1, $0x2  }
0xba: {  	s3 =	sand.u32 $0x4000, s31;
	s1 =	sadd.s32 s1, s30  }
0xbb: {  	s0 =	sor.u32 s3, s0;
	s1 =	sshll.u32 s1, $0x11  }
0xbc: {  	s0 =	sor.u32 s1, s0  }
0xbd: {  	s0 =	sadd.s32 $0x8F2B, s0  }
0xbe: {  	[sflag:s0] =	ssyncadd.remote.s32 $0x1  }
0xbf: {  	_ =	sfence.sel $0xFFFF  }
0xc0: {  	[dreg:$0x0] =	wrdreg $0xFFFFFFFF;
	(pc) =	sbr.abs _section_cstart, $3  }
0xc1: {  	[dreg:$0x1] =	wrdreg $0xFFFFFFFF  }
0xc2: {  	_ =	task.clear_ibuf [dreg:s7], $0x2FFFF;
	_ =	strace $0x9FFFFFFF  }
0xc3: {  	(tm) =	ssettm $0x7FFFFFFF  }
tec
execute0_lowered:
.L_overlay_start_1:
0x0: {  	(tag) =	ssettag $0x1  }
0x1: {  	s5 =	rddreg [dreg:$0x0]  }
0x2: {  	s15 =	rddreg [dreg:$0x1]  }
0x3: {  	s2 =	rddreg [dreg:$0x2]  }
0x4: {  	s0 =	rddreg [dreg:$0x3];
	s1 =	stileid.u32  }
0x5: {  	s3 =	simm.s32 $0x0;
	s6 =	srdreg.scid;
	s16 =	smul.u32 $0x9E0, s1  }
0x6: {  	s22 =	simm.s32 $0x0;
	[smem:$0x7FF] =	sst s3;
	s7 =	smul.u32 $0x50000, s1  }
0x7: {  	s4 =	sadd.s32 $0xC800, s5;
	s13 =	sand.u32 $0x1, s6;
	s10 =	smul.u32 $0x14000, s1  }
0x8: {  	s14 =	sadd.s32 $0x33A00, s5;
	_ =	strace $0x8000004A;
	s20 =	smul.u32 $0x140000, s13  }
0x9: {  	s29 =	ssub.s32 $0x2, s13;
	s31 =	smul.u32 $0x4F0, s13;
	s17 =	sadd.s32 s16, s5  }
0xa: {  	s30 =	sshrl.u32 s29, $0x1;
	s7 =	sshrl.u32 s7, $0x2;
	s11 =	sadd.s32 $0x4000, s10  }
0xb: {  	s12 =	sadd.s32 $0x8000, s10;
	s19 =	sadd.s32 $0xC000, s10;
	s21 =	sadd.s32 $0x10000, s10  }
0xc: {  	s16 =	sadd.s32 s16, s15;
	s18 =	ssub.s32 s29, s30;
	s5 =	sadd.s32 s7, s2  }
0xd: {  	s6 =	sadd.s32 s11, s2;
	s7 =	sadd.s32 s12, s2;
	s8 =	sadd.s32 s19, s2  }
0xe: {  	s9 =	sadd.s32 s21, s2;
	s10 =	sadd.s32 s10, s20;
	s11 =	sadd.s32 s20, s11  }
0xf: {  	s12 =	sadd.s32 s20, s12;
	s19 =	sadd.s32 s20, s19;
	s20 =	sadd.s32 s20, s21  }
0x10: {  	s16 =	sadd.s32 s31, s16;
	s17 =	sadd.s32 s31, s17;
	s21 =	simm.s32 $0x1  }
0x11: {  	s10 =	sshrl.u32 s10, $0x3;
	s11 =	sshrl.u32 s11, $0x3;
	s12 =	sshrl.u32 s12, $0x3  }
0x12: {  	s19 =	sshrl.u32 s19, $0x3;
	s20 =	sshrl.u32 s20, $0x3;
	s15 =	smax.u32 s18, $0x1  }
0x13: {  	s17 =	sadd.s32 $0x2A00, s17;
	s18 =	simm.s32 $0x100;
	s10 =	sadd.s32 s14, s10  }
0x14: {  	s11 =	sadd.s32 s14, s11;
	s12 =	sadd.s32 s14, s12;
	s13 =	sadd.s32 s14, s19  }
0x15: {  	v0 =	vimm.f32 $0.0e+00;
	s14 =	sadd.s32 s14, s20;
	s19 =	simm.s32 $0x2;
	s20 =	simm.s32 $0x80  }
.LBB2_1:
0x16: {  	s23 =	sand.u32 $0xFE00, s3  }
0x17: {  	s24 =	sand.u32 $0x70, s3;
	s25 =	sshrl.u32 s23, $0x2  }
0x18: {  	s23 =	simm.s32 $0x40;
	s25 =	sor.u32 s24, s25;
	s24 =	simm.s32 $0x0  }
.LBB2_2:
0x19: {  	p0 =	sne.s32 s23, $0xFFC0  }
0x1a: {  	[tilespmem:s25+$0x100] =	vst v0;
	s24 =	sadd.s32 $0x10, s24;
	s25 =	smov.u32 s23;
	s23 =	sadd.s32 $0x40, s23  }
.Ltmp0:
0x1b: {  	(pc) =	sbr.rel @p0 .LBB2_2-.Ltmp0, $4  }
0x1c: {  	_ = 	snop  }
0x1d: {  	s25 =	sand.u32 $0xFE00, s25  }
0x1e: {  	s26 =	sand.u32 $0x70, s24;
	s25 =	sshrl.u32 s25, $0x2  }
0x1f: {  	s25 =	sor.u32 s26, s25  }
0x20: {  	[tilespmem:s25+$0x100] =	vst v0  }
0x21: {  	[spmem:s5] =	stream.linear.scatter [tilespmem:s18], [sflag:$0x2], $0x4000, $0x38;
	[tilespmem:$0x18100] =	vst v63  }
0x22: {  	_ =	swait.ge [sflag:s19], $0x4000  }
0x23: {  	[sflag:s19] =	ssyncset.done $0x0  }
0x24: {  	[sflag:s19] =	ssyncadd.s32 $0xFFFFC000  }
0x25: {  	[spmem:s6] =	stream.linear.scatter [tilespmem:s18], [sflag:$0x2], $0x4000, $0x38;
	[tilespmem:$0x18100] =	vst v63  }
0x26: {  	_ =	swait.ge [sflag:s19], $0x4000  }
0x27: {  	[sflag:s19] =	ssyncset.done $0x0  }
0x28: {  	[sflag:s19] =	ssyncadd.s32 $0xFFFFC000  }
0x29: {  	[spmem:s7] =	stream.linear.scatter [tilespmem:s18], [sflag:$0x2], $0x4000, $0x38;
	[tilespmem:$0x18100] =	vst v63  }
0x2a: {  	_ =	swait.ge [sflag:s19], $0x4000  }
0x2b: {  	[sflag:s19] =	ssyncset.done $0x0  }
0x2c: {  	[sflag:s19] =	ssyncadd.s32 $0xFFFFC000  }
0x2d: {  	[spmem:s8] =	stream.linear.scatter [tilespmem:s18], [sflag:$0x2], $0x4000, $0x38;
	[tilespmem:$0x18100] =	vst v63  }
0x2e: {  	_ =	swait.ge [sflag:s19], $0x4000  }
0x2f: {  	[sflag:s19] =	ssyncset.done $0x0  }
0x30: {  	[sflag:s19] =	ssyncadd.s32 $0xFFFFC000  }
0x31: {  	[spmem:s9] =	stream.linear.scatter [tilespmem:s18], [sflag:$0x2], $0x4000, $0x38;
	[tilespmem:$0x18100] =	vst v63  }
0x32: {  	_ =	swait.ge [sflag:s19], $0x4000  }
0x33: {  	[sflag:s19] =	ssyncset.done $0x0  }
0x34: {  	[sflag:s19] =	ssyncadd.s32 $0xFFFFC000  }
0x35: {  	s23 =	sadd.s32 $0x0, s17;
	[bflag:$0x0] =	sbarrier.arrive $0xFFFF  }
0x36: {  	[tilespmem:s3], [sflag:$0x2] =	stream.linear.gather [hbm4b:s23+s3], $0x80, $0x38;
	[tilespmem:$0x18100] =	vst v63  }
0x37: {  	_ =	swait.ge [sflag:s19], $0x80  }
0x38: {  	[sflag:s19] =	ssyncset.done $0x0  }
0x39: {  	s31 =	sadd.s32 $0x0, s16;
	[sflag:s19] =	ssyncadd.s32 $0xFFFFFF80  }
0x3a: {  	[tilespmem:s20], [sflag:$0x2] =	stream.linear.gather [hbm4b:s31+s3], $0x80, $0x38;
	[tilespmem:$0x18100] =	vst v63  }
0x3b: {  	_ =	swait.ge [sflag:s19], $0x80  }
0x3c: {  	[sflag:s19] =	ssyncset.done $0x0  }
0x3d: {  	[sflag:s19] =	ssyncadd.s32 $0xFFFFFF80  }
0x3e: {  	[tilespmem:s18], [sflag:$0x1] =	stream.indirect.gather [hbm4b:s4+s20], $0x80, s3, s20, $0xb8;
	[tilespmem:$0x18100] =	vst v63  }
0x3f: {  	_ =	swait.ge [sflag:s21], $0x4000  }
0x40: {  	[sflag:s21] =	ssyncset.done $0x0  }
0x41: {  	[sflag:s21] =	ssyncadd.s32 $0xFFFFC000  }
0x42: {  	[spmem:s2] =	stream.indirect.scatter.add.f32 [tilespmem:s18], [sflag:$0x2], $0x80, s20, s20, $0xb8;
	[tilespmem:$0x18100] =	vst v63  }
0x43: {  	_ =	swait.ge [sflag:s19], $0x4000  }
0x44: {  	s24 =	simm.s32 $0x20;
	s23 =	simm.s32 $0x10;
	[sflag:s19] =	ssyncset.done $0x0  }
.LBB2_4:
0x45: {  	s25 =	sadd.s32 s23, s17  }
0x46: {  	[sflag:s19] =	ssyncadd.s32 $0xFFFFC000;
	s26 =	smov.u32 s24;
	s28 =	sadd.s32 $0x10, s24  }
0x47: {  	[tilespmem:s3], [sflag:$0x2] =	stream.linear.gather [hbm4b:s25+s3], $0x80, $0x38;
	[tilespmem:$0x18100] =	vst v63  }
0x48: {  	p0 =	sne.s32 s24, $0x4E0;
	_ =	swait.ge [sflag:s19], $0x80  }
0x49: {  	[sflag:s19] =	ssyncset.done $0x0  }
0x4a: {  	s24 =	sadd.s32 s23, s16;
	s23 =	smov.u32 s26;
	[sflag:s19] =	ssyncadd.s32 $0xFFFFFF80  }
0x4b: {  	[tilespmem:s20], [sflag:$0x2] =	stream.linear.gather [hbm4b:s24+s3], $0x80, $0x38;
	[tilespmem:$0x18100] =	vst v63  }
0x4c: {  	_ =	swait.ge [sflag:s19], $0x80  }
0x4d: {  	[sflag:s19] =	ssyncset.done $0x0  }
0x4e: {  	[sflag:s19] =	ssyncadd.s32 $0xFFFFFF80  }
0x4f: {  	[tilespmem:s18], [sflag:$0x1] =	stream.indirect.gather [hbm4b:s4+s20], $0x80, s3, s20, $0xb8;
	[tilespmem:$0x18100] =	vst v63  }
0x50: {  	_ =	swait.ge [sflag:s21], $0x4000  }
.Ltmp1:
0x51: {  	[sflag:s21] =	ssyncset.done $0x0;
	(pc) =	sbr.rel @p0 .LBB2_4-.Ltmp1, $4  }
0x52: {  	[sflag:s21] =	ssyncadd.s32 $0xFFFFC000  }
0x53: {  	[spmem:s2] =	stream.indirect.scatter.add.f32 [tilespmem:s18], [sflag:$0x2], $0x80, s20, s20, $0xb8;
	[tilespmem:$0x18100] =	vst v63  }
0x54: {  	_ =	swait.ge [sflag:s19], $0x4000  }
0x55: {  	s24 =	smov.u32 s28;
	[sflag:s19] =	ssyncset.done $0x0  }
0x56: {  	s24 =	sadd.s32 s23, s17;
	[sflag:s19] =	ssyncadd.s32 $0xFFFFC000  }
0x57: {  	[tilespmem:s3], [sflag:$0x2] =	stream.linear.gather [hbm4b:s24+s3], $0x80, $0x38;
	[tilespmem:$0x18100] =	vst v63  }
0x58: {  	_ =	swait.ge [sflag:s19], $0x80  }
0x59: {  	[sflag:s19] =	ssyncset.done $0x0  }
0x5a: {  	s31 =	sadd.s32 s23, s16;
	[sflag:s19] =	ssyncadd.s32 $0xFFFFFF80  }
0x5b: {  	[tilespmem:s20], [sflag:$0x2] =	stream.linear.gather [hbm4b:s31+s3], $0x80, $0x38;
	[tilespmem:$0x18100] =	vst v63  }
0x5c: {  	_ =	swait.ge [sflag:s19], $0x80  }
0x5d: {  	[sflag:s19] =	ssyncset.done $0x0  }
0x5e: {  	[sflag:s19] =	ssyncadd.s32 $0xFFFFFF80  }
0x5f: {  	[tilespmem:s18], [sflag:$0x1] =	stream.indirect.gather [hbm4b:s4+s20], $0x80, s3, s20, $0xb8;
	[tilespmem:$0x18100] =	vst v63  }
0x60: {  	_ =	swait.ge [sflag:s21], $0x4000  }
0x61: {  	[sflag:s21] =	ssyncset.done $0x0  }
0x62: {  	[sflag:s21] =	ssyncadd.s32 $0xFFFFC000  }
0x63: {  	[spmem:s2] =	stream.indirect.scatter.add.f32 [tilespmem:s18], [sflag:$0x2], $0x80, s20, s20, $0xb8;
	[tilespmem:$0x18100] =	vst v63  }
0x64: {  	_ =	swait.ge [sflag:s19], $0x4000  }
0x65: {  	[sflag:s19] =	ssyncset.done $0x0  }
0x66: {  	[sflag:s19] =	ssyncadd.s32 $0xFFFFC000  }
0x67: {  	[bflag:$0x0] =	sbarrier.arrive $0xFFFF  }
0x68: {  	[tilespmem:s18], [sflag:$0x2] =	stream.linear.gather [spmem:s5], $0x4000, $0x38;
	[tilespmem:$0x18100] =	vst v63  }
0x69: {  	_ =	swait.ge [sflag:s19], $0x4000  }
0x6a: {  	[sflag:s19] =	ssyncset.done $0x0  }
0x6b: {  	[sflag:s19] =	ssyncadd.s32 $0xFFFFC000  }
0x6c: {  	[hbm4b:s10+s3] =	stream.linear.scatter [tilespmem:s18], [sflag:$0x2], $0x4000, $0x38;
	[tilespmem:$0x18100] =	vst v63  }
0x6d: {  	_ =	swait.ge [sflag:s19], $0x4000  }
0x6e: {  	[sflag:s19] =	ssyncset.done $0x0  }
0x6f: {  	[sflag:s19] =	ssyncadd.s32 $0xFFFFC000  }
0x70: {  	[tilespmem:s18], [sflag:$0x2] =	stream.linear.gather [spmem:s6], $0x4000, $0x38;
	[tilespmem:$0x18100] =	vst v63  }
0x71: {  	_ =	swait.ge [sflag:s19], $0x4000  }
0x72: {  	[sflag:s19] =	ssyncset.done $0x0  }
0x73: {  	[sflag:s19] =	ssyncadd.s32 $0xFFFFC000  }
0x74: {  	[hbm4b:s11+s3] =	stream.linear.scatter [tilespmem:s18], [sflag:$0x2], $0x4000, $0x38;
	[tilespmem:$0x18100] =	vst v63  }
0x75: {  	_ =	swait.ge [sflag:s19], $0x4000  }
0x76: {  	[sflag:s19] =	ssyncset.done $0x0  }
0x77: {  	[sflag:s19] =	ssyncadd.s32 $0xFFFFC000  }
0x78: {  	[tilespmem:s18], [sflag:$0x2] =	stream.linear.gather [spmem:s7], $0x4000, $0x38;
	[tilespmem:$0x18100] =	vst v63  }
0x79: {  	_ =	swait.ge [sflag:s19], $0x4000  }
0x7a: {  	[sflag:s19] =	ssyncset.done $0x0  }
0x7b: {  	[sflag:s19] =	ssyncadd.s32 $0xFFFFC000  }
0x7c: {  	[hbm4b:s12+s3] =	stream.linear.scatter [tilespmem:s18], [sflag:$0x2], $0x4000, $0x38;
	[tilespmem:$0x18100] =	vst v63  }
0x7d: {  	_ =	swait.ge [sflag:s19], $0x4000  }
0x7e: {  	[sflag:s19] =	ssyncset.done $0x0  }
0x7f: {  	[sflag:s19] =	ssyncadd.s32 $0xFFFFC000  }
0x80: {  	[tilespmem:s18], [sflag:$0x2] =	stream.linear.gather [spmem:s8], $0x4000, $0x38;
	[tilespmem:$0x18100] =	vst v63  }
0x81: {  	_ =	swait.ge [sflag:s19], $0x4000  }
0x82: {  	[sflag:s19] =	ssyncset.done $0x0  }
0x83: {  	[sflag:s19] =	ssyncadd.s32 $0xFFFFC000  }
0x84: {  	[hbm4b:s13+s3] =	stream.linear.scatter [tilespmem:s18], [sflag:$0x2], $0x4000, $0x38;
	[tilespmem:$0x18100] =	vst v63  }
0x85: {  	_ =	swait.ge [sflag:s19], $0x4000  }
0x86: {  	[sflag:s19] =	ssyncset.done $0x0  }
0x87: {  	[sflag:s19] =	ssyncadd.s32 $0xFFFFC000  }
0x88: {  	[tilespmem:s18], [sflag:$0x2] =	stream.linear.gather [spmem:s9], $0x4000, $0x38;
	[tilespmem:$0x18100] =	vst v63  }
0x89: {  	s22 =	sadd.s32 $0x1, s22;
	_ =	swait.ge [sflag:s19], $0x4000  }
0x8a: {  	p0 =	sne.s32 s22, s15;
	[sflag:s19] =	ssyncset.done $0x0  }
.Ltmp2:
0x8b: {  	[sflag:s19] =	ssyncadd.s32 $0xFFFFC000;
	(pc) =	sbr.rel @p0 .LBB2_1-.Ltmp2, $4  }
0x8c: {  	[hbm4b:s14+s3] =	stream.linear.scatter [tilespmem:s18], [sflag:$0x2], $0x4000, $0x38;
	[tilespmem:$0x18100] =	vst v63  }
0x8d: {  	_ =	swait.ge [sflag:s19], $0x4000  }
0x8e: {  	[sflag:s19] =	ssyncset.done $0x0  }
0x8f: {  	[sflag:s19] =	ssyncadd.s32 $0xFFFFC000  }
0x90: {  	_ =	sfence.sel $0x180000  }
0x91: {  	[bflag:$0x0] =	sbarrier.arrive $0xFFFF  }
0x92: {  	p0 =	sne.s32 s1, $0x0;
	_ =	strace $0x9000004A  }
0x93: {  	s0 =	sadd.s32 @!p0 $0x100000, s0;
	[bflag:$0x2] =	sbarrier.arrive $0xFFFF  }
0x94: {  	[sflag:s0] =	ssyncadd.tile.s32 @!p0 $0x1;
	_ =	shalt  }
.Lfunc_end2:
_tile_overlayer_lowered:
.L_overlay_start_2:
0x95: {  	(tag) =	ssettag $0x2  }
0x96: {  	s0 =	rddreg [dreg:$0x0];
	s2 =	stileid.u32  }
0x97: {  	s1 =	rddreg [dreg:$0x1];
	p0 =	sne.s32 s2, $0x0  }
0x98: {  	s3 =	rddreg [dreg:$0x2];
	[bflag:$0x3] =	sbarrier.arrive $0xFFFF;
	s2 =	simm.s32 @!p0 $0x1C02  }
0x99: {  	[timem:s3], [sflag:s2] =	dma.local @!p0 [hbm:s0], s1  }
0x9a: {  	s0 =	simm.s32 @!p0 $0x2  }
0x9b: {  	_ =	swait.ge @!p0 [sflag:s0], s1  }
0x9c: {  	s1 =	ssub.s32 @!p0 $0x0, s1;
	[sflag:s0] =	ssyncset.done @!p0 $0x0  }
0x9d: {  	[sflag:s0] =	ssyncadd.s32 @!p0 s1  }
0x9e: {  	[bflag:$0x3] =	sbarrier.arrive $0xFFFF  }
0x9f: {  	_ =	shalt  }

// kernel: kernel.14.cloned.1.call-start
scs
__scs_entry_jumppad:
0x0: {  	(pc) =	sbr.rel $0x88, $3  }
0x1: {  	(tag) =	ssettag $0x0;
	lr =	simm.s32 $0x1  }
0x2: {  	[smem:$0x3F99] =	sst lr;
	_ =	strace $0xD0000000  }
0x3: {  	_ = 	snop  }
0x4: {  	_ = 	snop  }
0x5: {  	_ = 	snop  }
0x6: {  	_ = 	snop  }
0x7: {  	_ = 	snop  }
__scs_overlays_trampoline_lowered:
0x8: {  	[smem:$0x3FA8] =	sst s0  }
0x9: {  	[smem:$0x3FA9] =	sst s1  }
0xa: {  	[smem:$0x3FAA] =	sst s2  }
0xb: {  	[smem:$0x3FAB] =	sst s3  }
0xc: {  	[smem:$0x3FAC] =	sst s4  }
0xd: {  	[smem:$0x3FAD] =	sst s5  }
0xe: {  	[smem:$0x3FAE] =	sst s6  }
0xf: {  	[smem:$0x3FAF] =	sst s7  }
0x10: {  	[smem:$0x3FB0] =	sst s8  }
0x11: {  	[smem:$0x3FB1] =	sst s9;
	s0 =	simm.s32 @!p0 $0x0  }
0x12: {  	s1 =	sld [smem:$0x3F97];
	s0 =	simm.s32 @p0 $0x1  }
0x13: {  	[smem:$0x3FB2] =	sst s0;
	s0 =	simm.s32 @!p1 $0x0  }
0x14: {  	s2 =	sld [smem:$0x3F96];
	s0 =	simm.s32 @p1 $0x1  }
0x15: {  	[smem:$0x3FB3] =	sst s0;
	s0 =	simm.s32 @!p2 $0x0  }
0x16: {  	s3 =	sld [smem:$0x3FDB];
	s0 =	simm.s32 @p2 $0x1  }
0x17: {  	s4 =	simm.s32 $0x1BF5;
	[smem:$0x3FB5] =	sst s0  }
0x18: {  	s0 =	sld [smem:$0x3F98];
	_ =	swait.ge [sflag:s4], $0x0  }
0x19: {  	s7 =	sld [smem:$0x3F99]  }
0x1a: {  	s8 =	sadd.s32 $0xFFFFE003, lr  }
0x1b: {  	s9 =	sadd.s32 $0xFFFFFEF7, lr;
	s5 =	simm.s32 $0xFFFFFFFF;
	p2 =	slt.u32 s8, $0xFFFFF086  }
0x1c: {  	p1 =	slt.u32 s9, $0xF7A;
	s5 =	simm.s32 @!p2 $0x0  }
0x1d: {  	s5 =	simm.s32 @p1 $0x1;
	p0 =	seq.s32 s7, s2  }
0x1e: {  	s7 =	smul.u32 @!p0 $0xF7A, s2;
	p2 =	seq.s32 @!p0 s5, $0x0  }
0x1f: {  	s9 =	smul.u32 $0xF7A, s1;
	s8 =	simm.s32 @!p0 $0x1BF5;
	p2 =	por !p2, p0  }
0x20: {  	[sflag:s8] =	ssyncset.s32 @!p0 $0xFFFFF086;
	s6 =	sadd.s32 @!p0 s3, s7;
	s7 =	simm.s32 @!p0 $0x108  }
0x21: {  	s3 =	sadd.s32 s3, s9;
	s6 =	sadd.s32 @!p0 $0x88, s6;
	s7 =	simm.s32 @p2 $0x1082  }
0x22: {  	[simem:s7], [sflag:s8] =	dma.local @!p0 [hbm:s6], $0xF7A  }
0x23: {  	s9 =	sor.u32 $0xD0000000, s2;
	s6 =	simm.s32 $0x108;
	_ =	swait.ge @!p0 [sflag:s8], $0x0  }
0x24: {  	s3 =	sadd.s32 $0x88, s3;
	s6 =	simm.s32 @!p1 $0x1082;
	[sflag:s4] =	ssyncset.s32 $0xFFFFF086  }
0x25: {  	[simem:s6], [sflag:s4] =	dma.local [hbm:s3], $0xF7A  }
0x26: {  	[smem:$0x3F99] =	sst s1;
	(tag) =	ssettag s2;
	_ =	strace s9  }
0x27: {  	s1 =	sld [smem:$0x3FA9]  }
0x28: {  	s2 =	sld [smem:$0x3FAA]  }
0x29: {  	s4 =	sld [smem:$0x3FAC]  }
0x2a: {  	p0 =	seq.s32 s5, $0x0;
	s5 =	sld [smem:$0x3FAD]  }
0x2b: {  	s6 =	sld [smem:$0x3FAE]  }
0x2c: {  	s7 =	sld [smem:$0x3FAF]  }
0x2d: {  	s3 =	simm.s32 $0x108;
	s8 =	sld [smem:$0x3FB0]  }
0x2e: {  	s3 =	simm.s32 @!p0 $0x1082;
	s9 =	sld [smem:$0x3FB1]  }
0x2f: {  	lr =	sadd.s32 s0, s3;
	s0 =	sld [smem:$0x3FA8]  }
0x30: {  	s3 =	sld [smem:$0x3FAB]  }
0x31: {  	[smem:$0x3FB4] =	sst s10  }
0x32: {  	s10 =	sld [smem:$0x3FB2];
	_ =	sdelay $0x3  }
0x33: {  	p0 =	seq.s32 s10, $0x1;
	s10 =	sld [smem:$0x3FB4];
	_ =	sdelay $0x3  }
0x34: {  	[smem:$0x3FB4] =	sst s10  }
0x35: {  	s10 =	sld [smem:$0x3FB3];
	_ =	sdelay $0x3  }
0x36: {  	p1 =	seq.s32 s10, $0x1;
	s10 =	sld [smem:$0x3FB4];
	_ =	sdelay $0x3  }
0x37: {  	[smem:$0x3FB4] =	sst s10  }
0x38: {  	s10 =	sld [smem:$0x3FB5]  }
0x39: {  	_ = 	snop;
	(pc) =	sbr.ind lr, $3  }
0x3a: {  	_ = 	snop  }
0x3b: {  	_ = 	snop  }
0x3c: {  	p2 =	seq.s32 s10, $0x1;
	s10 =	sld [smem:$0x3FB4]  }
0x3d: {  	_ =	shalt  }
0x3e: {  	_ =	shalt  }
0x3f: {  	_ =	shalt  }
0x40: {  	_ =	shalt  }
0x41: {  	_ =	shalt  }
0x42: {  	_ =	shalt  }
0x43: {  	_ =	shalt  }
0x44: {  	_ =	shalt  }
0x45: {  	_ =	shalt  }
0x46: {  	_ =	shalt  }
0x47: {  	_ =	shalt  }
0x48: {  	_ =	shalt  }
0x49: {  	_ =	shalt  }
0x4a: {  	_ =	shalt  }
0x4b: {  	_ =	shalt  }
0x4c: {  	_ =	shalt  }
0x4d: {  	_ =	shalt  }
0x4e: {  	_ =	shalt  }
0x4f: {  	_ =	shalt  }
0x50: {  	_ =	shalt  }
0x51: {  	_ =	shalt  }
0x52: {  	_ =	shalt  }
0x53: {  	_ =	shalt  }
0x54: {  	_ =	shalt  }
0x55: {  	_ =	shalt  }
0x56: {  	_ =	shalt  }
0x57: {  	_ =	shalt  }
0x58: {  	_ =	shalt  }
0x59: {  	_ =	shalt  }
0x5a: {  	_ =	shalt  }
0x5b: {  	_ =	shalt  }
0x5c: {  	_ =	shalt  }
0x5d: {  	_ =	shalt  }
0x5e: {  	_ =	shalt  }
0x5f: {  	_ =	shalt  }
0x60: {  	_ =	shalt  }
0x61: {  	_ =	shalt  }
0x62: {  	_ =	shalt  }
0x63: {  	_ =	shalt  }
0x64: {  	_ =	shalt  }
0x65: {  	_ =	shalt  }
0x66: {  	_ =	shalt  }
0x67: {  	_ =	shalt  }
0x68: {  	_ =	shalt  }
0x69: {  	_ =	shalt  }
0x6a: {  	_ =	shalt  }
0x6b: {  	_ =	shalt  }
0x6c: {  	_ =	shalt  }
0x6d: {  	_ =	shalt  }
0x6e: {  	_ =	shalt  }
0x6f: {  	_ =	shalt  }
0x70: {  	_ =	shalt  }
0x71: {  	_ =	shalt  }
0x72: {  	_ =	shalt  }
0x73: {  	_ =	shalt  }
0x74: {  	_ =	shalt  }
0x75: {  	_ =	shalt  }
0x76: {  	_ =	shalt  }
0x77: {  	_ =	shalt  }
0x78: {  	_ =	shalt  }
0x79: {  	_ =	shalt  }
0x7a: {  	_ =	shalt  }
0x7b: {  	_ =	shalt  }
0x7c: {  	_ =	shalt  }
0x7d: {  	_ =	shalt  }
0x7e: {  	_ =	shalt  }
0x7f: {  	_ =	shalt  }
0x80: {  	_ =	shalt  }
0x81: {  	_ =	shalt  }
0x82: {  	_ =	shalt  }
0x83: {  	_ =	shalt  }
0x84: {  	_ =	shalt  }
0x85: {  	_ =	shalt  }
0x86: {  	_ =	shalt  }
0x87: {  	_ =	shalt  }
.Lfunc_end0:
.L_simem_size_0:
called_computation.2_lowered:
.L_overlay_start_0:
0x88: {  	s2 =	sld [smem:$0x3FD9]  }
0x89: {  	s3 =	sld [smem:$0x3FFE];
	_ =	sdelay $0x1  }
0x8a: {  	s1 =	srdreg.scid  }
0x8b: {  	s0 =	sand.u32 $0x1, s1  }
0x8c: {  	s17 =	sshll.u32 s0, $0xA;
	s2 =	sadd.s32 s3, s2  }
0x8d: {  	s2 =	sadd.s32 s2, s17  }
0x8e: {  	[smem:$0x3FC0] =	sst s2  }
0x8f: {  	_ = 	snop  }
0x90: {  	s2 =	sld [smem:$0x3FD0];
	(tm) =	ssettm $0x1  }
0x91: {  	s18 =	sld [smem:$0x3FFB];
	_ =	sdelay $0x3  }
0x92: {  	_ =	strace s18  }
0x93: {  	s3 =	sld [smem:$0x3FFC];
	_ =	sdelay $0x3  }
0x94: {  	_ =	strace s3  }
0x95: {  	s3 =	sld [smem:$0x3FFD];
	_ =	sdelay $0x3  }
0x96: {  	_ =	strace s3  }
0x97: {  	_ =	strace $0x8FFFFFFF  }
0x98: {  	s19 =	sld [smem:$0x3FDB];
	_ =	sdelay $0x1  }
0x99: {  	s4 =	simm.s32 $_scs_section_size  }
0x9a: {  	s5 =	simm.s32 $_size__tile_overlayer_lowered;
	s6 =	simm.s32 $_tile_overlayer_lowered  }
0x9b: {  	s22 =	simm.s32 $0x1BFF;
	s21 =	sshll.u32 s6, $0x1;
	s3 =	sadd.s32 s4, s19  }
0x9c: {  	s7 =	simm.s32 $0x0;
	s20 =	sshll.u32 s5, $0x1;
	s5 =	sadd.s32 s21, s3  }
0x9d: {  	[timem:s7], [sflag:s22] =	dma.local [hbm:s5], s20  }
0x9e: {  	_ =	swait.ge [sflag:s22], s20  }
0x9f: {  	s4 =	ssub.s32 $0x0, s20;
	[sflag:s22] =	ssyncset.done $0x0  }
0xa0: {  	[sflag:s22] =	ssyncadd.s32 s4;
	_ =	sdelay $0x1  }
0xa1: {  	s23 =	simm.s32 $0x1B8B  }
0xa2: {  	_ =	swait.ge [sflag:s23], $0x1  }
0xa3: {  	[sflag:s23] =	ssyncset.done $0x0  }
0xa4: {  	s25 =	simm.s32 $0x1B8E;
	s24 =	sld [smem:$0x3FFE];
	[sflag:s23] =	ssyncadd.s32 $0xFFFFFFFF  }
0xa5: {  	s26 =	simm.s32 $execute0_lowered;
	[smem:$0x3FD2] =	sst s25  }
0xa6: {  	s5 =	sshll.u32 s26, $0x1;
	_ =	strace $0x8000004C;
	[dreg:$0x1] =	wrdreg $0xFFFFFFFF  }
0xa7: {  	s28 =	simm.s32 $_size_execute0_lowered;
	s3 =	sadd.s32 s3, s5;
	[dreg:$0x0] =	wrdreg $0x0  }
0xa8: {  	s5 =	sshll.u32 s28, $0x1;
	[dreg:$0x2] =	wrdreg s3  }
0xa9: {  	[dreg:$0x3] =	wrdreg s5  }
0xaa: {  	[dreg:$0x4] =	wrdreg $0xC0  }
0xab: {  	_ =	task [dreg:s7], $0x5FFFF  }
0xac: {  	[dreg:$0x1] =	wrdreg $0xFFFFFFFF  }
0xad: {  	[dreg:$0x0] =	wrdreg $0x60  }
0xae: {  	[dreg:$0x2] =	wrdreg s24  }
0xaf: {  	[dreg:$0x3] =	wrdreg s2  }
0xb0: {  	[dreg:$0x4] =	wrdreg $0x41000  }
0xb1: {  	[dreg:$0x5] =	wrdreg $0x9  }
0xb2: {  	_ =	task.clear_ibuf [dreg:s7], $0x6FFFF;
	_ =	strace $0x9000004C  }
0xb3: {  	s29 =	simm.s32 $0x9;
	_ =	strace $0x8000004E  }
0xb4: {  	_ =	swait.ge [sflag:s29], $0x1  }
0xb5: {  	[sflag:s29] =	ssyncadd.s32 $0xFFFFFFFF  }
0xb6: {  	_ =	strace $0x9000004E  }
0xb7: {  	_ =	sfence  }
0xb8: {  	s30 =	sld [smem:$0x0];
	_ =	sdelay $0x2  }
0xb9: {  	s31 =	sshll.u32 s1, $0xD;
	s1 =	sshrl.u32 s1, $0x2  }
0xba: {  	s3 =	sand.u32 $0x4000, s31;
	s1 =	sadd.s32 s1, s30  }
0xbb: {  	s0 =	sor.u32 s3, s0;
	s1 =	sshll.u32 s1, $0x11  }
0xbc: {  	s0 =	sor.u32 s1, s0  }
0xbd: {  	s0 =	sadd.s32 $0x8F2B, s0  }
0xbe: {  	[sflag:s0] =	ssyncadd.remote.s32 $0x1  }
0xbf: {  	_ =	sfence.sel $0xFFFF  }
0xc0: {  	[dreg:$0x0] =	wrdreg $0xFFFFFFFF;
	(pc) =	sbr.abs _section_cstart, $3  }
0xc1: {  	[dreg:$0x1] =	wrdreg $0xFFFFFFFF  }
0xc2: {  	_ =	task.clear_ibuf [dreg:s7], $0x2FFFF;
	_ =	strace $0x9FFFFFFF  }
0xc3: {  	(tm) =	ssettm $0x7FFFFFFF  }
tec
execute0_lowered:
.L_overlay_start_1:
0x0: {  	(tag) =	ssettag $0x1  }
0x1: {  	s5 =	rddreg [dreg:$0x0]  }
0x2: {  	s15 =	rddreg [dreg:$0x1]  }
0x3: {  	s2 =	rddreg [dreg:$0x2]  }
0x4: {  	s0 =	rddreg [dreg:$0x3];
	s1 =	stileid.u32  }
0x5: {  	s3 =	simm.s32 $0x0;
	s6 =	srdreg.scid;
	s16 =	smul.u32 $0x9E0, s1  }
0x6: {  	s22 =	simm.s32 $0x0;
	[smem:$0x7FF] =	sst s3;
	s7 =	smul.u32 $0x50000, s1  }
0x7: {  	s4 =	sadd.s32 $0xC800, s5;
	s13 =	sand.u32 $0x1, s6;
	s10 =	smul.u32 $0x14000, s1  }
0x8: {  	s14 =	sadd.s32 $0x33A00, s5;
	_ =	strace $0x8000004D;
	s20 =	smul.u32 $0x140000, s13  }
0x9: {  	s29 =	ssub.s32 $0x2, s13;
	s31 =	smul.u32 $0x4F0, s13;
	s17 =	sadd.s32 s16, s5  }
0xa: {  	s30 =	sshrl.u32 s29, $0x1;
	s7 =	sshrl.u32 s7, $0x2;
	s11 =	sadd.s32 $0x4000, s10  }
0xb: {  	s12 =	sadd.s32 $0x8000, s10;
	s19 =	sadd.s32 $0xC000, s10;
	s21 =	sadd.s32 $0x10000, s10  }
0xc: {  	s16 =	sadd.s32 s16, s15;
	s18 =	ssub.s32 s29, s30;
	s5 =	sadd.s32 s7, s2  }
0xd: {  	s6 =	sadd.s32 s11, s2;
	s7 =	sadd.s32 s12, s2;
	s8 =	sadd.s32 s19, s2  }
0xe: {  	s9 =	sadd.s32 s21, s2;
	s10 =	sadd.s32 s10, s20;
	s11 =	sadd.s32 s20, s11  }
0xf: {  	s12 =	sadd.s32 s20, s12;
	s19 =	sadd.s32 s20, s19;
	s20 =	sadd.s32 s20, s21  }
0x10: {  	s16 =	sadd.s32 s31, s16;
	s17 =	sadd.s32 s31, s17;
	s21 =	simm.s32 $0x1  }
0x11: {  	s10 =	sshrl.u32 s10, $0x3;
	s11 =	sshrl.u32 s11, $0x3;
	s12 =	sshrl.u32 s12, $0x3  }
0x12: {  	s19 =	sshrl.u32 s19, $0x3;
	s20 =	sshrl.u32 s20, $0x3;
	s15 =	smax.u32 s18, $0x1  }
0x13: {  	s17 =	sadd.s32 $0x2A00, s17;
	s18 =	simm.s32 $0x100;
	s10 =	sadd.s32 s14, s10  }
0x14: {  	s11 =	sadd.s32 s14, s11;
	s12 =	sadd.s32 s14, s12;
	s13 =	sadd.s32 s14, s19  }
0x15: {  	v0 =	vimm.f32 $0.0e+00;
	s14 =	sadd.s32 s14, s20;
	s19 =	simm.s32 $0x2;
	s20 =	simm.s32 $0x80  }
.LBB2_1:
0x16: {  	s23 =	sand.u32 $0xFE00, s3  }
0x17: {  	s24 =	sand.u32 $0x70, s3;
	s25 =	sshrl.u32 s23, $0x2  }
0x18: {  	s23 =	simm.s32 $0x40;
	s25 =	sor.u32 s24, s25;
	s24 =	simm.s32 $0x0  }
.LBB2_2:
0x19: {  	p0 =	sne.s32 s23, $0xFFC0  }
0x1a: {  	[tilespmem:s25+$0x100] =	vst v0;
	s24 =	sadd.s32 $0x10, s24;
	s25 =	smov.u32 s23;
	s23 =	sadd.s32 $0x40, s23  }
.Ltmp0:
0x1b: {  	(pc) =	sbr.rel @p0 .LBB2_2-.Ltmp0, $4  }
0x1c: {  	_ = 	snop  }
0x1d: {  	s25 =	sand.u32 $0xFE00, s25  }
0x1e: {  	s26 =	sand.u32 $0x70, s24;
	s25 =	sshrl.u32 s25, $0x2  }
0x1f: {  	s25 =	sor.u32 s26, s25  }
0x20: {  	[tilespmem:s25+$0x100] =	vst v0  }
0x21: {  	[spmem:s5] =	stream.linear.scatter [tilespmem:s18], [sflag:$0x2], $0x4000, $0x38;
	[tilespmem:$0x18100] =	vst v63  }
0x22: {  	_ =	swait.ge [sflag:s19], $0x4000  }
0x23: {  	[sflag:s19] =	ssyncset.done $0x0  }
0x24: {  	[sflag:s19] =	ssyncadd.s32 $0xFFFFC000  }
0x25: {  	[spmem:s6] =	stream.linear.scatter [tilespmem:s18], [sflag:$0x2], $0x4000, $0x38;
	[tilespmem:$0x18100] =	vst v63  }
0x26: {  	_ =	swait.ge [sflag:s19], $0x4000  }
0x27: {  	[sflag:s19] =	ssyncset.done $0x0  }
0x28: {  	[sflag:s19] =	ssyncadd.s32 $0xFFFFC000  }
0x29: {  	[spmem:s7] =	stream.linear.scatter [tilespmem:s18], [sflag:$0x2], $0x4000, $0x38;
	[tilespmem:$0x18100] =	vst v63  }
0x2a: {  	_ =	swait.ge [sflag:s19], $0x4000  }
0x2b: {  	[sflag:s19] =	ssyncset.done $0x0  }
0x2c: {  	[sflag:s19] =	ssyncadd.s32 $0xFFFFC000  }
0x2d: {  	[spmem:s8] =	stream.linear.scatter [tilespmem:s18], [sflag:$0x2], $0x4000, $0x38;
	[tilespmem:$0x18100] =	vst v63  }
0x2e: {  	_ =	swait.ge [sflag:s19], $0x4000  }
0x2f: {  	[sflag:s19] =	ssyncset.done $0x0  }
0x30: {  	[sflag:s19] =	ssyncadd.s32 $0xFFFFC000  }
0x31: {  	[spmem:s9] =	stream.linear.scatter [tilespmem:s18], [sflag:$0x2], $0x4000, $0x38;
	[tilespmem:$0x18100] =	vst v63  }
0x32: {  	_ =	swait.ge [sflag:s19], $0x4000  }
0x33: {  	[sflag:s19] =	ssyncset.done $0x0  }
0x34: {  	[sflag:s19] =	ssyncadd.s32 $0xFFFFC000  }
0x35: {  	s23 =	sadd.s32 $0x0, s17;
	[bflag:$0x0] =	sbarrier.arrive $0xFFFF  }
0x36: {  	[tilespmem:s3], [sflag:$0x2] =	stream.linear.gather [hbm4b:s23+s3], $0x80, $0x38;
	[tilespmem:$0x18100] =	vst v63  }
0x37: {  	_ =	swait.ge [sflag:s19], $0x80  }
0x38: {  	[sflag:s19] =	ssyncset.done $0x0  }
0x39: {  	s31 =	sadd.s32 $0x0, s16;
	[sflag:s19] =	ssyncadd.s32 $0xFFFFFF80  }
0x3a: {  	[tilespmem:s20], [sflag:$0x2] =	stream.linear.gather [hbm4b:s31+s3], $0x80, $0x38;
	[tilespmem:$0x18100] =	vst v63  }
0x3b: {  	_ =	swait.ge [sflag:s19], $0x80  }
0x3c: {  	[sflag:s19] =	ssyncset.done $0x0  }
0x3d: {  	[sflag:s19] =	ssyncadd.s32 $0xFFFFFF80  }
0x3e: {  	[tilespmem:s18], [sflag:$0x1] =	stream.indirect.gather [hbm4b:s4+s20], $0x80, s3, s20, $0xb8;
	[tilespmem:$0x18100] =	vst v63  }
0x3f: {  	_ =	swait.ge [sflag:s21], $0x4000  }
0x40: {  	[sflag:s21] =	ssyncset.done $0x0  }
0x41: {  	[sflag:s21] =	ssyncadd.s32 $0xFFFFC000  }
0x42: {  	[spmem:s2] =	stream.indirect.scatter.add.f32 [tilespmem:s18], [sflag:$0x2], $0x80, s20, s20, $0xb8;
	[tilespmem:$0x18100] =	vst v63  }
0x43: {  	_ =	swait.ge [sflag:s19], $0x4000  }
0x44: {  	s24 =	simm.s32 $0x20;
	s23 =	simm.s32 $0x10;
	[sflag:s19] =	ssyncset.done $0x0  }
.LBB2_4:
0x45: {  	s25 =	sadd.s32 s23, s17  }
0x46: {  	[sflag:s19] =	ssyncadd.s32 $0xFFFFC000;
	s26 =	smov.u32 s24;
	s28 =	sadd.s32 $0x10, s24  }
0x47: {  	[tilespmem:s3], [sflag:$0x2] =	stream.linear.gather [hbm4b:s25+s3], $0x80, $0x38;
	[tilespmem:$0x18100] =	vst v63  }
0x48: {  	p0 =	sne.s32 s24, $0x4E0;
	_ =	swait.ge [sflag:s19], $0x80  }
0x49: {  	[sflag:s19] =	ssyncset.done $0x0  }
0x4a: {  	s24 =	sadd.s32 s23, s16;
	s23 =	smov.u32 s26;
	[sflag:s19] =	ssyncadd.s32 $0xFFFFFF80  }
0x4b: {  	[tilespmem:s20], [sflag:$0x2] =	stream.linear.gather [hbm4b:s24+s3], $0x80, $0x38;
	[tilespmem:$0x18100] =	vst v63  }
0x4c: {  	_ =	swait.ge [sflag:s19], $0x80  }
0x4d: {  	[sflag:s19] =	ssyncset.done $0x0  }
0x4e: {  	[sflag:s19] =	ssyncadd.s32 $0xFFFFFF80  }
0x4f: {  	[tilespmem:s18], [sflag:$0x1] =	stream.indirect.gather [hbm4b:s4+s20], $0x80, s3, s20, $0xb8;
	[tilespmem:$0x18100] =	vst v63  }
0x50: {  	_ =	swait.ge [sflag:s21], $0x4000  }
.Ltmp1:
0x51: {  	[sflag:s21] =	ssyncset.done $0x0;
	(pc) =	sbr.rel @p0 .LBB2_4-.Ltmp1, $4  }
0x52: {  	[sflag:s21] =	ssyncadd.s32 $0xFFFFC000  }
0x53: {  	[spmem:s2] =	stream.indirect.scatter.add.f32 [tilespmem:s18], [sflag:$0x2], $0x80, s20, s20, $0xb8;
	[tilespmem:$0x18100] =	vst v63  }
0x54: {  	_ =	swait.ge [sflag:s19], $0x4000  }
0x55: {  	s24 =	smov.u32 s28;
	[sflag:s19] =	ssyncset.done $0x0  }
0x56: {  	s24 =	sadd.s32 s23, s17;
	[sflag:s19] =	ssyncadd.s32 $0xFFFFC000  }
0x57: {  	[tilespmem:s3], [sflag:$0x2] =	stream.linear.gather [hbm4b:s24+s3], $0x80, $0x38;
	[tilespmem:$0x18100] =	vst v63  }
0x58: {  	_ =	swait.ge [sflag:s19], $0x80  }
0x59: {  	[sflag:s19] =	ssyncset.done $0x0  }
0x5a: {  	s31 =	sadd.s32 s23, s16;
	[sflag:s19] =	ssyncadd.s32 $0xFFFFFF80  }
0x5b: {  	[tilespmem:s20], [sflag:$0x2] =	stream.linear.gather [hbm4b:s31+s3], $0x80, $0x38;
	[tilespmem:$0x18100] =	vst v63  }
0x5c: {  	_ =	swait.ge [sflag:s19], $0x80  }
0x5d: {  	[sflag:s19] =	ssyncset.done $0x0  }
0x5e: {  	[sflag:s19] =	ssyncadd.s32 $0xFFFFFF80  }
0x5f: {  	[tilespmem:s18], [sflag:$0x1] =	stream.indirect.gather [hbm4b:s4+s20], $0x80, s3, s20, $0xb8;
	[tilespmem:$0x18100] =	vst v63  }
0x60: {  	_ =	swait.ge [sflag:s21], $0x4000  }
0x61: {  	[sflag:s21] =	ssyncset.done $0x0  }
0x62: {  	[sflag:s21] =	ssyncadd.s32 $0xFFFFC000  }
0x63: {  	[spmem:s2] =	stream.indirect.scatter.add.f32 [tilespmem:s18], [sflag:$0x2], $0x80, s20, s20, $0xb8;
	[tilespmem:$0x18100] =	vst v63  }
0x64: {  	_ =	swait.ge [sflag:s19], $0x4000  }
0x65: {  	[sflag:s19] =	ssyncset.done $0x0  }
0x66: {  	[sflag:s19] =	ssyncadd.s32 $0xFFFFC000  }
0x67: {  	[bflag:$0x0] =	sbarrier.arrive $0xFFFF  }
0x68: {  	[tilespmem:s18], [sflag:$0x2] =	stream.linear.gather [spmem:s5], $0x4000, $0x38;
	[tilespmem:$0x18100] =	vst v63  }
0x69: {  	_ =	swait.ge [sflag:s19], $0x4000  }
0x6a: {  	[sflag:s19] =	ssyncset.done $0x0  }
0x6b: {  	[sflag:s19] =	ssyncadd.s32 $0xFFFFC000  }
0x6c: {  	[hbm4b:s10+s3] =	stream.linear.scatter [tilespmem:s18], [sflag:$0x2], $0x4000, $0x38;
	[tilespmem:$0x18100] =	vst v63  }
0x6d: {  	_ =	swait.ge [sflag:s19], $0x4000  }
0x6e: {  	[sflag:s19] =	ssyncset.done $0x0  }
0x6f: {  	[sflag:s19] =	ssyncadd.s32 $0xFFFFC000  }
0x70: {  	[tilespmem:s18], [sflag:$0x2] =	stream.linear.gather [spmem:s6], $0x4000, $0x38;
	[tilespmem:$0x18100] =	vst v63  }
0x71: {  	_ =	swait.ge [sflag:s19], $0x4000  }
0x72: {  	[sflag:s19] =	ssyncset.done $0x0  }
0x73: {  	[sflag:s19] =	ssyncadd.s32 $0xFFFFC000  }
0x74: {  	[hbm4b:s11+s3] =	stream.linear.scatter [tilespmem:s18], [sflag:$0x2], $0x4000, $0x38;
	[tilespmem:$0x18100] =	vst v63  }
0x75: {  	_ =	swait.ge [sflag:s19], $0x4000  }
0x76: {  	[sflag:s19] =	ssyncset.done $0x0  }
0x77: {  	[sflag:s19] =	ssyncadd.s32 $0xFFFFC000  }
0x78: {  	[tilespmem:s18], [sflag:$0x2] =	stream.linear.gather [spmem:s7], $0x4000, $0x38;
	[tilespmem:$0x18100] =	vst v63  }
0x79: {  	_ =	swait.ge [sflag:s19], $0x4000  }
0x7a: {  	[sflag:s19] =	ssyncset.done $0x0  }
0x7b: {  	[sflag:s19] =	ssyncadd.s32 $0xFFFFC000  }
0x7c: {  	[hbm4b:s12+s3] =	stream.linear.scatter [tilespmem:s18], [sflag:$0x2], $0x4000, $0x38;
	[tilespmem:$0x18100] =	vst v63  }
0x7d: {  	_ =	swait.ge [sflag:s19], $0x4000  }
0x7e: {  	[sflag:s19] =	ssyncset.done $0x0  }
0x7f: {  	[sflag:s19] =	ssyncadd.s32 $0xFFFFC000  }
0x80: {  	[tilespmem:s18], [sflag:$0x2] =	stream.linear.gather [spmem:s8], $0x4000, $0x38;
	[tilespmem:$0x18100] =	vst v63  }
0x81: {  	_ =	swait.ge [sflag:s19], $0x4000  }
0x82: {  	[sflag:s19] =	ssyncset.done $0x0  }
0x83: {  	[sflag:s19] =	ssyncadd.s32 $0xFFFFC000  }
0x84: {  	[hbm4b:s13+s3] =	stream.linear.scatter [tilespmem:s18], [sflag:$0x2], $0x4000, $0x38;
	[tilespmem:$0x18100] =	vst v63  }
0x85: {  	_ =	swait.ge [sflag:s19], $0x4000  }
0x86: {  	[sflag:s19] =	ssyncset.done $0x0  }
0x87: {  	[sflag:s19] =	ssyncadd.s32 $0xFFFFC000  }
0x88: {  	[tilespmem:s18], [sflag:$0x2] =	stream.linear.gather [spmem:s9], $0x4000, $0x38;
	[tilespmem:$0x18100] =	vst v63  }
0x89: {  	s22 =	sadd.s32 $0x1, s22;
	_ =	swait.ge [sflag:s19], $0x4000  }
0x8a: {  	p0 =	sne.s32 s22, s15;
	[sflag:s19] =	ssyncset.done $0x0  }
.Ltmp2:
0x8b: {  	[sflag:s19] =	ssyncadd.s32 $0xFFFFC000;
	(pc) =	sbr.rel @p0 .LBB2_1-.Ltmp2, $4  }
0x8c: {  	[hbm4b:s14+s3] =	stream.linear.scatter [tilespmem:s18], [sflag:$0x2], $0x4000, $0x38;
	[tilespmem:$0x18100] =	vst v63  }
0x8d: {  	_ =	swait.ge [sflag:s19], $0x4000  }
0x8e: {  	[sflag:s19] =	ssyncset.done $0x0  }
0x8f: {  	[sflag:s19] =	ssyncadd.s32 $0xFFFFC000  }
0x90: {  	_ =	sfence.sel $0x180000  }
0x91: {  	[bflag:$0x0] =	sbarrier.arrive $0xFFFF  }
0x92: {  	p0 =	sne.s32 s1, $0x0;
	_ =	strace $0x9000004D  }
0x93: {  	s0 =	sadd.s32 @!p0 $0x100000, s0;
	[bflag:$0x2] =	sbarrier.arrive $0xFFFF  }
0x94: {  	[sflag:s0] =	ssyncadd.tile.s32 @!p0 $0x1;
	_ =	shalt  }
.Lfunc_end2:
_tile_overlayer_lowered:
.L_overlay_start_2:
0x95: {  	(tag) =	ssettag $0x2  }
0x96: {  	s0 =	rddreg [dreg:$0x0];
	s2 =	stileid.u32  }
0x97: {  	s1 =	rddreg [dreg:$0x1];
	p0 =	sne.s32 s2, $0x0  }
0x98: {  	s3 =	rddreg [dreg:$0x2];
	[bflag:$0x3] =	sbarrier.arrive $0xFFFF;
	s2 =	simm.s32 @!p0 $0x1C02  }
0x99: {  	[timem:s3], [sflag:s2] =	dma.local @!p0 [hbm:s0], s1  }
0x9a: {  	s0 =	simm.s32 @!p0 $0x2  }
0x9b: {  	_ =	swait.ge @!p0 [sflag:s0], s1  }
0x9c: {  	s1 =	ssub.s32 @!p0 $0x0, s1;
	[sflag:s0] =	ssyncset.done @!p0 $0x0  }
0x9d: {  	[sflag:s0] =	ssyncadd.s32 @!p0 s1  }
0x9e: {  	[bflag:$0x3] =	sbarrier.arrive $0xFFFF  }
0x9f: {  	_ =	shalt  }

// kernel: kernel.8.cloned.1.call-start
scs
__scs_entry_jumppad:
0x0: {  	(pc) =	sbr.rel $0x88, $3  }
0x1: {  	(tag) =	ssettag $0x0;
	lr =	simm.s32 $0x1  }
0x2: {  	[smem:$0x3F99] =	sst lr;
	_ =	strace $0xD0000000  }
0x3: {  	_ = 	snop  }
0x4: {  	_ = 	snop  }
0x5: {  	_ = 	snop  }
0x6: {  	_ = 	snop  }
0x7: {  	_ = 	snop  }
__scs_overlays_trampoline_lowered:
0x8: {  	[smem:$0x3FA8] =	sst s0  }
0x9: {  	[smem:$0x3FA9] =	sst s1  }
0xa: {  	[smem:$0x3FAA] =	sst s2  }
0xb: {  	[smem:$0x3FAB] =	sst s3  }
0xc: {  	[smem:$0x3FAC] =	sst s4  }
0xd: {  	[smem:$0x3FAD] =	sst s5  }
0xe: {  	[smem:$0x3FAE] =	sst s6  }
0xf: {  	[smem:$0x3FAF] =	sst s7  }
0x10: {  	[smem:$0x3FB0] =	sst s8  }
0x11: {  	[smem:$0x3FB1] =	sst s9;
	s0 =	simm.s32 @!p0 $0x0  }
0x12: {  	s1 =	sld [smem:$0x3F97];
	s0 =	simm.s32 @p0 $0x1  }
0x13: {  	[smem:$0x3FB2] =	sst s0;
	s0 =	simm.s32 @!p1 $0x0  }
0x14: {  	s2 =	sld [smem:$0x3F96];
	s0 =	simm.s32 @p1 $0x1  }
0x15: {  	[smem:$0x3FB3] =	sst s0;
	s0 =	simm.s32 @!p2 $0x0  }
0x16: {  	s3 =	sld [smem:$0x3FDB];
	s0 =	simm.s32 @p2 $0x1  }
0x17: {  	s4 =	simm.s32 $0x1BF5;
	[smem:$0x3FB5] =	sst s0  }
0x18: {  	s0 =	sld [smem:$0x3F98];
	_ =	swait.ge [sflag:s4], $0x0  }
0x19: {  	s7 =	sld [smem:$0x3F99]  }
0x1a: {  	s8 =	sadd.s32 $0xFFFFE003, lr  }
0x1b: {  	s9 =	sadd.s32 $0xFFFFFEF7, lr;
	s5 =	simm.s32 $0xFFFFFFFF;
	p2 =	slt.u32 s8, $0xFFFFF086  }
0x1c: {  	p1 =	slt.u32 s9, $0xF7A;
	s5 =	simm.s32 @!p2 $0x0  }
0x1d: {  	s5 =	simm.s32 @p1 $0x1;
	p0 =	seq.s32 s7, s2  }
0x1e: {  	s7 =	smul.u32 @!p0 $0xF7A, s2;
	p2 =	seq.s32 @!p0 s5, $0x0  }
0x1f: {  	s9 =	smul.u32 $0xF7A, s1;
	s8 =	simm.s32 @!p0 $0x1BF5;
	p2 =	por !p2, p0  }
0x20: {  	[sflag:s8] =	ssyncset.s32 @!p0 $0xFFFFF086;
	s6 =	sadd.s32 @!p0 s3, s7;
	s7 =	simm.s32 @!p0 $0x108  }
0x21: {  	s3 =	sadd.s32 s3, s9;
	s6 =	sadd.s32 @!p0 $0x88, s6;
	s7 =	simm.s32 @p2 $0x1082  }
0x22: {  	[simem:s7], [sflag:s8] =	dma.local @!p0 [hbm:s6], $0xF7A  }
0x23: {  	s9 =	sor.u32 $0xD0000000, s2;
	s6 =	simm.s32 $0x108;
	_ =	swait.ge @!p0 [sflag:s8], $0x0  }
0x24: {  	s3 =	sadd.s32 $0x88, s3;
	s6 =	simm.s32 @!p1 $0x1082;
	[sflag:s4] =	ssyncset.s32 $0xFFFFF086  }
0x25: {  	[simem:s6], [sflag:s4] =	dma.local [hbm:s3], $0xF7A  }
0x26: {  	[smem:$0x3F99] =	sst s1;
	(tag) =	ssettag s2;
	_ =	strace s9  }
0x27: {  	s1 =	sld [smem:$0x3FA9]  }
0x28: {  	s2 =	sld [smem:$0x3FAA]  }
0x29: {  	s4 =	sld [smem:$0x3FAC]  }
0x2a: {  	p0 =	seq.s32 s5, $0x0;
	s5 =	sld [smem:$0x3FAD]  }
0x2b: {  	s6 =	sld [smem:$0x3FAE]  }
0x2c: {  	s7 =	sld [smem:$0x3FAF]  }
0x2d: {  	s3 =	simm.s32 $0x108;
	s8 =	sld [smem:$0x3FB0]  }
0x2e: {  	s3 =	simm.s32 @!p0 $0x1082;
	s9 =	sld [smem:$0x3FB1]  }
0x2f: {  	lr =	sadd.s32 s0, s3;
	s0 =	sld [smem:$0x3FA8]  }
0x30: {  	s3 =	sld [smem:$0x3FAB]  }
0x31: {  	[smem:$0x3FB4] =	sst s10  }
0x32: {  	s10 =	sld [smem:$0x3FB2];
	_ =	sdelay $0x3  }
0x33: {  	p0 =	seq.s32 s10, $0x1;
	s10 =	sld [smem:$0x3FB4];
	_ =	sdelay $0x3  }
0x34: {  	[smem:$0x3FB4] =	sst s10  }
0x35: {  	s10 =	sld [smem:$0x3FB3];
	_ =	sdelay $0x3  }
0x36: {  	p1 =	seq.s32 s10, $0x1;
	s10 =	sld [smem:$0x3FB4];
	_ =	sdelay $0x3  }
0x37: {  	[smem:$0x3FB4] =	sst s10  }
0x38: {  	s10 =	sld [smem:$0x3FB5]  }
0x39: {  	_ = 	snop;
	(pc) =	sbr.ind lr, $3  }
0x3a: {  	_ = 	snop  }
0x3b: {  	_ = 	snop  }
0x3c: {  	p2 =	seq.s32 s10, $0x1;
	s10 =	sld [smem:$0x3FB4]  }
0x3d: {  	_ =	shalt  }
0x3e: {  	_ =	shalt  }
0x3f: {  	_ =	shalt  }
0x40: {  	_ =	shalt  }
0x41: {  	_ =	shalt  }
0x42: {  	_ =	shalt  }
0x43: {  	_ =	shalt  }
0x44: {  	_ =	shalt  }
0x45: {  	_ =	shalt  }
0x46: {  	_ =	shalt  }
0x47: {  	_ =	shalt  }
0x48: {  	_ =	shalt  }
0x49: {  	_ =	shalt  }
0x4a: {  	_ =	shalt  }
0x4b: {  	_ =	shalt  }
0x4c: {  	_ =	shalt  }
0x4d: {  	_ =	shalt  }
0x4e: {  	_ =	shalt  }
0x4f: {  	_ =	shalt  }
0x50: {  	_ =	shalt  }
0x51: {  	_ =	shalt  }
0x52: {  	_ =	shalt  }
0x53: {  	_ =	shalt  }
0x54: {  	_ =	shalt  }
0x55: {  	_ =	shalt  }
0x56: {  	_ =	shalt  }
0x57: {  	_ =	shalt  }
0x58: {  	_ =	shalt  }
0x59: {  	_ =	shalt  }
0x5a: {  	_ =	shalt  }
0x5b: {  	_ =	shalt  }
0x5c: {  	_ =	shalt  }
0x5d: {  	_ =	shalt  }
0x5e: {  	_ =	shalt  }
0x5f: {  	_ =	shalt  }
0x60: {  	_ =	shalt  }
0x61: {  	_ =	shalt  }
0x62: {  	_ =	shalt  }
0x63: {  	_ =	shalt  }
0x64: {  	_ =	shalt  }
0x65: {  	_ =	shalt  }
0x66: {  	_ =	shalt  }
0x67: {  	_ =	shalt  }
0x68: {  	_ =	shalt  }
0x69: {  	_ =	shalt  }
0x6a: {  	_ =	shalt  }
0x6b: {  	_ =	shalt  }
0x6c: {  	_ =	shalt  }
0x6d: {  	_ =	shalt  }
0x6e: {  	_ =	shalt  }
0x6f: {  	_ =	shalt  }
0x70: {  	_ =	shalt  }
0x71: {  	_ =	shalt  }
0x72: {  	_ =	shalt  }
0x73: {  	_ =	shalt  }
0x74: {  	_ =	shalt  }
0x75: {  	_ =	shalt  }
0x76: {  	_ =	shalt  }
0x77: {  	_ =	shalt  }
0x78: {  	_ =	shalt  }
0x79: {  	_ =	shalt  }
0x7a: {  	_ =	shalt  }
0x7b: {  	_ =	shalt  }
0x7c: {  	_ =	shalt  }
0x7d: {  	_ =	shalt  }
0x7e: {  	_ =	shalt  }
0x7f: {  	_ =	shalt  }
0x80: {  	_ =	shalt  }
0x81: {  	_ =	shalt  }
0x82: {  	_ =	shalt  }
0x83: {  	_ =	shalt  }
0x84: {  	_ =	shalt  }
0x85: {  	_ =	shalt  }
0x86: {  	_ =	shalt  }
0x87: {  	_ =	shalt  }
.Lfunc_end0:
.L_simem_size_0:
called_computation_lowered:
.L_overlay_start_0:
0x88: {  	s2 =	sld [smem:$0x3FD9]  }
0x89: {  	s3 =	sld [smem:$0x3FFE];
	_ =	sdelay $0x1  }
0x8a: {  	s1 =	srdreg.scid  }
0x8b: {  	s0 =	sand.u32 $0x1, s1  }
0x8c: {  	s17 =	sshll.u32 s0, $0xA;
	s2 =	sadd.s32 s3, s2  }
0x8d: {  	s2 =	sadd.s32 s2, s17  }
0x8e: {  	[smem:$0x3FC0] =	sst s2  }
0x8f: {  	_ = 	snop  }
0x90: {  	s2 =	sld [smem:$0x3FD0];
	(tm) =	ssettm $0x1  }
0x91: {  	s18 =	sld [smem:$0x3FFB];
	_ =	sdelay $0x3  }
0x92: {  	_ =	strace s18  }
0x93: {  	s3 =	sld [smem:$0x3FFC];
	_ =	sdelay $0x3  }
0x94: {  	_ =	strace s3  }
0x95: {  	s3 =	sld [smem:$0x3FFD];
	_ =	sdelay $0x3  }
0x96: {  	_ =	strace s3  }
0x97: {  	_ =	strace $0x8FFFFFFF  }
0x98: {  	s19 =	sld [smem:$0x3FDB];
	_ =	sdelay $0x1  }
0x99: {  	s4 =	simm.s32 $_scs_section_size  }
0x9a: {  	s5 =	simm.s32 $_size__tile_overlayer_lowered;
	s6 =	simm.s32 $_tile_overlayer_lowered  }
0x9b: {  	s22 =	simm.s32 $0x1BFF;
	s21 =	sshll.u32 s6, $0x1;
	s3 =	sadd.s32 s4, s19  }
0x9c: {  	s7 =	simm.s32 $0x0;
	s20 =	sshll.u32 s5, $0x1;
	s5 =	sadd.s32 s21, s3  }
0x9d: {  	[timem:s7], [sflag:s22] =	dma.local [hbm:s5], s20  }
0x9e: {  	_ =	swait.ge [sflag:s22], s20  }
0x9f: {  	s4 =	ssub.s32 $0x0, s20;
	[sflag:s22] =	ssyncset.done $0x0  }
0xa0: {  	[sflag:s22] =	ssyncadd.s32 s4;
	_ =	sdelay $0x1  }
0xa1: {  	s23 =	simm.s32 $0x1B8B  }
0xa2: {  	_ =	swait.ge [sflag:s23], $0x1  }
0xa3: {  	[sflag:s23] =	ssyncset.done $0x0  }
0xa4: {  	s25 =	simm.s32 $0x1B8E;
	s24 =	sld [smem:$0x3FFE];
	[sflag:s23] =	ssyncadd.s32 $0xFFFFFFFF  }
0xa5: {  	s26 =	simm.s32 $execute0_lowered;
	[smem:$0x3FD2] =	sst s25  }
0xa6: {  	s5 =	sshll.u32 s26, $0x1;
	_ =	strace $0x80000046;
	[dreg:$0x1] =	wrdreg $0xFFFFFFFF  }
0xa7: {  	s28 =	simm.s32 $_size_execute0_lowered;
	s3 =	sadd.s32 s3, s5;
	[dreg:$0x0] =	wrdreg $0x0  }
0xa8: {  	s5 =	sshll.u32 s28, $0x1;
	[dreg:$0x2] =	wrdreg s3  }
0xa9: {  	[dreg:$0x3] =	wrdreg s5  }
0xaa: {  	[dreg:$0x4] =	wrdreg $0xC0  }
0xab: {  	_ =	task [dreg:s7], $0x5FFFF  }
0xac: {  	[dreg:$0x1] =	wrdreg $0xFFFFFFFF  }
0xad: {  	[dreg:$0x0] =	wrdreg $0x60  }
0xae: {  	[dreg:$0x2] =	wrdreg s2  }
0xaf: {  	[dreg:$0x3] =	wrdreg s24  }
0xb0: {  	[dreg:$0x4] =	wrdreg $0x30800  }
0xb1: {  	[dreg:$0x5] =	wrdreg $0x9  }
0xb2: {  	_ =	task.clear_ibuf [dreg:s7], $0x6FFFF;
	_ =	strace $0x90000046  }
0xb3: {  	s29 =	simm.s32 $0x9;
	_ =	strace $0x80000048  }
0xb4: {  	_ =	swait.ge [sflag:s29], $0x1  }
0xb5: {  	[sflag:s29] =	ssyncadd.s32 $0xFFFFFFFF  }
0xb6: {  	_ =	strace $0x90000048  }
0xb7: {  	_ =	sfence  }
0xb8: {  	s30 =	sld [smem:$0x0];
	_ =	sdelay $0x2  }
0xb9: {  	s31 =	sshll.u32 s1, $0xD;
	s1 =	sshrl.u32 s1, $0x2  }
0xba: {  	s3 =	sand.u32 $0x4000, s31;
	s1 =	sadd.s32 s1, s30  }
0xbb: {  	s0 =	sor.u32 s3, s0;
	s1 =	sshll.u32 s1, $0x11  }
0xbc: {  	s0 =	sor.u32 s1, s0  }
0xbd: {  	s0 =	sadd.s32 $0x8F2B, s0  }
0xbe: {  	[sflag:s0] =	ssyncadd.remote.s32 $0x1  }
0xbf: {  	_ =	sfence.sel $0xFFFF  }
0xc0: {  	[dreg:$0x0] =	wrdreg $0xFFFFFFFF;
	(pc) =	sbr.abs _section_cstart, $3  }
0xc1: {  	[dreg:$0x1] =	wrdreg $0xFFFFFFFF  }
0xc2: {  	_ =	task.clear_ibuf [dreg:s7], $0x2FFFF;
	_ =	strace $0x9FFFFFFF  }
0xc3: {  	(tm) =	ssettm $0x7FFFFFFF  }
tec
execute0_lowered:
.L_overlay_start_1:
0x0: {  	(tag) =	ssettag $0x1  }
0x1: {  	s21 =	rddreg [dreg:$0x0]  }
0x2: {  	s3 =	rddreg [dreg:$0x1]  }
0x3: {  	s0 =	srdreg.scid;
	s4 =	rddreg [dreg:$0x2]  }
0x4: {  	s1 =	stileid.u32;
	s2 =	simm.s32 $0x0;
	s25 =	simm.s32 $0x400  }
0x5: {  	s28 =	simm.s32 $0x2C80;
	s29 =	simm.s32 $0x0;
	s19 =	sand.u32 $0x1, s0  }
0x6: {  	s6 =	sshll.u32 s1, $0xA;
	[smem:$0x7FF] =	sst s2;
	s26 =	sshrl.u32 s1, $0x3  }
0x7: {  	s31 =	sshll.u32 s1, $0x7;
	s8 =	sshll.u32 s1, $0xD;
	s23 =	smul.u32 $0x9E0, s1  }
0x8: {  	p0 =	sgt.u32 s1, $0x9;
	s5 =	smul.u32 $0x2800, s19;
	s7 =	ssub.s32 $0x2, s19  }
0x9: {  	_ =	strace $0x80000047;
	s9 =	sand.u32 $0x380, s31;
	s24 =	smul.u32 $0x4F0, s19  }
0xa: {  	s30 =	sshrl.u32 s7, $0x1;
	s23 =	sadd.s32 s23, s21;
	s5 =	sadd.s32 s6, s5  }
0xb: {  	s6 =	smul.u32 $0x50000, s26;
	s22 =	ssub.s32 s7, s30;
	s26 =	simm.s32 $0x2880  }
0xc: {  	s5 =	sshrl.u32 s5, $0x3;
	s21 =	smax.u32 s22, $0x1;
	s22 =	sadd.s32 s24, s23  }
0xd: {  	s23 =	simm.s32 $0x1;
	s24 =	simm.s32 $0x80;
	s6 =	sshrl.u32 s6, $0x2  }
0xe: {  	s20 =	sadd.s32 s5, s3;
	s3 =	sadd.s32 s8, s4;
	s6 =	sadd.s32 s6, s4  }
0xf: {  	s5 =	sadd.s32 $0x80, s3;
	s7 =	sadd.s32 $0x180, s3;
	s8 =	sadd.s32 $0x200, s3  }
.Ltmp0:
0x10: {  	s10 =	sadd.s32 $0x300, s3;
	s11 =	sadd.s32 $0x380, s3;
	(pc) =	sbr.rel .LBB2_1-.Ltmp0, $4  }
0x11: {  	s12 =	sadd.s32 $0x14000, s3;
	s13 =	sadd.s32 $0x14080, s3;
	s14 =	sadd.s32 $0x14100, s3  }
0x12: {  	s15 =	sadd.s32 $0x14180, s3;
	s16 =	sadd.s32 $0x14200, s3;
	s17 =	sadd.s32 $0x14280, s3  }
0x13: {  	s18 =	sadd.s32 $0x14300, s3;
	s19 =	sadd.s32 $0x14380, s3;
	s20 =	sadd.s32 $0x2000, s20  }
0x14: {  	v0 =	vimm.f32 $0.0e+00;
	v1 =	vimm.f32 $1.000000000e+00;
	s4 =	sadd.s32 s9, s6;
	s6 =	sadd.s32 $0x100, s3;
	s9 =	sadd.s32 $0x280, s3  }
.LBB2_40:
0x15: {  	v3 =	vld [tilespmem:s30+$0x2C80];
	_ =	sdelay $0x4  }
0x16: {  	v2 =	vadd.f32 v2, v3;
	_ =	sdelay $0x1  }
0x17: {  	[tilespmem:s30+$0x2C80] =	vst v2  }
0x18: {  	[hbm4b:s20+s2] =	stream.linear.scatter [tilespmem:s28], [sflag:$0x1], $0x400, $0x38;
	[tilespmem:$0x5880] =	vst v63  }
0x19: {  	_ =	swait.ge [sflag:s23], $0x400  }
0x1a: {  	[sflag:s23] =	ssyncset.done $0x0  }
0x1b: {  	[sflag:s23] =	ssyncadd.s32 $0xFFFFFC00  }
.LBB2_41:
0x1c: {  	s29 =	sadd.s32 $0x1, s29  }
0x1d: {  	p1 =	sne.s32 s29, s21  }
.Ltmp1:
0x1e: {  	_ = 	snop;
	(pc) =	sbr.rel @!p1 .LBB2_42-.Ltmp1, $1  }
0x1f: {  	_ =	sdelay $0x3  }
.LBB2_1:
0x20: {  	s30 =	simm.s32 $0x0  }
.LBB2_2:
0x21: {  	p1 =	sne.s32 s30, $0x9FC0  }
.Ltmp2:
0x22: {  	_ = 	snop;
	(pc) =	sbr.rel @p1 .LBB2_2-.Ltmp2, $3  }
0x23: {  	_ =	sdelay $0x1  }
0x24: {  	s31 =	sshra.s32 s30, $0x2  }
0x25: {  	s30 =	sadd.s32 $0x40, s30;
	[tilespmem:s31+$0x80] =	vst v0  }
0x26: {  	s30 =	simm.s32 $0x0  }
.LBB2_4:
0x27: {  	s31 =	sadd.s32 s30, s22  }
0x28: {  	[tilespmem:s2], [sflag:$0x1] =	stream.linear.gather [hbm4b:s31+s2], $0x80, $0x38;
	[tilespmem:$0x5880] =	vst v63  }
0x29: {  	_ =	swait.ge [sflag:s23], $0x80  }
0x2a: {  	[sflag:s23] =	ssyncset.done $0x0  }
0x2b: {  	[sflag:s23] =	ssyncadd.s32 $0xFFFFFF80  }
0x2c: {  	v2 =	vld [tilespmem:$0x0];
	_ =	sdelay $0x7  }
0x2d: {  	[tilespmem:v2+s24+$0x0] =	vst.idx.add.f32.msk $0xffff, v1  }
0x2e: {  	v2 =	vld [tilespmem:$0x10];
	_ =	sdelay $0x7  }
0x2f: {  	[tilespmem:v2+s24+$0x0] =	vst.idx.add.f32.msk $0xffff, v1  }
0x30: {  	v2 =	vld [tilespmem:$0x20];
	_ =	sdelay $0x7  }
0x31: {  	[tilespmem:v2+s24+$0x0] =	vst.idx.add.f32.msk $0xffff, v1  }
0x32: {  	v2 =	vld [tilespmem:$0x30];
	_ =	sdelay $0x7  }
0x33: {  	[tilespmem:v2+s24+$0x0] =	vst.idx.add.f32.msk $0xffff, v1  }
0x34: {  	v2 =	vld [tilespmem:$0x40];
	_ =	sdelay $0x7  }
0x35: {  	[tilespmem:v2+s24+$0x0] =	vst.idx.add.f32.msk $0xffff, v1  }
0x36: {  	v2 =	vld [tilespmem:$0x50];
	_ =	sdelay $0x7  }
0x37: {  	[tilespmem:v2+s24+$0x0] =	vst.idx.add.f32.msk $0xffff, v1  }
0x38: {  	v2 =	vld [tilespmem:$0x60];
	_ =	sdelay $0x7  }
0x39: {  	[tilespmem:v2+s24+$0x0] =	vst.idx.add.f32.msk $0xffff, v1  }
0x3a: {  	v2 =	vld [tilespmem:$0x70];
	_ =	sdelay $0x2  }
0x3b: {  	p1 =	sne.s32 s30, $0x4E0  }
.Ltmp3:
0x3c: {  	_ = 	snop;
	(pc) =	sbr.rel @p1 .LBB2_4-.Ltmp3, $2  }
0x3d: {  	_ =	sdelay $0x2  }
0x3e: {  	s30 =	sadd.s32 $0x10, s30;
	[tilespmem:v2+s24+$0x0] =	vst.idx.add.f32.msk $0xffff, v1  }
0x3f: {  	[spmem:s4] =	stream.strided.scatter [tilespmem:s24], [sflag:$0x1], $0x2800, s25, s24, $0x38;
	[tilespmem:$0x5880] =	vst v63  }
.Ltmp4:
0x40: {  	_ =	swait.ge [sflag:s23], $0x2800;
	(pc) =	sbr.rel @p0 .LBB2_41-.Ltmp4, $3  }
0x41: {  	[sflag:s23] =	ssyncset.done $0x0  }
0x42: {  	[sflag:s23] =	ssyncadd.s32 $0xFFFFD800  }
0x43: {  	[bflag:$0x0] =	sbarrier.arrive $0xFFFF;
	_ =	sdelay $0x1  }
0x44: {  	s30 =	simm.s32 $0x40;
	s31 =	simm.s32 $0x0  }
.LBB2_7:
0x45: {  	p1 =	sne.s32 s30, $0xFC0;
	[tilespmem:s31+$0x2C80] =	vst v0;
	s31 =	smov.u32 s30;
	s30 =	sadd.s32 $0x40, s30  }
.Ltmp5:
0x46: {  	(pc) =	sbr.rel @p1 .LBB2_7-.Ltmp5, $2  }
0x47: {  	_ =	sdelay $0x2  }
0x48: {  	s31 =	sshra.s32 s31, $0x2  }
0x49: {  	[tilespmem:s31+$0x2C80] =	vst v0  }
0x4a: {  	[tilespmem:s26], [sflag:$0x1] =	stream.strided.gather [spmem:s3], $0x400, s25, s24, $0x38;
	[tilespmem:$0x5880] =	vst v63  }
0x4b: {  	_ =	swait.ge [sflag:s23], $0x400  }
0x4c: {  	[sflag:s23] =	ssyncset.done $0x0  }
0x4d: {  	s30 =	simm.s32 $0x0;
	[sflag:s23] =	ssyncadd.s32 $0xFFFFFC00  }
0x4e: {  	s31 =	simm.s32 $0x40;
	v2 =	vld [tilespmem:s30+$0x2880]  }
.LBB2_9:
0x4f: {  	p1 =	sne.s32 s31, $0xFC0;
	v3 =	vld [tilespmem:s30+$0x2C80];
	_ =	sdelay $0x2  }
.Ltmp6:
0x50: {  	(pc) =	sbr.rel @p1 .LBB2_9-.Ltmp6, $4  }
0x51: {  	_ = 	snop  }
0x52: {  	v3 =	vadd.f32 v2, v3  }
0x53: {  	s0 =	sshra.s32 s31, $0x2  }
0x54: {  	s31 =	sadd.s32 $0x40, s31;
	v2 =	vld [tilespmem:s0+$0x2880];
	[tilespmem:s30+$0x2C80] =	vst v3;
	s30 =	smov.u32 s0  }
0x55: {  	v3 =	vld [tilespmem:s30+$0x2C80];
	_ =	sdelay $0x4  }
0x56: {  	v2 =	vadd.f32 v2, v3;
	_ =	sdelay $0x1  }
0x57: {  	[tilespmem:s30+$0x2C80] =	vst v2  }
0x58: {  	[tilespmem:s26], [sflag:$0x1] =	stream.strided.gather [spmem:s5], $0x400, s25, s24, $0x38;
	[tilespmem:$0x5880] =	vst v63  }
0x59: {  	_ =	swait.ge [sflag:s23], $0x400  }
0x5a: {  	[sflag:s23] =	ssyncset.done $0x0  }
0x5b: {  	s30 =	simm.s32 $0x0;
	[sflag:s23] =	ssyncadd.s32 $0xFFFFFC00  }
0x5c: {  	s31 =	simm.s32 $0x40;
	v2 =	vld [tilespmem:s30+$0x2880]  }
.LBB2_11:
0x5d: {  	p1 =	sne.s32 s31, $0xFC0;
	v3 =	vld [tilespmem:s30+$0x2C80];
	_ =	sdelay $0x2  }
.Ltmp7:
0x5e: {  	(pc) =	sbr.rel @p1 .LBB2_11-.Ltmp7, $4  }
0x5f: {  	_ = 	snop  }
0x60: {  	v3 =	vadd.f32 v2, v3  }
0x61: {  	s0 =	sshra.s32 s31, $0x2  }
0x62: {  	s31 =	sadd.s32 $0x40, s31;
	v2 =	vld [tilespmem:s0+$0x2880];
	[tilespmem:s30+$0x2C80] =	vst v3;
	s30 =	smov.u32 s0  }
0x63: {  	v3 =	vld [tilespmem:s30+$0x2C80];
	_ =	sdelay $0x4  }
0x64: {  	v2 =	vadd.f32 v2, v3;
	_ =	sdelay $0x1  }
0x65: {  	[tilespmem:s30+$0x2C80] =	vst v2  }
0x66: {  	[tilespmem:s26], [sflag:$0x1] =	stream.strided.gather [spmem:s6], $0x400, s25, s24, $0x38;
	[tilespmem:$0x5880] =	vst v63  }
0x67: {  	_ =	swait.ge [sflag:s23], $0x400  }
0x68: {  	[sflag:s23] =	ssyncset.done $0x0  }
0x69: {  	s30 =	simm.s32 $0x0;
	[sflag:s23] =	ssyncadd.s32 $0xFFFFFC00  }
0x6a: {  	s31 =	simm.s32 $0x40;
	v2 =	vld [tilespmem:s30+$0x2880]  }
.LBB2_13:
0x6b: {  	p1 =	sne.s32 s31, $0xFC0;
	v3 =	vld [tilespmem:s30+$0x2C80];
	_ =	sdelay $0x2  }
.Ltmp8:
0x6c: {  	(pc) =	sbr.rel @p1 .LBB2_13-.Ltmp8, $4  }
0x6d: {  	_ = 	snop  }
0x6e: {  	v3 =	vadd.f32 v2, v3  }
0x6f: {  	s0 =	sshra.s32 s31, $0x2  }
0x70: {  	s31 =	sadd.s32 $0x40, s31;
	v2 =	vld [tilespmem:s0+$0x2880];
	[tilespmem:s30+$0x2C80] =	vst v3;
	s30 =	smov.u32 s0  }
0x71: {  	v3 =	vld [tilespmem:s30+$0x2C80];
	_ =	sdelay $0x4  }
0x72: {  	v2 =	vadd.f32 v2, v3;
	_ =	sdelay $0x1  }
0x73: {  	[tilespmem:s30+$0x2C80] =	vst v2  }
0x74: {  	[tilespmem:s26], [sflag:$0x1] =	stream.strided.gather [spmem:s7], $0x400, s25, s24, $0x38;
	[tilespmem:$0x5880] =	vst v63  }
0x75: {  	_ =	swait.ge [sflag:s23], $0x400  }
0x76: {  	[sflag:s23] =	ssyncset.done $0x0  }
0x77: {  	s30 =	simm.s32 $0x0;
	[sflag:s23] =	ssyncadd.s32 $0xFFFFFC00  }
0x78: {  	s31 =	simm.s32 $0x40;
	v2 =	vld [tilespmem:s30+$0x2880]  }
.LBB2_15:
0x79: {  	p1 =	sne.s32 s31, $0xFC0;
	v3 =	vld [tilespmem:s30+$0x2C80];
	_ =	sdelay $0x2  }
.Ltmp9:
0x7a: {  	(pc) =	sbr.rel @p1 .LBB2_15-.Ltmp9, $4  }
0x7b: {  	_ = 	snop  }
0x7c: {  	v3 =	vadd.f32 v2, v3  }
0x7d: {  	s0 =	sshra.s32 s31, $0x2  }
0x7e: {  	s31 =	sadd.s32 $0x40, s31;
	v2 =	vld [tilespmem:s0+$0x2880];
	[tilespmem:s30+$0x2C80] =	vst v3;
	s30 =	smov.u32 s0  }
0x7f: {  	v3 =	vld [tilespmem:s30+$0x2C80];
	_ =	sdelay $0x4  }
0x80: {  	v2 =	vadd.f32 v2, v3;
	_ =	sdelay $0x1  }
0x81: {  	[tilespmem:s30+$0x2C80] =	vst v2  }
0x82: {  	[tilespmem:s26], [sflag:$0x1] =	stream.strided.gather [spmem:s8], $0x400, s25, s24, $0x38;
	[tilespmem:$0x5880] =	vst v63  }
0x83: {  	_ =	swait.ge [sflag:s23], $0x400  }
0x84: {  	[sflag:s23] =	ssyncset.done $0x0  }
0x85: {  	s30 =	simm.s32 $0x0;
	[sflag:s23] =	ssyncadd.s32 $0xFFFFFC00  }
0x86: {  	s31 =	simm.s32 $0x40;
	v2 =	vld [tilespmem:s30+$0x2880]  }
.LBB2_17:
0x87: {  	p1 =	sne.s32 s31, $0xFC0;
	v3 =	vld [tilespmem:s30+$0x2C80];
	_ =	sdelay $0x2  }
.Ltmp10:
0x88: {  	(pc) =	sbr.rel @p1 .LBB2_17-.Ltmp10, $4  }
0x89: {  	_ = 	snop  }
0x8a: {  	v3 =	vadd.f32 v2, v3  }
0x8b: {  	s0 =	sshra.s32 s31, $0x2  }
0x8c: {  	s31 =	sadd.s32 $0x40, s31;
	v2 =	vld [tilespmem:s0+$0x2880];
	[tilespmem:s30+$0x2C80] =	vst v3;
	s30 =	smov.u32 s0  }
0x8d: {  	v3 =	vld [tilespmem:s30+$0x2C80];
	_ =	sdelay $0x4  }
0x8e: {  	v2 =	vadd.f32 v2, v3;
	_ =	sdelay $0x1  }
0x8f: {  	[tilespmem:s30+$0x2C80] =	vst v2  }
0x90: {  	[tilespmem:s26], [sflag:$0x1] =	stream.strided.gather [spmem:s9], $0x400, s25, s24, $0x38;
	[tilespmem:$0x5880] =	vst v63  }
0x91: {  	_ =	swait.ge [sflag:s23], $0x400  }
0x92: {  	[sflag:s23] =	ssyncset.done $0x0  }
0x93: {  	s30 =	simm.s32 $0x0;
	[sflag:s23] =	ssyncadd.s32 $0xFFFFFC00  }
0x94: {  	s31 =	simm.s32 $0x40;
	v2 =	vld [tilespmem:s30+$0x2880]  }
.LBB2_19:
0x95: {  	p1 =	sne.s32 s31, $0xFC0;
	v3 =	vld [tilespmem:s30+$0x2C80];
	_ =	sdelay $0x2  }
.Ltmp11:
0x96: {  	(pc) =	sbr.rel @p1 .LBB2_19-.Ltmp11, $4  }
0x97: {  	_ = 	snop  }
0x98: {  	v3 =	vadd.f32 v2, v3  }
0x99: {  	s0 =	sshra.s32 s31, $0x2  }
0x9a: {  	s31 =	sadd.s32 $0x40, s31;
	v2 =	vld [tilespmem:s0+$0x2880];
	[tilespmem:s30+$0x2C80] =	vst v3;
	s30 =	smov.u32 s0  }
0x9b: {  	v3 =	vld [tilespmem:s30+$0x2C80];
	_ =	sdelay $0x4  }
0x9c: {  	v2 =	vadd.f32 v2, v3;
	_ =	sdelay $0x1  }
0x9d: {  	[tilespmem:s30+$0x2C80] =	vst v2  }
0x9e: {  	[tilespmem:s26], [sflag:$0x1] =	stream.strided.gather [spmem:s10], $0x400, s25, s24, $0x38;
	[tilespmem:$0x5880] =	vst v63  }
0x9f: {  	_ =	swait.ge [sflag:s23], $0x400  }
0xa0: {  	[sflag:s23] =	ssyncset.done $0x0  }
0xa1: {  	s30 =	simm.s32 $0x0;
	[sflag:s23] =	ssyncadd.s32 $0xFFFFFC00  }
0xa2: {  	s31 =	simm.s32 $0x40;
	v2 =	vld [tilespmem:s30+$0x2880]  }
.LBB2_21:
0xa3: {  	p1 =	sne.s32 s31, $0xFC0;
	v3 =	vld [tilespmem:s30+$0x2C80];
	_ =	sdelay $0x2  }
.Ltmp12:
0xa4: {  	(pc) =	sbr.rel @p1 .LBB2_21-.Ltmp12, $4  }
0xa5: {  	_ = 	snop  }
0xa6: {  	v3 =	vadd.f32 v2, v3  }
0xa7: {  	s0 =	sshra.s32 s31, $0x2  }
0xa8: {  	s31 =	sadd.s32 $0x40, s31;
	v2 =	vld [tilespmem:s0+$0x2880];
	[tilespmem:s30+$0x2C80] =	vst v3;
	s30 =	smov.u32 s0  }
0xa9: {  	v3 =	vld [tilespmem:s30+$0x2C80];
	_ =	sdelay $0x4  }
0xaa: {  	v2 =	vadd.f32 v2, v3;
	_ =	sdelay $0x1  }
0xab: {  	[tilespmem:s30+$0x2C80] =	vst v2  }
0xac: {  	[tilespmem:s26], [sflag:$0x1] =	stream.strided.gather [spmem:s11], $0x400, s25, s24, $0x38;
	[tilespmem:$0x5880] =	vst v63  }
0xad: {  	_ =	swait.ge [sflag:s23], $0x400  }
0xae: {  	[sflag:s23] =	ssyncset.done $0x0  }
0xaf: {  	s30 =	simm.s32 $0x0;
	[sflag:s23] =	ssyncadd.s32 $0xFFFFFC00  }
0xb0: {  	s31 =	simm.s32 $0x40;
	v2 =	vld [tilespmem:s30+$0x2880]  }
.LBB2_23:
0xb1: {  	p1 =	sne.s32 s31, $0xFC0;
	v3 =	vld [tilespmem:s30+$0x2C80];
	_ =	sdelay $0x2  }
.Ltmp13:
0xb2: {  	(pc) =	sbr.rel @p1 .LBB2_23-.Ltmp13, $4  }
0xb3: {  	_ = 	snop  }
0xb4: {  	v3 =	vadd.f32 v2, v3  }
0xb5: {  	s0 =	sshra.s32 s31, $0x2  }
0xb6: {  	s31 =	sadd.s32 $0x40, s31;
	v2 =	vld [tilespmem:s0+$0x2880];
	[tilespmem:s30+$0x2C80] =	vst v3;
	s30 =	smov.u32 s0  }
0xb7: {  	v3 =	vld [tilespmem:s30+$0x2C80];
	_ =	sdelay $0x4  }
0xb8: {  	v2 =	vadd.f32 v2, v3;
	_ =	sdelay $0x1  }
0xb9: {  	[tilespmem:s30+$0x2C80] =	vst v2  }
0xba: {  	[tilespmem:s26], [sflag:$0x1] =	stream.strided.gather [spmem:s12], $0x400, s25, s24, $0x38;
	[tilespmem:$0x5880] =	vst v63  }
0xbb: {  	_ =	swait.ge [sflag:s23], $0x400  }
0xbc: {  	[sflag:s23] =	ssyncset.done $0x0  }
0xbd: {  	s30 =	simm.s32 $0x0;
	[sflag:s23] =	ssyncadd.s32 $0xFFFFFC00  }
0xbe: {  	s31 =	simm.s32 $0x40;
	v2 =	vld [tilespmem:s30+$0x2880]  }
.LBB2_25:
0xbf: {  	p1 =	sne.s32 s31, $0xFC0;
	v3 =	vld [tilespmem:s30+$0x2C80];
	_ =	sdelay $0x2  }
.Ltmp14:
0xc0: {  	(pc) =	sbr.rel @p1 .LBB2_25-.Ltmp14, $4  }
0xc1: {  	_ = 	snop  }
0xc2: {  	v3 =	vadd.f32 v2, v3  }
0xc3: {  	s0 =	sshra.s32 s31, $0x2  }
0xc4: {  	s31 =	sadd.s32 $0x40, s31;
	v2 =	vld [tilespmem:s0+$0x2880];
	[tilespmem:s30+$0x2C80] =	vst v3;
	s30 =	smov.u32 s0  }
0xc5: {  	v3 =	vld [tilespmem:s30+$0x2C80];
	_ =	sdelay $0x4  }
0xc6: {  	v2 =	vadd.f32 v2, v3;
	_ =	sdelay $0x1  }
0xc7: {  	[tilespmem:s30+$0x2C80] =	vst v2  }
0xc8: {  	[tilespmem:s26], [sflag:$0x1] =	stream.strided.gather [spmem:s13], $0x400, s25, s24, $0x38;
	[tilespmem:$0x5880] =	vst v63  }
0xc9: {  	_ =	swait.ge [sflag:s23], $0x400  }
0xca: {  	[sflag:s23] =	ssyncset.done $0x0  }
0xcb: {  	s30 =	simm.s32 $0x0;
	[sflag:s23] =	ssyncadd.s32 $0xFFFFFC00  }
0xcc: {  	s31 =	simm.s32 $0x40;
	v2 =	vld [tilespmem:s30+$0x2880]  }
.LBB2_27:
0xcd: {  	p1 =	sne.s32 s31, $0xFC0;
	v3 =	vld [tilespmem:s30+$0x2C80];
	_ =	sdelay $0x2  }
.Ltmp15:
0xce: {  	(pc) =	sbr.rel @p1 .LBB2_27-.Ltmp15, $4  }
0xcf: {  	_ = 	snop  }
0xd0: {  	v3 =	vadd.f32 v2, v3  }
0xd1: {  	s0 =	sshra.s32 s31, $0x2  }
0xd2: {  	s31 =	sadd.s32 $0x40, s31;
	v2 =	vld [tilespmem:s0+$0x2880];
	[tilespmem:s30+$0x2C80] =	vst v3;
	s30 =	smov.u32 s0  }
0xd3: {  	v3 =	vld [tilespmem:s30+$0x2C80];
	_ =	sdelay $0x4  }
0xd4: {  	v2 =	vadd.f32 v2, v3;
	_ =	sdelay $0x1  }
0xd5: {  	[tilespmem:s30+$0x2C80] =	vst v2  }
0xd6: {  	[tilespmem:s26], [sflag:$0x1] =	stream.strided.gather [spmem:s14], $0x400, s25, s24, $0x38;
	[tilespmem:$0x5880] =	vst v63  }
0xd7: {  	_ =	swait.ge [sflag:s23], $0x400  }
0xd8: {  	[sflag:s23] =	ssyncset.done $0x0  }
0xd9: {  	s30 =	simm.s32 $0x0;
	[sflag:s23] =	ssyncadd.s32 $0xFFFFFC00  }
0xda: {  	s31 =	simm.s32 $0x40;
	v2 =	vld [tilespmem:s30+$0x2880]  }
.LBB2_29:
0xdb: {  	p1 =	sne.s32 s31, $0xFC0;
	v3 =	vld [tilespmem:s30+$0x2C80];
	_ =	sdelay $0x2  }
.Ltmp16:
0xdc: {  	(pc) =	sbr.rel @p1 .LBB2_29-.Ltmp16, $4  }
0xdd: {  	_ = 	snop  }
0xde: {  	v3 =	vadd.f32 v2, v3  }
0xdf: {  	s0 =	sshra.s32 s31, $0x2  }
0xe0: {  	s31 =	sadd.s32 $0x40, s31;
	v2 =	vld [tilespmem:s0+$0x2880];
	[tilespmem:s30+$0x2C80] =	vst v3;
	s30 =	smov.u32 s0  }
0xe1: {  	v3 =	vld [tilespmem:s30+$0x2C80];
	_ =	sdelay $0x4  }
0xe2: {  	v2 =	vadd.f32 v2, v3;
	_ =	sdelay $0x1  }
0xe3: {  	[tilespmem:s30+$0x2C80] =	vst v2  }
0xe4: {  	[tilespmem:s26], [sflag:$0x1] =	stream.strided.gather [spmem:s15], $0x400, s25, s24, $0x38;
	[tilespmem:$0x5880] =	vst v63  }
0xe5: {  	_ =	swait.ge [sflag:s23], $0x400  }
0xe6: {  	[sflag:s23] =	ssyncset.done $0x0  }
0xe7: {  	s30 =	simm.s32 $0x0;
	[sflag:s23] =	ssyncadd.s32 $0xFFFFFC00  }
0xe8: {  	s31 =	simm.s32 $0x40;
	v2 =	vld [tilespmem:s30+$0x2880]  }
.LBB2_31:
0xe9: {  	p1 =	sne.s32 s31, $0xFC0;
	v3 =	vld [tilespmem:s30+$0x2C80];
	_ =	sdelay $0x2  }
.Ltmp17:
0xea: {  	(pc) =	sbr.rel @p1 .LBB2_31-.Ltmp17, $4  }
0xeb: {  	_ = 	snop  }
0xec: {  	v3 =	vadd.f32 v2, v3  }
0xed: {  	s0 =	sshra.s32 s31, $0x2  }
0xee: {  	s31 =	sadd.s32 $0x40, s31;
	v2 =	vld [tilespmem:s0+$0x2880];
	[tilespmem:s30+$0x2C80] =	vst v3;
	s30 =	smov.u32 s0  }
0xef: {  	v3 =	vld [tilespmem:s30+$0x2C80];
	_ =	sdelay $0x4  }
0xf0: {  	v2 =	vadd.f32 v2, v3;
	_ =	sdelay $0x1  }
0xf1: {  	[tilespmem:s30+$0x2C80] =	vst v2  }
0xf2: {  	[tilespmem:s26], [sflag:$0x1] =	stream.strided.gather [spmem:s16], $0x400, s25, s24, $0x38;
	[tilespmem:$0x5880] =	vst v63  }
0xf3: {  	_ =	swait.ge [sflag:s23], $0x400  }
0xf4: {  	[sflag:s23] =	ssyncset.done $0x0  }
0xf5: {  	s30 =	simm.s32 $0x0;
	[sflag:s23] =	ssyncadd.s32 $0xFFFFFC00  }
0xf6: {  	s31 =	simm.s32 $0x40;
	v2 =	vld [tilespmem:s30+$0x2880]  }
.LBB2_33:
0xf7: {  	p1 =	sne.s32 s31, $0xFC0;
	v3 =	vld [tilespmem:s30+$0x2C80];
	_ =	sdelay $0x2  }
.Ltmp18:
0xf8: {  	(pc) =	sbr.rel @p1 .LBB2_33-.Ltmp18, $4  }
0xf9: {  	_ = 	snop  }
0xfa: {  	v3 =	vadd.f32 v2, v3  }
0xfb: {  	s0 =	sshra.s32 s31, $0x2  }
0xfc: {  	s31 =	sadd.s32 $0x40, s31;
	v2 =	vld [tilespmem:s0+$0x2880];
	[tilespmem:s30+$0x2C80] =	vst v3;
	s30 =	smov.u32 s0  }
0xfd: {  	v3 =	vld [tilespmem:s30+$0x2C80];
	_ =	sdelay $0x4  }
0xfe: {  	v2 =	vadd.f32 v2, v3;
	_ =	sdelay $0x1  }
0xff: {  	[tilespmem:s30+$0x2C80] =	vst v2  }
0x100: {  	[tilespmem:s26], [sflag:$0x1] =	stream.strided.gather [spmem:s17], $0x400, s25, s24, $0x38;
	[tilespmem:$0x5880] =	vst v63  }
0x101: {  	_ =	swait.ge [sflag:s23], $0x400  }
0x102: {  	[sflag:s23] =	ssyncset.done $0x0  }
0x103: {  	s30 =	simm.s32 $0x0;
	[sflag:s23] =	ssyncadd.s32 $0xFFFFFC00  }
0x104: {  	s31 =	simm.s32 $0x40;
	v2 =	vld [tilespmem:s30+$0x2880]  }
.LBB2_35:
0x105: {  	p1 =	sne.s32 s31, $0xFC0;
	v3 =	vld [tilespmem:s30+$0x2C80];
	_ =	sdelay $0x2  }
.Ltmp19:
0x106: {  	(pc) =	sbr.rel @p1 .LBB2_35-.Ltmp19, $4  }
0x107: {  	_ = 	snop  }
0x108: {  	v3 =	vadd.f32 v2, v3  }
0x109: {  	s0 =	sshra.s32 s31, $0x2  }
0x10a: {  	s31 =	sadd.s32 $0x40, s31;
	v2 =	vld [tilespmem:s0+$0x2880];
	[tilespmem:s30+$0x2C80] =	vst v3;
	s30 =	smov.u32 s0  }
0x10b: {  	v3 =	vld [tilespmem:s30+$0x2C80];
	_ =	sdelay $0x4  }
0x10c: {  	v2 =	vadd.f32 v2, v3;
	_ =	sdelay $0x1  }
0x10d: {  	[tilespmem:s30+$0x2C80] =	vst v2  }
0x10e: {  	[tilespmem:s26], [sflag:$0x1] =	stream.strided.gather [spmem:s18], $0x400, s25, s24, $0x38;
	[tilespmem:$0x5880] =	vst v63  }
0x10f: {  	_ =	swait.ge [sflag:s23], $0x400  }
0x110: {  	[sflag:s23] =	ssyncset.done $0x0  }
0x111: {  	s30 =	simm.s32 $0x0;
	[sflag:s23] =	ssyncadd.s32 $0xFFFFFC00  }
0x112: {  	s31 =	simm.s32 $0x40;
	v2 =	vld [tilespmem:s30+$0x2880]  }
.LBB2_37:
0x113: {  	p1 =	sne.s32 s31, $0xFC0;
	v3 =	vld [tilespmem:s30+$0x2C80];
	_ =	sdelay $0x2  }
.Ltmp20:
0x114: {  	(pc) =	sbr.rel @p1 .LBB2_37-.Ltmp20, $4  }
0x115: {  	_ = 	snop  }
0x116: {  	v3 =	vadd.f32 v2, v3  }
0x117: {  	s0 =	sshra.s32 s31, $0x2  }
0x118: {  	s31 =	sadd.s32 $0x40, s31;
	v2 =	vld [tilespmem:s0+$0x2880];
	[tilespmem:s30+$0x2C80] =	vst v3;
	s30 =	smov.u32 s0  }
0x119: {  	v3 =	vld [tilespmem:s30+$0x2C80];
	_ =	sdelay $0x4  }
0x11a: {  	v2 =	vadd.f32 v2, v3;
	_ =	sdelay $0x1  }
0x11b: {  	[tilespmem:s30+$0x2C80] =	vst v2  }
0x11c: {  	[tilespmem:s26], [sflag:$0x1] =	stream.strided.gather [spmem:s19], $0x400, s25, s24, $0x38;
	[tilespmem:$0x5880] =	vst v63  }
0x11d: {  	_ =	swait.ge [sflag:s23], $0x400  }
0x11e: {  	[sflag:s23] =	ssyncset.done $0x0  }
0x11f: {  	s30 =	simm.s32 $0x0;
	[sflag:s23] =	ssyncadd.s32 $0xFFFFFC00  }
0x120: {  	s31 =	simm.s32 $0x40;
	v2 =	vld [tilespmem:s30+$0x2880]  }
.LBB2_39:
0x121: {  	p1 =	sne.s32 s31, $0xFC0;
	v3 =	vld [tilespmem:s30+$0x2C80];
	_ =	sdelay $0x2  }
.Ltmp21:
0x122: {  	(pc) =	sbr.rel @p1 .LBB2_39-.Ltmp21, $4  }
0x123: {  	_ = 	snop  }
0x124: {  	v3 =	vadd.f32 v2, v3  }
0x125: {  	s0 =	sshra.s32 s31, $0x2  }
0x126: {  	s31 =	sadd.s32 $0x40, s31;
	v2 =	vld [tilespmem:s0+$0x2880];
	[tilespmem:s30+$0x2C80] =	vst v3;
	s30 =	smov.u32 s0  }
.Ltmp22:
0x127: {  	_ = 	snop;
	(pc) =	sbr.rel .LBB2_40-.Ltmp22, $1  }
0x128: {  	_ =	sdelay $0x3  }
.LBB2_42:
0x129: {  	_ =	sfence.sel $0x180000  }
0x12a: {  	[bflag:$0x0] =	sbarrier.arrive $0xFFFF  }
0x12b: {  	_ =	strace $0x90000047  }
0x12c: {  	[bflag:$0x2] =	sbarrier.arrive $0xFFFF  }
0x12d: {  	p0 =	sne.s32 s1, $0x0;
	s0 =	rddreg [dreg:$0x3]  }
0x12e: {  	s0 =	sadd.s32 @!p0 $0x100000, s0  }
0x12f: {  	[sflag:s0] =	ssyncadd.tile.s32 @!p0 $0x1;
	_ =	shalt  }
.Lfunc_end2:
_tile_overlayer_lowered:
.L_overlay_start_2:
0x130: {  	(tag) =	ssettag $0x2  }
0x131: {  	s0 =	rddreg [dreg:$0x0];
	s2 =	stileid.u32  }
0x132: {  	s1 =	rddreg [dreg:$0x1];
	p0 =	sne.s32 s2, $0x0  }
0x133: {  	s3 =	rddreg [dreg:$0x2];
	[bflag:$0x3] =	sbarrier.arrive $0xFFFF;
	s2 =	simm.s32 @!p0 $0x1C01  }
0x134: {  	[timem:s3], [sflag:s2] =	dma.local @!p0 [hbm:s0], s1  }
0x135: {  	s0 =	simm.s32 @!p0 $0x1  }
0x136: {  	_ =	swait.ge @!p0 [sflag:s0], s1  }
0x137: {  	s1 =	ssub.s32 @!p0 $0x0, s1;
	[sflag:s0] =	ssyncset.done @!p0 $0x0  }
0x138: {  	[sflag:s0] =	ssyncadd.s32 @!p0 s1  }
0x139: {  	[bflag:$0x3] =	sbarrier.arrive $0xFFFF  }
0x13a: {  	_ =	shalt  }

</sc_bundles>
